<compile_context>
chip_gen: v7x
topology: tpu7x:2x2x1
jax: 0.10.2.dev20260603
libtpu: 0.0.44.dev20260713+nightly
codegen_flags: <defaults>
</compile_context>

<pallas_src>
import jax
import jax.numpy as jnp
from jax import lax
from jax.experimental import pallas as pl
from jax.experimental.pallas import tpu as pltpu
from jax.experimental.pallas import tpu_sc as plsc

NC = 2
NS = 16
NW = NC * NS
CHUNK = 16
BR = 400
LN_EPS = 1e-12


def _make_sc_gather(n_rows, d):
    rows_per_w = n_rows // NW
    n_chunks = rows_per_w // CHUNK

    def body(idx_hbm, word_hbm, out_hbm, idx_v, rows0_v, rows1_v,
             gsem0, gsem1, ssem0, ssem1):
        bufs = (rows0_v, rows1_v)
        gsems = (gsem0, gsem1)
        ssems = (ssem0, ssem1)
        wid = lax.axis_index("s") * NC + lax.axis_index("c")
        base_row = wid * rows_per_w

        pltpu.sync_copy(idx_hbm.at[wid], idx_v)

        def start_gather(c, b):
            pltpu.async_copy(word_hbm.at[idx_v.at[c]], bufs[b], gsems[b])

        def wait_gather(c, b):
            pltpu.make_async_copy(word_hbm.at[idx_v.at[c]], bufs[b],
                                  gsems[b]).wait()

        def start_store(c, b):
            pltpu.async_copy(
                bufs[b], out_hbm.at[pl.ds(base_row + c * CHUNK, CHUNK)],
                ssems[b])

        def wait_store(c, b):
            pltpu.make_async_copy(
                bufs[b], out_hbm.at[pl.ds(base_row + c * CHUNK, CHUNK)],
                ssems[b]).wait()

        start_gather(0, 0)

        def outer(i, _):
            c0 = i * 2
            for b in range(2):
                c = c0 + b

                @pl.when(c + 1 < n_chunks)
                def _():
                    @pl.when(c >= 1)
                    def _():
                        wait_store(c - 1, 1 - b)
                    start_gather(c + 1, 1 - b)

                wait_gather(c, b)
                start_store(c, b)
            return 0

        lax.fori_loop(0, n_chunks // 2, outer, 0)
        wait_store(n_chunks - 2, 0)
        wait_store(n_chunks - 1, 1)

    return pl.kernel(
        body,
        out_type=jax.ShapeDtypeStruct((n_rows, d), jnp.float32),
        mesh=plsc.VectorSubcoreMesh(core_axis_name="c", subcore_axis_name="s"),
        scratch_types=[
            pltpu.VMEM((n_chunks, CHUNK), jnp.int32),
            pltpu.VMEM((CHUNK, d), jnp.float32),
            pltpu.VMEM((CHUNK, d), jnp.float32),
            pltpu.SemaphoreType.DMA,
            pltpu.SemaphoreType.DMA,
            pltpu.SemaphoreType.DMA,
            pltpu.SemaphoreType.DMA,
        ],
    )


def _tc_ln(x_ref, pe_ref, tt_ref, g_ref, b_ref, o_ref):
    h = x_ref[...] + pe_ref[0] + tt_ref[0:1, :]
    mu = jnp.mean(h, axis=1, keepdims=True)
    var = jnp.mean((h - mu) * (h - mu), axis=1, keepdims=True)
    o_ref[...] = ((h - mu) * lax.rsqrt(var + LN_EPS)) * g_ref[0:1, :] \
        + b_ref[0:1, :]


def _tc_ln_acc(x_ref, pe_ref, tt_ref, g_ref, b_ref, prev_ref, o_ref):
    del prev_ref
    _tc_ln(x_ref, pe_ref, tt_ref, g_ref, b_ref, o_ref)


NSLICE = 5


@jax.jit
def _run(x_i32, word_emb, pos_emb, tt_emb, ln_gamma, ln_beta):
    n_seq, seq_len = x_i32.shape
    d = word_emb.shape[1]
    n_rows = n_seq * seq_len

    x_pm = x_i32.T
    pe3 = pos_emb.reshape(seq_len, 1, d)
    g2 = ln_gamma.reshape(1, d)
    b2 = ln_beta.reshape(1, d)

    sl_len = seq_len // NSLICE
    sl_rows = sl_len * n_seq
    sc = _make_sc_gather(sl_rows, d)

    gathered = [
        sc(x_pm[s * sl_len:(s + 1) * sl_len]
           .reshape(NW, sl_rows // NW // CHUNK, CHUNK), word_emb)
        for s in range(NSLICE)
    ]

    out = None
    for s in range(NSLICE):
        off = s * sl_len
        in_specs = [
            pl.BlockSpec((n_seq, d), lambda i: (i, 0)),
            pl.BlockSpec((1, 1, d), lambda i, off=off: (off + i, 0, 0)),
            pl.BlockSpec((2, d), lambda i: (0, 0)),
            pl.BlockSpec((1, d), lambda i: (0, 0)),
            pl.BlockSpec((1, d), lambda i: (0, 0)),
        ]
        out_spec = pl.BlockSpec((n_seq, d), lambda i, off=off: (off + i, 0))
        if s == 0:
            out = pl.pallas_call(
                _tc_ln,
                grid=(sl_len,),
                in_specs=in_specs,
                out_specs=out_spec,
                out_shape=jax.ShapeDtypeStruct((n_rows, d), jnp.float32),
            )(gathered[s], pe3, tt_emb, g2, b2)
        else:
            out = pl.pallas_call(
                _tc_ln_acc,
                grid=(sl_len,),
                in_specs=in_specs + [pl.BlockSpec(memory_space=pl.ANY)],
                out_specs=out_spec,
                out_shape=jax.ShapeDtypeStruct((n_rows, d), jnp.float32),
                input_output_aliases={5: 0},
            )(gathered[s], pe3, tt_emb, g2, b2, out)
    return jnp.transpose(out.reshape(seq_len, n_seq, d), (1, 0, 2))


def kernel(x, word_emb, pos_emb, tt_emb, ln_gamma, ln_beta):
    return _run(x.astype(jnp.int32), word_emb, pos_emb, tt_emb,
                ln_gamma, ln_beta)

# --- scband reference (transcript-rebuilt; emitter-appended) ---
"""Pipeline reference for scband-embedding-62191126446697 (READ-ONLY COPY).

The authoritative reference and input builder live on the scoring server;
editing this copy changes nothing except your own understanding.
"""

import jax, jax.numpy as jnp
import numpy as np

VOCAB = 30522
DIM = 768
MAX_LEN = 100
EPS = 1e-12

def setup_inputs(seed: int = 0) -> dict:
    key = jax.random.key(seed)
    k1, k2, k3, k4 = jax.random.split(key, 4)
    x = jax.random.randint(k1, (1024, MAX_LEN), 0, VOCAB, dtype=jnp.int64)
    word_emb = jax.random.normal(k2, (VOCAB, DIM), dtype=jnp.float32) * 0.02
    pos_emb = jax.random.normal(k3, (MAX_LEN, DIM), dtype=jnp.float32) * 0.02
    tt_emb = jax.random.normal(k4, (2, DIM), dtype=jnp.float32) * 0.02
    ln_gamma = jnp.ones((DIM,), dtype=jnp.float32)
    ln_beta = jnp.zeros((DIM,), dtype=jnp.float32)
    return {"x": x, "word_emb": word_emb, "pos_emb": pos_emb, "tt_emb": tt_emb, "ln_gamma": ln_gamma, "ln_beta": ln_beta}

def reference(x, word_emb, pos_emb, tt_emb, ln_gamma, ln_beta):
    # BERT-style embedding layer: word + position + token-type, then LayerNorm.
    # Token ids are pre-tokenized (stand-in for tokenizer in data_process), token_type = 0.
    we = jnp.take(word_emb, x, axis=0)                 # [B, L, D] gather
    pe = pos_emb[None, :x.shape[1], :]                 # [1, L, D]
    tte = tt_emb[0][None, None, :]                     # token type 0
    h = we + pe + tte
    mu = jnp.mean(h, axis=-1, keepdims=True)
    var = jnp.mean((h - mu) ** 2, axis=-1, keepdims=True)
    h = (h - mu) / jnp.sqrt(var + EPS)
    return h * ln_gamma + ln_beta

if __name__ == "__main__":
    import jax
    _d = setup_inputs()
    print(jax.jit(kernel)(*tuple(_d.values())))

</pallas_src>

<mosaic_0001>
#map = affine_map<(d0, d1) -> (0, 0, 0)>
#map1 = affine_map<(d0, d1) -> (0, 0)>
module attributes {stable_mosaic.version = 14 : i64} {
  func.func @body(%arg0: i32, %arg1: i32, %arg2: memref<32x40x16xi32, #tpu.memory_space<hbm>>, %arg3: memref<30522x768xf32, #tpu.memory_space<hbm>>, %arg4: memref<20480x768xf32, #tpu.memory_space<hbm>>, %arg5: memref<40x16xi32, #tpu.memory_space<vmem>>, %arg6: memref<16x768xf32, #tpu.memory_space<vmem>>, %arg7: memref<16x768xf32, #tpu.memory_space<vmem>>, %arg8: memref<!tpu.dma_semaphore, #tpu.memory_space<semaphore_mem>>, %arg9: memref<!tpu.dma_semaphore, #tpu.memory_space<semaphore_mem>>, %arg10: memref<!tpu.dma_semaphore, #tpu.memory_space<semaphore_mem>>, %arg11: memref<!tpu.dma_semaphore, #tpu.memory_space<semaphore_mem>>) attributes {dimension_semantics = [#tpu.dimension_semantics<core_parallel>, #tpu.dimension_semantics<subcore_parallel>], iteration_bounds = array<i64: 2, 16>, scalar_prefetch = 0 : i64, scratch_operands = 7 : i64, tpu.core_type = #tpu.core_type<sc_vector_subcore>, window_params = [{transform_indices = #map}, {transform_indices = #map1}, {transform_indices = #map1}]} {
    %mul3A = arith.constant 2 : i32
    %mul3A_0 = arith.muli %arg1, %mul3A : i32
    %add3A = arith.addi %mul3A_0, %arg0 : i32
    %mul3A_1 = arith.constant 640 : i32
    %mul3A_2 = arith.muli %add3A, %mul3A_1 : i32
    "tpu.region"() ({
      %run_scoped3A = tpu.sem_alloc : memref<!tpu.dma_semaphore, #tpu.memory_space<semaphore_mem>>
      %dma_start3A_26 = arith.constant 0 : i32
      %dma_start3A_27 = arith.constant 0 : i32
      %dma_start3A_28 = tpu.memref_slice %arg2[%add3A, %dma_start3A_26, %dma_start3A_27] : memref<32x40x16xi32, #tpu.memory_space<hbm>> -> memref<1x40x16xi32, #tpu.memory_space<hbm>>
      %dma_start3A_29 = tpu.memref_squeeze %dma_start3A_28 : memref<1x40x16xi32, #tpu.memory_space<hbm>> -> memref<40x16xi32, #tpu.memory_space<hbm>>
      %dma_start3A_30 = arith.constant 0 : i32
      %dma_start3A_31 = arith.constant 0 : i32
      %dma_start3A_32 = tpu.memref_slice %arg2[%add3A, %dma_start3A_30, %dma_start3A_31] : memref<32x40x16xi32, #tpu.memory_space<hbm>> -> memref<1x40x16xi32, #tpu.memory_space<hbm>>
      %dma_start3A_33 = tpu.memref_squeeze %dma_start3A_32 : memref<1x40x16xi32, #tpu.memory_space<hbm>> -> memref<40x16xi32, #tpu.memory_space<hbm>>
      tpu.enqueue_dma source(%dma_start3A_33 : memref<40x16xi32, #tpu.memory_space<hbm>>) target(%arg5 : memref<40x16xi32, #tpu.memory_space<vmem>>) target_semaphore(%run_scoped3A : memref<!tpu.dma_semaphore, #tpu.memory_space<semaphore_mem>>)
      %dma_wait3A_34 = arith.constant 0 : i32
      %dma_wait3A_35 = arith.constant 0 : i32
      %dma_wait3A_36 = tpu.memref_slice %arg2[%add3A, %dma_wait3A_34, %dma_wait3A_35] : memref<32x40x16xi32, #tpu.memory_space<hbm>> -> memref<1x40x16xi32, #tpu.memory_space<hbm>>
      %dma_wait3A_37 = tpu.memref_squeeze %dma_wait3A_36 : memref<1x40x16xi32, #tpu.memory_space<hbm>> -> memref<40x16xi32, #tpu.memory_space<hbm>>
      %dma_wait3A_38 = arith.constant 0 : i32
      %dma_wait3A_39 = arith.constant 0 : i32
      %dma_wait3A_40 = tpu.memref_slice %arg2[%add3A, %dma_wait3A_38, %dma_wait3A_39] : memref<32x40x16xi32, #tpu.memory_space<hbm>> -> memref<1x40x16xi32, #tpu.memory_space<hbm>>
      %dma_wait3A_41 = tpu.memref_squeeze %dma_wait3A_40 : memref<1x40x16xi32, #tpu.memory_space<hbm>> -> memref<40x16xi32, #tpu.memory_space<hbm>>
      tpu.wait_dma2 semaphore(%run_scoped3A : memref<!tpu.dma_semaphore, #tpu.memory_space<semaphore_mem>>) src(%dma_wait3A_41 : memref<40x16xi32, #tpu.memory_space<hbm>>) dst(%arg5 : memref<40x16xi32, #tpu.memory_space<vmem>>)
      tpu.yield
    }) : () -> ()
    %dma_start3A = arith.constant 0 : i32
    %dma_start3A_3 = arith.constant 0 : i32
    %dma_start3A_4 = tpu.memref_slice %arg5[%dma_start3A, %dma_start3A_3] : memref<40x16xi32, #tpu.memory_space<vmem>> -> memref<1x16xi32, #tpu.memory_space<vmem>>
    %dma_start3A_5 = tpu.memref_squeeze %dma_start3A_4 : memref<1x16xi32, #tpu.memory_space<vmem>> -> memref<16xi32, #tpu.memory_space<vmem>>
    %dma_start3A_6 = arith.constant 0 : i32
    %dma_start3A_7 = arith.constant 0 : i32
    %dma_start3A_8 = tpu.memref_slice %arg3[%dma_start3A_6, %dma_start3A_7] : memref<30522x768xf32, #tpu.memory_space<hbm>> -> memref<30522x768xf32, #tpu.memory_space<hbm>>
    tpu.enqueue_indirect_dma source(%dma_start3A_8 : memref<30522x768xf32, #tpu.memory_space<hbm>>) target(%arg6 : memref<16x768xf32, #tpu.memory_space<vmem>>) offsets(%dma_start3A_5 : memref<16xi32, #tpu.memory_space<vmem>>) semaphore(%arg8 : memref<!tpu.dma_semaphore, #tpu.memory_space<semaphore_mem>>)
    %scan3A = arith.constant 0 : i32
    %scan3A_9 = arith.constant 0 : i32
    %scan3A_10 = arith.constant 20 : i32
    %scan3A_11 = arith.addi %scan3A_9, %scan3A_10 : i32
    %scan3A_12 = arith.constant 1 : i32
    %scan3A_13 = scf.for %scan3A_26 = %scan3A_9 to %scan3A_11 step %scan3A_12 iter_args(%scan3A_27 = %scan3A) -> (i32)  : i32 {
      %mul3A_28 = arith.constant 2 : i32
      %mul3A_29 = arith.muli %scan3A_26, %mul3A_28 : i32
      %add3A_30 = arith.constant 0 : i32
      %add3A_31 = arith.addi %mul3A_29, %add3A_30 : i32
      %add3A_32 = arith.constant 1 : i32
      %add3A_33 = arith.addi %add3A_31, %add3A_32 : i32
      %lt3A = arith.constant 40 : i32
      %lt3A_34 = arith.cmpi slt, %add3A_33, %lt3A : i32
      %convert_element_type3A = arith.extui %lt3A_34 : i1 to i32
      %cond3A = arith.constant 0 : i32
      %cond3A_35 = arith.cmpi ne, %convert_element_type3A, %cond3A : i32
      scf.if %cond3A_35 {
        %ge3A = arith.constant 1 : i32
        %ge3A_72 = arith.cmpi sge, %add3A_31, %ge3A : i32
        %convert_element_type3A_73 = arith.extui %ge3A_72 : i1 to i32
        %cond3A_74 = arith.constant 0 : i32
        %cond3A_75 = arith.cmpi ne, %convert_element_type3A_73, %cond3A_74 : i32
        scf.if %cond3A_75 {
          %sub3A = arith.constant 1 : i32
          %sub3A_84 = arith.subi %add3A_31, %sub3A : i32
          %mul3A_85 = arith.constant 16 : i32
          %mul3A_86 = arith.muli %sub3A_84, %mul3A_85 : i32
          %add3A_87 = arith.addi %mul3A_2, %mul3A_86 : i32
          %dma_wait3A_88 = arith.constant 0 : i32
          %dma_wait3A_89 = tpu.memref_slice %arg4[%add3A_87, %dma_wait3A_88] : memref<20480x768xf32, #tpu.memory_space<hbm>> -> memref<16x768xf32, #tpu.memory_space<hbm>>
          %dma_wait3A_90 = arith.constant 0 : i32
          %dma_wait3A_91 = tpu.memref_slice %arg4[%add3A_87, %dma_wait3A_90] : memref<20480x768xf32, #tpu.memory_space<hbm>> -> memref<16x768xf32, #tpu.memory_space<hbm>>
          tpu.wait_dma2 semaphore(%arg11 : memref<!tpu.dma_semaphore, #tpu.memory_space<semaphore_mem>>) src(%arg7 : memref<16x768xf32, #tpu.memory_space<vmem>>) dst(%dma_wait3A_91 : memref<16x768xf32, #tpu.memory_space<hbm>>)
        } else {
        }
        %add3A_76 = arith.constant 1 : i32
        %add3A_77 = arith.addi %add3A_31, %add3A_76 : i32
        %dma_start3A_78 = arith.constant 0 : i32
        %dma_start3A_79 = tpu.memref_slice %arg5[%add3A_77, %dma_start3A_78] : memref<40x16xi32, #tpu.memory_space<vmem>> -> memref<1x16xi32, #tpu.memory_space<vmem>>
        %dma_start3A_80 = tpu.memref_squeeze %dma_start3A_79 : memref<1x16xi32, #tpu.memory_space<vmem>> -> memref<16xi32, #tpu.memory_space<vmem>>
        %dma_start3A_81 = arith.constant 0 : i32
        %dma_start3A_82 = arith.constant 0 : i32
        %dma_start3A_83 = tpu.memref_slice %arg3[%dma_start3A_81, %dma_start3A_82] : memref<30522x768xf32, #tpu.memory_space<hbm>> -> memref<30522x768xf32, #tpu.memory_space<hbm>>
        tpu.enqueue_indirect_dma source(%dma_start3A_83 : memref<30522x768xf32, #tpu.memory_space<hbm>>) target(%arg7 : memref<16x768xf32, #tpu.memory_space<vmem>>) offsets(%dma_start3A_80 : memref<16xi32, #tpu.memory_space<vmem>>) semaphore(%arg9 : memref<!tpu.dma_semaphore, #tpu.memory_space<semaphore_mem>>)
      } else {
      }
      %dma_wait3A_36 = arith.constant 0 : i32
      %dma_wait3A_37 = tpu.memref_slice %arg5[%add3A_31, %dma_wait3A_36] : memref<40x16xi32, #tpu.memory_space<vmem>> -> memref<1x16xi32, #tpu.memory_space<vmem>>
      %dma_wait3A_38 = tpu.memref_squeeze %dma_wait3A_37 : memref<1x16xi32, #tpu.memory_space<vmem>> -> memref<16xi32, #tpu.memory_space<vmem>>
      %dma_wait3A_39 = arith.constant 0 : i32
      %dma_wait3A_40 = arith.constant 0 : i32
      %dma_wait3A_41 = tpu.memref_slice %arg3[%dma_wait3A_39, %dma_wait3A_40] : memref<30522x768xf32, #tpu.memory_space<hbm>> -> memref<30522x768xf32, #tpu.memory_space<hbm>>
      tpu.wait_indirect_dma semaphore(%arg8 : memref<!tpu.dma_semaphore, #tpu.memory_space<semaphore_mem>>) src(%dma_wait3A_41 : memref<30522x768xf32, #tpu.memory_space<hbm>>) dst(%arg6 : memref<16x768xf32, #tpu.memory_space<vmem>>)
      %mul3A_42 = arith.constant 16 : i32
      %mul3A_43 = arith.muli %add3A_31, %mul3A_42 : i32
      %add3A_44 = arith.addi %mul3A_2, %mul3A_43 : i32
      %dma_start3A_45 = arith.constant 0 : i32
      %dma_start3A_46 = tpu.memref_slice %arg4[%add3A_44, %dma_start3A_45] : memref<20480x768xf32, #tpu.memory_space<hbm>> -> memref<16x768xf32, #tpu.memory_space<hbm>>
      %dma_start3A_47 = arith.constant 0 : i32
      %dma_start3A_48 = tpu.memref_slice %arg4[%add3A_44, %dma_start3A_47] : memref<20480x768xf32, #tpu.memory_space<hbm>> -> memref<16x768xf32, #tpu.memory_space<hbm>>
      tpu.enqueue_dma source(%arg6 : memref<16x768xf32, #tpu.memory_space<vmem>>) target(%dma_start3A_48 : memref<16x768xf32, #tpu.memory_space<hbm>>) target_semaphore(%arg10 : memref<!tpu.dma_semaphore, #tpu.memory_space<semaphore_mem>>)
      %add3A_49 = arith.constant 1 : i32
      %add3A_50 = arith.addi %mul3A_29, %add3A_49 : i32
      %add3A_51 = arith.constant 1 : i32
      %add3A_52 = arith.addi %add3A_50, %add3A_51 : i32
      %lt3A_53 = arith.constant 40 : i32
      %lt3A_54 = arith.cmpi slt, %add3A_52, %lt3A_53 : i32
      %convert_element_type3A_55 = arith.extui %lt3A_54 : i1 to i32
      %cond3A_56 = arith.constant 0 : i32
      %cond3A_57 = arith.cmpi ne, %convert_element_type3A_55, %cond3A_56 : i32
      scf.if %cond3A_57 {
        %ge3A = arith.constant 1 : i32
        %ge3A_72 = arith.cmpi sge, %add3A_50, %ge3A : i32
        %convert_element_type3A_73 = arith.extui %ge3A_72 : i1 to i32
        %cond3A_74 = arith.constant 0 : i32
        %cond3A_75 = arith.cmpi ne, %convert_element_type3A_73, %cond3A_74 : i32
        scf.if %cond3A_75 {
          %sub3A = arith.constant 1 : i32
          %sub3A_84 = arith.subi %add3A_50, %sub3A : i32
          %mul3A_85 = arith.constant 16 : i32
          %mul3A_86 = arith.muli %sub3A_84, %mul3A_85 : i32
          %add3A_87 = arith.addi %mul3A_2, %mul3A_86 : i32
          %dma_wait3A_88 = arith.constant 0 : i32
          %dma_wait3A_89 = tpu.memref_slice %arg4[%add3A_87, %dma_wait3A_88] : memref<20480x768xf32, #tpu.memory_space<hbm>> -> memref<16x768xf32, #tpu.memory_space<hbm>>
          %dma_wait3A_90 = arith.constant 0 : i32
          %dma_wait3A_91 = tpu.memref_slice %arg4[%add3A_87, %dma_wait3A_90] : memref<20480x768xf32, #tpu.memory_space<hbm>> -> memref<16x768xf32, #tpu.memory_space<hbm>>
          tpu.wait_dma2 semaphore(%arg10 : memref<!tpu.dma_semaphore, #tpu.memory_space<semaphore_mem>>) src(%arg6 : memref<16x768xf32, #tpu.memory_space<vmem>>) dst(%dma_wait3A_91 : memref<16x768xf32, #tpu.memory_space<hbm>>)
        } else {
        }
        %add3A_76 = arith.constant 1 : i32
        %add3A_77 = arith.addi %add3A_50, %add3A_76 : i32
        %dma_start3A_78 = arith.constant 0 : i32
        %dma_start3A_79 = tpu.memref_slice %arg5[%add3A_77, %dma_start3A_78] : memref<40x16xi32, #tpu.memory_space<vmem>> -> memref<1x16xi32, #tpu.memory_space<vmem>>
        %dma_start3A_80 = tpu.memref_squeeze %dma_start3A_79 : memref<1x16xi32, #tpu.memory_space<vmem>> -> memref<16xi32, #tpu.memory_space<vmem>>
        %dma_start3A_81 = arith.constant 0 : i32
        %dma_start3A_82 = arith.constant 0 : i32
        %dma_start3A_83 = tpu.memref_slice %arg3[%dma_start3A_81, %dma_start3A_82] : memref<30522x768xf32, #tpu.memory_space<hbm>> -> memref<30522x768xf32, #tpu.memory_space<hbm>>
        tpu.enqueue_indirect_dma source(%dma_start3A_83 : memref<30522x768xf32, #tpu.memory_space<hbm>>) target(%arg6 : memref<16x768xf32, #tpu.memory_space<vmem>>) offsets(%dma_start3A_80 : memref<16xi32, #tpu.memory_space<vmem>>) semaphore(%arg8 : memref<!tpu.dma_semaphore, #tpu.memory_space<semaphore_mem>>)
      } else {
      }
      %dma_wait3A_58 = arith.constant 0 : i32
      %dma_wait3A_59 = tpu.memref_slice %arg5[%add3A_50, %dma_wait3A_58] : memref<40x16xi32, #tpu.memory_space<vmem>> -> memref<1x16xi32, #tpu.memory_space<vmem>>
      %dma_wait3A_60 = tpu.memref_squeeze %dma_wait3A_59 : memref<1x16xi32, #tpu.memory_space<vmem>> -> memref<16xi32, #tpu.memory_space<vmem>>
      %dma_wait3A_61 = arith.constant 0 : i32
      %dma_wait3A_62 = arith.constant 0 : i32
      %dma_wait3A_63 = tpu.memref_slice %arg3[%dma_wait3A_61, %dma_wait3A_62] : memref<30522x768xf32, #tpu.memory_space<hbm>> -> memref<30522x768xf32, #tpu.memory_space<hbm>>
      tpu.wait_indirect_dma semaphore(%arg9 : memref<!tpu.dma_semaphore, #tpu.memory_space<semaphore_mem>>) src(%dma_wait3A_63 : memref<30522x768xf32, #tpu.memory_space<hbm>>) dst(%arg7 : memref<16x768xf32, #tpu.memory_space<vmem>>)
      %mul3A_64 = arith.constant 16 : i32
      %mul3A_65 = arith.muli %add3A_50, %mul3A_64 : i32
      %add3A_66 = arith.addi %mul3A_2, %mul3A_65 : i32
      %dma_start3A_67 = arith.constant 0 : i32
      %dma_start3A_68 = tpu.memref_slice %arg4[%add3A_66, %dma_start3A_67] : memref<20480x768xf32, #tpu.memory_space<hbm>> -> memref<16x768xf32, #tpu.memory_space<hbm>>
      %dma_start3A_69 = arith.constant 0 : i32
      %dma_start3A_70 = tpu.memref_slice %arg4[%add3A_66, %dma_start3A_69] : memref<20480x768xf32, #tpu.memory_space<hbm>> -> memref<16x768xf32, #tpu.memory_space<hbm>>
      tpu.enqueue_dma source(%arg7 : memref<16x768xf32, #tpu.memory_space<vmem>>) target(%dma_start3A_70 : memref<16x768xf32, #tpu.memory_space<hbm>>) target_semaphore(%arg11 : memref<!tpu.dma_semaphore, #tpu.memory_space<semaphore_mem>>)
      %scan3A_71 = arith.constant 0 : i32
      scf.yield %scan3A_71 : i32
    }
    %scan3A_14 = arith.constant 20 : i32
    %add3A_15 = arith.constant 608 : i32
    %add3A_16 = arith.addi %mul3A_2, %add3A_15 : i32
    %dma_wait3A = arith.constant 0 : i32
    %dma_wait3A_17 = tpu.memref_slice %arg4[%add3A_16, %dma_wait3A] : memref<20480x768xf32, #tpu.memory_space<hbm>> -> memref<16x768xf32, #tpu.memory_space<hbm>>
    %dma_wait3A_18 = arith.constant 0 : i32
    %dma_wait3A_19 = tpu.memref_slice %arg4[%add3A_16, %dma_wait3A_18] : memref<20480x768xf32, #tpu.memory_space<hbm>> -> memref<16x768xf32, #tpu.memory_space<hbm>>
    tpu.wait_dma2 semaphore(%arg10 : memref<!tpu.dma_semaphore, #tpu.memory_space<semaphore_mem>>) src(%arg6 : memref<16x768xf32, #tpu.memory_space<vmem>>) dst(%dma_wait3A_19 : memref<16x768xf32, #tpu.memory_space<hbm>>)
    %add3A_20 = arith.constant 624 : i32
    %add3A_21 = arith.addi %mul3A_2, %add3A_20 : i32
    %dma_wait3A_22 = arith.constant 0 : i32
    %dma_wait3A_23 = tpu.memref_slice %arg4[%add3A_21, %dma_wait3A_22] : memref<20480x768xf32, #tpu.memory_space<hbm>> -> memref<16x768xf32, #tpu.memory_space<hbm>>
    %dma_wait3A_24 = arith.constant 0 : i32
    %dma_wait3A_25 = tpu.memref_slice %arg4[%add3A_21, %dma_wait3A_24] : memref<20480x768xf32, #tpu.memory_space<hbm>> -> memref<16x768xf32, #tpu.memory_space<hbm>>
    tpu.wait_dma2 semaphore(%arg11 : memref<!tpu.dma_semaphore, #tpu.memory_space<semaphore_mem>>) src(%arg7 : memref<16x768xf32, #tpu.memory_space<vmem>>) dst(%dma_wait3A_25 : memref<16x768xf32, #tpu.memory_space<hbm>>)
    return
  }
}

#map = affine_map<(d0, d1) -> (0, 0, 0)>
#map1 = affine_map<(d0, d1) -> (0, 0)>
module attributes {stable_mosaic.version = 14 : i64} {
  func.func @body(%arg0: i32, %arg1: i32, %arg2: memref<32x40x16xi32, #tpu.memory_space<hbm>>, %arg3: memref<30522x768xf32, #tpu.memory_space<hbm>>, %arg4: memref<20480x768xf32, #tpu.memory_space<hbm>>, %arg5: memref<40x16xi32, #tpu.memory_space<vmem>>, %arg6: memref<16x768xf32, #tpu.memory_space<vmem>>, %arg7: memref<16x768xf32, #tpu.memory_space<vmem>>, %arg8: memref<!tpu.dma_semaphore, #tpu.memory_space<semaphore_mem>>, %arg9: memref<!tpu.dma_semaphore, #tpu.memory_space<semaphore_mem>>, %arg10: memref<!tpu.dma_semaphore, #tpu.memory_space<semaphore_mem>>, %arg11: memref<!tpu.dma_semaphore, #tpu.memory_space<semaphore_mem>>) attributes {dimension_semantics = [#tpu.dimension_semantics<core_parallel>, #tpu.dimension_semantics<subcore_parallel>], iteration_bounds = array<i64: 2, 16>, scalar_prefetch = 0 : i64, scratch_operands = 7 : i64, tpu.core_type = #tpu.core_type<sc_vector_subcore>, window_params = [{transform_indices = #map}, {transform_indices = #map1}, {transform_indices = #map1}]} {
    %mul3A = arith.constant 2 : i32
    %mul3A_0 = arith.muli %arg1, %mul3A : i32
    %add3A = arith.addi %mul3A_0, %arg0 : i32
    %mul3A_1 = arith.constant 640 : i32
    %mul3A_2 = arith.muli %add3A, %mul3A_1 : i32
    "tpu.region"() ({
      %run_scoped3A = tpu.sem_alloc : memref<!tpu.dma_semaphore, #tpu.memory_space<semaphore_mem>>
      %dma_start3A_26 = arith.constant 0 : i32
      %dma_start3A_27 = arith.constant 0 : i32
      %dma_start3A_28 = tpu.memref_slice %arg2[%add3A, %dma_start3A_26, %dma_start3A_27] : memref<32x40x16xi32, #tpu.memory_space<hbm>> -> memref<1x40x16xi32, #tpu.memory_space<hbm>>
      %dma_start3A_29 = tpu.memref_squeeze %dma_start3A_28 : memref<1x40x16xi32, #tpu.memory_space<hbm>> -> memref<40x16xi32, #tpu.memory_space<hbm>>
      %dma_start3A_30 = arith.constant 0 : i32
      %dma_start3A_31 = arith.constant 0 : i32
      %dma_start3A_32 = tpu.memref_slice %arg2[%add3A, %dma_start3A_30, %dma_start3A_31] : memref<32x40x16xi32, #tpu.memory_space<hbm>> -> memref<1x40x16xi32, #tpu.memory_space<hbm>>
      %dma_start3A_33 = tpu.memref_squeeze %dma_start3A_32 : memref<1x40x16xi32, #tpu.memory_space<hbm>> -> memref<40x16xi32, #tpu.memory_space<hbm>>
      tpu.enqueue_dma source(%dma_start3A_33 : memref<40x16xi32, #tpu.memory_space<hbm>>) target(%arg5 : memref<40x16xi32, #tpu.memory_space<vmem>>) target_semaphore(%run_scoped3A : memref<!tpu.dma_semaphore, #tpu.memory_space<semaphore_mem>>)
      %dma_wait3A_34 = arith.constant 0 : i32
      %dma_wait3A_35 = arith.constant 0 : i32
      %dma_wait3A_36 = tpu.memref_slice %arg2[%add3A, %dma_wait3A_34, %dma_wait3A_35] : memref<32x40x16xi32, #tpu.memory_space<hbm>> -> memref<1x40x16xi32, #tpu.memory_space<hbm>>
      %dma_wait3A_37 = tpu.memref_squeeze %dma_wait3A_36 : memref<1x40x16xi32, #tpu.memory_space<hbm>> -> memref<40x16xi32, #tpu.memory_space<hbm>>
      %dma_wait3A_38 = arith.constant 0 : i32
      %dma_wait3A_39 = arith.constant 0 : i32
      %dma_wait3A_40 = tpu.memref_slice %arg2[%add3A, %dma_wait3A_38, %dma_wait3A_39] : memref<32x40x16xi32, #tpu.memory_space<hbm>> -> memref<1x40x16xi32, #tpu.memory_space<hbm>>
      %dma_wait3A_41 = tpu.memref_squeeze %dma_wait3A_40 : memref<1x40x16xi32, #tpu.memory_space<hbm>> -> memref<40x16xi32, #tpu.memory_space<hbm>>
      tpu.wait_dma2 semaphore(%run_scoped3A : memref<!tpu.dma_semaphore, #tpu.memory_space<semaphore_mem>>) src(%dma_wait3A_41 : memref<40x16xi32, #tpu.memory_space<hbm>>) dst(%arg5 : memref<40x16xi32, #tpu.memory_space<vmem>>)
      tpu.yield
    }) : () -> ()
    %dma_start3A = arith.constant 0 : i32
    %dma_start3A_3 = arith.constant 0 : i32
    %dma_start3A_4 = tpu.memref_slice %arg5[%dma_start3A, %dma_start3A_3] : memref<40x16xi32, #tpu.memory_space<vmem>> -> memref<1x16xi32, #tpu.memory_space<vmem>>
    %dma_start3A_5 = tpu.memref_squeeze %dma_start3A_4 : memref<1x16xi32, #tpu.memory_space<vmem>> -> memref<16xi32, #tpu.memory_space<vmem>>
    %dma_start3A_6 = arith.constant 0 : i32
    %dma_start3A_7 = arith.constant 0 : i32
    %dma_start3A_8 = tpu.memref_slice %arg3[%dma_start3A_6, %dma_start3A_7] : memref<30522x768xf32, #tpu.memory_space<hbm>> -> memref<30522x768xf32, #tpu.memory_space<hbm>>
    tpu.enqueue_indirect_dma source(%dma_start3A_8 : memref<30522x768xf32, #tpu.memory_space<hbm>>) target(%arg6 : memref<16x768xf32, #tpu.memory_space<vmem>>) offsets(%dma_start3A_5 : memref<16xi32, #tpu.memory_space<vmem>>) semaphore(%arg8 : memref<!tpu.dma_semaphore, #tpu.memory_space<semaphore_mem>>)
    %scan3A = arith.constant 0 : i32
    %scan3A_9 = arith.constant 0 : i32
    %scan3A_10 = arith.constant 20 : i32
    %scan3A_11 = arith.addi %scan3A_9, %scan3A_10 : i32
    %scan3A_12 = arith.constant 1 : i32
    %scan3A_13 = scf.for %scan3A_26 = %scan3A_9 to %scan3A_11 step %scan3A_12 iter_args(%scan3A_27 = %scan3A) -> (i32)  : i32 {
      %mul3A_28 = arith.constant 2 : i32
      %mul3A_29 = arith.muli %scan3A_26, %mul3A_28 : i32
      %add3A_30 = arith.constant 0 : i32
      %add3A_31 = arith.addi %mul3A_29, %add3A_30 : i32
      %add3A_32 = arith.constant 1 : i32
      %add3A_33 = arith.addi %add3A_31, %add3A_32 : i32
      %lt3A = arith.constant 40 : i32
      %lt3A_34 = arith.cmpi slt, %add3A_33, %lt3A : i32
      %convert_element_type3A = arith.extui %lt3A_34 : i1 to i32
      %cond3A = arith.constant 0 : i32
      %cond3A_35 = arith.cmpi ne, %convert_element_type3A, %cond3A : i32
      scf.if %cond3A_35 {
        %ge3A = arith.constant 1 : i32
        %ge3A_72 = arith.cmpi sge, %add3A_31, %ge3A : i32
        %convert_element_type3A_73 = arith.extui %ge3A_72 : i1 to i32
        %cond3A_74 = arith.constant 0 : i32
        %cond3A_75 = arith.cmpi ne, %convert_element_type3A_73, %cond3A_74 : i32
        scf.if %cond3A_75 {
          %sub3A = arith.constant 1 : i32
          %sub3A_84 = arith.subi %add3A_31, %sub3A : i32
          %mul3A_85 = arith.constant 16 : i32
          %mul3A_86 = arith.muli %sub3A_84, %mul3A_85 : i32
          %add3A_87 = arith.addi %mul3A_2, %mul3A_86 : i32
          %dma_wait3A_88 = arith.constant 0 : i32
          %dma_wait3A_89 = tpu.memref_slice %arg4[%add3A_87, %dma_wait3A_88] : memref<20480x768xf32, #tpu.memory_space<hbm>> -> memref<16x768xf32, #tpu.memory_space<hbm>>
          %dma_wait3A_90 = arith.constant 0 : i32
          %dma_wait3A_91 = tpu.memref_slice %arg4[%add3A_87, %dma_wait3A_90] : memref<20480x768xf32, #tpu.memory_space<hbm>> -> memref<16x768xf32, #tpu.memory_space<hbm>>
          tpu.wait_dma2 semaphore(%arg11 : memref<!tpu.dma_semaphore, #tpu.memory_space<semaphore_mem>>) src(%arg7 : memref<16x768xf32, #tpu.memory_space<vmem>>) dst(%dma_wait3A_91 : memref<16x768xf32, #tpu.memory_space<hbm>>)
        } else {
        }
        %add3A_76 = arith.constant 1 : i32
        %add3A_77 = arith.addi %add3A_31, %add3A_76 : i32
        %dma_start3A_78 = arith.constant 0 : i32
        %dma_start3A_79 = tpu.memref_slice %arg5[%add3A_77, %dma_start3A_78] : memref<40x16xi32, #tpu.memory_space<vmem>> -> memref<1x16xi32, #tpu.memory_space<vmem>>
        %dma_start3A_80 = tpu.memref_squeeze %dma_start3A_79 : memref<1x16xi32, #tpu.memory_space<vmem>> -> memref<16xi32, #tpu.memory_space<vmem>>
        %dma_start3A_81 = arith.constant 0 : i32
        %dma_start3A_82 = arith.constant 0 : i32
        %dma_start3A_83 = tpu.memref_slice %arg3[%dma_start3A_81, %dma_start3A_82] : memref<30522x768xf32, #tpu.memory_space<hbm>> -> memref<30522x768xf32, #tpu.memory_space<hbm>>
        tpu.enqueue_indirect_dma source(%dma_start3A_83 : memref<30522x768xf32, #tpu.memory_space<hbm>>) target(%arg7 : memref<16x768xf32, #tpu.memory_space<vmem>>) offsets(%dma_start3A_80 : memref<16xi32, #tpu.memory_space<vmem>>) semaphore(%arg9 : memref<!tpu.dma_semaphore, #tpu.memory_space<semaphore_mem>>)
      } else {
      }
      %dma_wait3A_36 = arith.constant 0 : i32
      %dma_wait3A_37 = tpu.memref_slice %arg5[%add3A_31, %dma_wait3A_36] : memref<40x16xi32, #tpu.memory_space<vmem>> -> memref<1x16xi32, #tpu.memory_space<vmem>>
      %dma_wait3A_38 = tpu.memref_squeeze %dma_wait3A_37 : memref<1x16xi32, #tpu.memory_space<vmem>> -> memref<16xi32, #tpu.memory_space<vmem>>
      %dma_wait3A_39 = arith.constant 0 : i32
      %dma_wait3A_40 = arith.constant 0 : i32
      %dma_wait3A_41 = tpu.memref_slice %arg3[%dma_wait3A_39, %dma_wait3A_40] : memref<30522x768xf32, #tpu.memory_space<hbm>> -> memref<30522x768xf32, #tpu.memory_space<hbm>>
      tpu.wait_indirect_dma semaphore(%arg8 : memref<!tpu.dma_semaphore, #tpu.memory_space<semaphore_mem>>) src(%dma_wait3A_41 : memref<30522x768xf32, #tpu.memory_space<hbm>>) dst(%arg6 : memref<16x768xf32, #tpu.memory_space<vmem>>)
      %mul3A_42 = arith.constant 16 : i32
      %mul3A_43 = arith.muli %add3A_31, %mul3A_42 : i32
      %add3A_44 = arith.addi %mul3A_2, %mul3A_43 : i32
      %dma_start3A_45 = arith.constant 0 : i32
      %dma_start3A_46 = tpu.memref_slice %arg4[%add3A_44, %dma_start3A_45] : memref<20480x768xf32, #tpu.memory_space<hbm>> -> memref<16x768xf32, #tpu.memory_space<hbm>>
      %dma_start3A_47 = arith.constant 0 : i32
      %dma_start3A_48 = tpu.memref_slice %arg4[%add3A_44, %dma_start3A_47] : memref<20480x768xf32, #tpu.memory_space<hbm>> -> memref<16x768xf32, #tpu.memory_space<hbm>>
      tpu.enqueue_dma source(%arg6 : memref<16x768xf32, #tpu.memory_space<vmem>>) target(%dma_start3A_48 : memref<16x768xf32, #tpu.memory_space<hbm>>) target_semaphore(%arg10 : memref<!tpu.dma_semaphore, #tpu.memory_space<semaphore_mem>>)
      %add3A_49 = arith.constant 1 : i32
      %add3A_50 = arith.addi %mul3A_29, %add3A_49 : i32
      %add3A_51 = arith.constant 1 : i32
      %add3A_52 = arith.addi %add3A_50, %add3A_51 : i32
      %lt3A_53 = arith.constant 40 : i32
      %lt3A_54 = arith.cmpi slt, %add3A_52, %lt3A_53 : i32
      %convert_element_type3A_55 = arith.extui %lt3A_54 : i1 to i32
      %cond3A_56 = arith.constant 0 : i32
      %cond3A_57 = arith.cmpi ne, %convert_element_type3A_55, %cond3A_56 : i32
      scf.if %cond3A_57 {
        %ge3A = arith.constant 1 : i32
        %ge3A_72 = arith.cmpi sge, %add3A_50, %ge3A : i32
        %convert_element_type3A_73 = arith.extui %ge3A_72 : i1 to i32
        %cond3A_74 = arith.constant 0 : i32
        %cond3A_75 = arith.cmpi ne, %convert_element_type3A_73, %cond3A_74 : i32
        scf.if %cond3A_75 {
          %sub3A = arith.constant 1 : i32
          %sub3A_84 = arith.subi %add3A_50, %sub3A : i32
          %mul3A_85 = arith.constant 16 : i32
          %mul3A_86 = arith.muli %sub3A_84, %mul3A_85 : i32
          %add3A_87 = arith.addi %mul3A_2, %mul3A_86 : i32
          %dma_wait3A_88 = arith.constant 0 : i32
          %dma_wait3A_89 = tpu.memref_slice %arg4[%add3A_87, %dma_wait3A_88] : memref<20480x768xf32, #tpu.memory_space<hbm>> -> memref<16x768xf32, #tpu.memory_space<hbm>>
          %dma_wait3A_90 = arith.constant 0 : i32
          %dma_wait3A_91 = tpu.memref_slice %arg4[%add3A_87, %dma_wait3A_90] : memref<20480x768xf32, #tpu.memory_space<hbm>> -> memref<16x768xf32, #tpu.memory_space<hbm>>
          tpu.wait_dma2 semaphore(%arg10 : memref<!tpu.dma_semaphore, #tpu.memory_space<semaphore_mem>>) src(%arg6 : memref<16x768xf32, #tpu.memory_space<vmem>>) dst(%dma_wait3A_91 : memref<16x768xf32, #tpu.memory_space<hbm>>)
        } else {
        }
        %add3A_76 = arith.constant 1 : i32
        %add3A_77 = arith.addi %add3A_50, %add3A_76 : i32
        %dma_start3A_78 = arith.constant 0 : i32
        %dma_start3A_79 = tpu.memref_slice %arg5[%add3A_77, %dma_start3A_78] : memref<40x16xi32, #tpu.memory_space<vmem>> -> memref<1x16xi32, #tpu.memory_space<vmem>>
        %dma_start3A_80 = tpu.memref_squeeze %dma_start3A_79 : memref<1x16xi32, #tpu.memory_space<vmem>> -> memref<16xi32, #tpu.memory_space<vmem>>
        %dma_start3A_81 = arith.constant 0 : i32
        %dma_start3A_82 = arith.constant 0 : i32
        %dma_start3A_83 = tpu.memref_slice %arg3[%dma_start3A_81, %dma_start3A_82] : memref<30522x768xf32, #tpu.memory_space<hbm>> -> memref<30522x768xf32, #tpu.memory_space<hbm>>
        tpu.enqueue_indirect_dma source(%dma_start3A_83 : memref<30522x768xf32, #tpu.memory_space<hbm>>) target(%arg6 : memref<16x768xf32, #tpu.memory_space<vmem>>) offsets(%dma_start3A_80 : memref<16xi32, #tpu.memory_space<vmem>>) semaphore(%arg8 : memref<!tpu.dma_semaphore, #tpu.memory_space<semaphore_mem>>)
      } else {
      }
      %dma_wait3A_58 = arith.constant 0 : i32
      %dma_wait3A_59 = tpu.memref_slice %arg5[%add3A_50, %dma_wait3A_58] : memref<40x16xi32, #tpu.memory_space<vmem>> -> memref<1x16xi32, #tpu.memory_space<vmem>>
      %dma_wait3A_60 = tpu.memref_squeeze %dma_wait3A_59 : memref<1x16xi32, #tpu.memory_space<vmem>> -> memref<16xi32, #tpu.memory_space<vmem>>
      %dma_wait3A_61 = arith.constant 0 : i32
      %dma_wait3A_62 = arith.constant 0 : i32
      %dma_wait3A_63 = tpu.memref_slice %arg3[%dma_wait3A_61, %dma_wait3A_62] : memref<30522x768xf32, #tpu.memory_space<hbm>> -> memref<30522x768xf32, #tpu.memory_space<hbm>>
      tpu.wait_indirect_dma semaphore(%arg9 : memref<!tpu.dma_semaphore, #tpu.memory_space<semaphore_mem>>) src(%dma_wait3A_63 : memref<30522x768xf32, #tpu.memory_space<hbm>>) dst(%arg7 : memref<16x768xf32, #tpu.memory_space<vmem>>)
      %mul3A_64 = arith.constant 16 : i32
      %mul3A_65 = arith.muli %add3A_50, %mul3A_64 : i32
      %add3A_66 = arith.addi %mul3A_2, %mul3A_65 : i32
      %dma_start3A_67 = arith.constant 0 : i32
      %dma_start3A_68 = tpu.memref_slice %arg4[%add3A_66, %dma_start3A_67] : memref<20480x768xf32, #tpu.memory_space<hbm>> -> memref<16x768xf32, #tpu.memory_space<hbm>>
      %dma_start3A_69 = arith.constant 0 : i32
      %dma_start3A_70 = tpu.memref_slice %arg4[%add3A_66, %dma_start3A_69] : memref<20480x768xf32, #tpu.memory_space<hbm>> -> memref<16x768xf32, #tpu.memory_space<hbm>>
      tpu.enqueue_dma source(%arg7 : memref<16x768xf32, #tpu.memory_space<vmem>>) target(%dma_start3A_70 : memref<16x768xf32, #tpu.memory_space<hbm>>) target_semaphore(%arg11 : memref<!tpu.dma_semaphore, #tpu.memory_space<semaphore_mem>>)
      %scan3A_71 = arith.constant 0 : i32
      scf.yield %scan3A_71 : i32
    }
    %scan3A_14 = arith.constant 20 : i32
    %add3A_15 = arith.constant 608 : i32
    %add3A_16 = arith.addi %mul3A_2, %add3A_15 : i32
    %dma_wait3A = arith.constant 0 : i32
    %dma_wait3A_17 = tpu.memref_slice %arg4[%add3A_16, %dma_wait3A] : memref<20480x768xf32, #tpu.memory_space<hbm>> -> memref<16x768xf32, #tpu.memory_space<hbm>>
    %dma_wait3A_18 = arith.constant 0 : i32
    %dma_wait3A_19 = tpu.memref_slice %arg4[%add3A_16, %dma_wait3A_18] : memref<20480x768xf32, #tpu.memory_space<hbm>> -> memref<16x768xf32, #tpu.memory_space<hbm>>
    tpu.wait_dma2 semaphore(%arg10 : memref<!tpu.dma_semaphore, #tpu.memory_space<semaphore_mem>>) src(%arg6 : memref<16x768xf32, #tpu.memory_space<vmem>>) dst(%dma_wait3A_19 : memref<16x768xf32, #tpu.memory_space<hbm>>)
    %add3A_20 = arith.constant 624 : i32
    %add3A_21 = arith.addi %mul3A_2, %add3A_20 : i32
    %dma_wait3A_22 = arith.constant 0 : i32
    %dma_wait3A_23 = tpu.memref_slice %arg4[%add3A_21, %dma_wait3A_22] : memref<20480x768xf32, #tpu.memory_space<hbm>> -> memref<16x768xf32, #tpu.memory_space<hbm>>
    %dma_wait3A_24 = arith.constant 0 : i32
    %dma_wait3A_25 = tpu.memref_slice %arg4[%add3A_21, %dma_wait3A_24] : memref<20480x768xf32, #tpu.memory_space<hbm>> -> memref<16x768xf32, #tpu.memory_space<hbm>>
    tpu.wait_dma2 semaphore(%arg11 : memref<!tpu.dma_semaphore, #tpu.memory_space<semaphore_mem>>) src(%arg7 : memref<16x768xf32, #tpu.memory_space<vmem>>) dst(%dma_wait3A_25 : memref<16x768xf32, #tpu.memory_space<hbm>>)
    return
  }
}

#map = affine_map<(d0, d1) -> (0, 0, 0)>
#map1 = affine_map<(d0, d1) -> (0, 0)>
module attributes {stable_mosaic.version = 14 : i64} {
  func.func @body(%arg0: i32, %arg1: i32, %arg2: memref<32x40x16xi32, #tpu.memory_space<hbm>>, %arg3: memref<30522x768xf32, #tpu.memory_space<hbm>>, %arg4: memref<20480x768xf32, #tpu.memory_space<hbm>>, %arg5: memref<40x16xi32, #tpu.memory_space<vmem>>, %arg6: memref<16x768xf32, #tpu.memory_space<vmem>>, %arg7: memref<16x768xf32, #tpu.memory_space<vmem>>, %arg8: memref<!tpu.dma_semaphore, #tpu.memory_space<semaphore_mem>>, %arg9: memref<!tpu.dma_semaphore, #tpu.memory_space<semaphore_mem>>, %arg10: memref<!tpu.dma_semaphore, #tpu.memory_space<semaphore_mem>>, %arg11: memref<!tpu.dma_semaphore, #tpu.memory_space<semaphore_mem>>) attributes {dimension_semantics = [#tpu.dimension_semantics<core_parallel>, #tpu.dimension_semantics<subcore_parallel>], iteration_bounds = array<i64: 2, 16>, scalar_prefetch = 0 : i64, scratch_operands = 7 : i64, tpu.core_type = #tpu.core_type<sc_vector_subcore>, window_params = [{transform_indices = #map}, {transform_indices = #map1}, {transform_indices = #map1}]} {
    %mul3A = arith.constant 2 : i32
    %mul3A_0 = arith.muli %arg1, %mul3A : i32
    %add3A = arith.addi %mul3A_0, %arg0 : i32
    %mul3A_1 = arith.constant 640 : i32
    %mul3A_2 = arith.muli %add3A, %mul3A_1 : i32
    "tpu.region"() ({
      %run_scoped3A = tpu.sem_alloc : memref<!tpu.dma_semaphore, #tpu.memory_space<semaphore_mem>>
      %dma_start3A_26 = arith.constant 0 : i32
      %dma_start3A_27 = arith.constant 0 : i32
      %dma_start3A_28 = tpu.memref_slice %arg2[%add3A, %dma_start3A_26, %dma_start3A_27] : memref<32x40x16xi32, #tpu.memory_space<hbm>> -> memref<1x40x16xi32, #tpu.memory_space<hbm>>
      %dma_start3A_29 = tpu.memref_squeeze %dma_start3A_28 : memref<1x40x16xi32, #tpu.memory_space<hbm>> -> memref<40x16xi32, #tpu.memory_space<hbm>>
      %dma_start3A_30 = arith.constant 0 : i32
      %dma_start3A_31 = arith.constant 0 : i32
      %dma_start3A_32 = tpu.memref_slice %arg2[%add3A, %dma_start3A_30, %dma_start3A_31] : memref<32x40x16xi32, #tpu.memory_space<hbm>> -> memref<1x40x16xi32, #tpu.memory_space<hbm>>
      %dma_start3A_33 = tpu.memref_squeeze %dma_start3A_32 : memref<1x40x16xi32, #tpu.memory_space<hbm>> -> memref<40x16xi32, #tpu.memory_space<hbm>>
      tpu.enqueue_dma source(%dma_start3A_33 : memref<40x16xi32, #tpu.memory_space<hbm>>) target(%arg5 : memref<40x16xi32, #tpu.memory_space<vmem>>) target_semaphore(%run_scoped3A : memref<!tpu.dma_semaphore, #tpu.memory_space<semaphore_mem>>)
      %dma_wait3A_34 = arith.constant 0 : i32
      %dma_wait3A_35 = arith.constant 0 : i32
      %dma_wait3A_36 = tpu.memref_slice %arg2[%add3A, %dma_wait3A_34, %dma_wait3A_35] : memref<32x40x16xi32, #tpu.memory_space<hbm>> -> memref<1x40x16xi32, #tpu.memory_space<hbm>>
      %dma_wait3A_37 = tpu.memref_squeeze %dma_wait3A_36 : memref<1x40x16xi32, #tpu.memory_space<hbm>> -> memref<40x16xi32, #tpu.memory_space<hbm>>
      %dma_wait3A_38 = arith.constant 0 : i32
      %dma_wait3A_39 = arith.constant 0 : i32
      %dma_wait3A_40 = tpu.memref_slice %arg2[%add3A, %dma_wait3A_38, %dma_wait3A_39] : memref<32x40x16xi32, #tpu.memory_space<hbm>> -> memref<1x40x16xi32, #tpu.memory_space<hbm>>
      %dma_wait3A_41 = tpu.memref_squeeze %dma_wait3A_40 : memref<1x40x16xi32, #tpu.memory_space<hbm>> -> memref<40x16xi32, #tpu.memory_space<hbm>>
      tpu.wait_dma2 semaphore(%run_scoped3A : memref<!tpu.dma_semaphore, #tpu.memory_space<semaphore_mem>>) src(%dma_wait3A_41 : memref<40x16xi32, #tpu.memory_space<hbm>>) dst(%arg5 : memref<40x16xi32, #tpu.memory_space<vmem>>)
      tpu.yield
    }) : () -> ()
    %dma_start3A = arith.constant 0 : i32
    %dma_start3A_3 = arith.constant 0 : i32
    %dma_start3A_4 = tpu.memref_slice %arg5[%dma_start3A, %dma_start3A_3] : memref<40x16xi32, #tpu.memory_space<vmem>> -> memref<1x16xi32, #tpu.memory_space<vmem>>
    %dma_start3A_5 = tpu.memref_squeeze %dma_start3A_4 : memref<1x16xi32, #tpu.memory_space<vmem>> -> memref<16xi32, #tpu.memory_space<vmem>>
    %dma_start3A_6 = arith.constant 0 : i32
    %dma_start3A_7 = arith.constant 0 : i32
    %dma_start3A_8 = tpu.memref_slice %arg3[%dma_start3A_6, %dma_start3A_7] : memref<30522x768xf32, #tpu.memory_space<hbm>> -> memref<30522x768xf32, #tpu.memory_space<hbm>>
    tpu.enqueue_indirect_dma source(%dma_start3A_8 : memref<30522x768xf32, #tpu.memory_space<hbm>>) target(%arg6 : memref<16x768xf32, #tpu.memory_space<vmem>>) offsets(%dma_start3A_5 : memref<16xi32, #tpu.memory_space<vmem>>) semaphore(%arg8 : memref<!tpu.dma_semaphore, #tpu.memory_space<semaphore_mem>>)
    %scan3A = arith.constant 0 : i32
    %scan3A_9 = arith.constant 0 : i32
    %scan3A_10 = arith.constant 20 : i32
    %scan3A_11 = arith.addi %scan3A_9, %scan3A_10 : i32
    %scan3A_12 = arith.constant 1 : i32
    %scan3A_13 = scf.for %scan3A_26 = %scan3A_9 to %scan3A_11 step %scan3A_12 iter_args(%scan3A_27 = %scan3A) -> (i32)  : i32 {
      %mul3A_28 = arith.constant 2 : i32
      %mul3A_29 = arith.muli %scan3A_26, %mul3A_28 : i32
      %add3A_30 = arith.constant 0 : i32
      %add3A_31 = arith.addi %mul3A_29, %add3A_30 : i32
      %add3A_32 = arith.constant 1 : i32
      %add3A_33 = arith.addi %add3A_31, %add3A_32 : i32
      %lt3A = arith.constant 40 : i32
      %lt3A_34 = arith.cmpi slt, %add3A_33, %lt3A : i32
      %convert_element_type3A = arith.extui %lt3A_34 : i1 to i32
      %cond3A = arith.constant 0 : i32
      %cond3A_35 = arith.cmpi ne, %convert_element_type3A, %cond3A : i32
      scf.if %cond3A_35 {
        %ge3A = arith.constant 1 : i32
        %ge3A_72 = arith.cmpi sge, %add3A_31, %ge3A : i32
        %convert_element_type3A_73 = arith.extui %ge3A_72 : i1 to i32
        %cond3A_74 = arith.constant 0 : i32
        %cond3A_75 = arith.cmpi ne, %convert_element_type3A_73, %cond3A_74 : i32
        scf.if %cond3A_75 {
          %sub3A = arith.constant 1 : i32
          %sub3A_84 = arith.subi %add3A_31, %sub3A : i32
          %mul3A_85 = arith.constant 16 : i32
          %mul3A_86 = arith.muli %sub3A_84, %mul3A_85 : i32
          %add3A_87 = arith.addi %mul3A_2, %mul3A_86 : i32
          %dma_wait3A_88 = arith.constant 0 : i32
          %dma_wait3A_89 = tpu.memref_slice %arg4[%add3A_87, %dma_wait3A_88] : memref<20480x768xf32, #tpu.memory_space<hbm>> -> memref<16x768xf32, #tpu.memory_space<hbm>>
          %dma_wait3A_90 = arith.constant 0 : i32
          %dma_wait3A_91 = tpu.memref_slice %arg4[%add3A_87, %dma_wait3A_90] : memref<20480x768xf32, #tpu.memory_space<hbm>> -> memref<16x768xf32, #tpu.memory_space<hbm>>
          tpu.wait_dma2 semaphore(%arg11 : memref<!tpu.dma_semaphore, #tpu.memory_space<semaphore_mem>>) src(%arg7 : memref<16x768xf32, #tpu.memory_space<vmem>>) dst(%dma_wait3A_91 : memref<16x768xf32, #tpu.memory_space<hbm>>)
        } else {
        }
        %add3A_76 = arith.constant 1 : i32
        %add3A_77 = arith.addi %add3A_31, %add3A_76 : i32
        %dma_start3A_78 = arith.constant 0 : i32
        %dma_start3A_79 = tpu.memref_slice %arg5[%add3A_77, %dma_start3A_78] : memref<40x16xi32, #tpu.memory_space<vmem>> -> memref<1x16xi32, #tpu.memory_space<vmem>>
        %dma_start3A_80 = tpu.memref_squeeze %dma_start3A_79 : memref<1x16xi32, #tpu.memory_space<vmem>> -> memref<16xi32, #tpu.memory_space<vmem>>
        %dma_start3A_81 = arith.constant 0 : i32
        %dma_start3A_82 = arith.constant 0 : i32
        %dma_start3A_83 = tpu.memref_slice %arg3[%dma_start3A_81, %dma_start3A_82] : memref<30522x768xf32, #tpu.memory_space<hbm>> -> memref<30522x768xf32, #tpu.memory_space<hbm>>
        tpu.enqueue_indirect_dma source(%dma_start3A_83 : memref<30522x768xf32, #tpu.memory_space<hbm>>) target(%arg7 : memref<16x768xf32, #tpu.memory_space<vmem>>) offsets(%dma_start3A_80 : memref<16xi32, #tpu.memory_space<vmem>>) semaphore(%arg9 : memref<!tpu.dma_semaphore, #tpu.memory_space<semaphore_mem>>)
      } else {
      }
      %dma_wait3A_36 = arith.constant 0 : i32
      %dma_wait3A_37 = tpu.memref_slice %arg5[%add3A_31, %dma_wait3A_36] : memref<40x16xi32, #tpu.memory_space<vmem>> -> memref<1x16xi32, #tpu.memory_space<vmem>>
      %dma_wait3A_38 = tpu.memref_squeeze %dma_wait3A_37 : memref<1x16xi32, #tpu.memory_space<vmem>> -> memref<16xi32, #tpu.memory_space<vmem>>
      %dma_wait3A_39 = arith.constant 0 : i32
      %dma_wait3A_40 = arith.constant 0 : i32
      %dma_wait3A_41 = tpu.memref_slice %arg3[%dma_wait3A_39, %dma_wait3A_40] : memref<30522x768xf32, #tpu.memory_space<hbm>> -> memref<30522x768xf32, #tpu.memory_space<hbm>>
      tpu.wait_indirect_dma semaphore(%arg8 : memref<!tpu.dma_semaphore, #tpu.memory_space<semaphore_mem>>) src(%dma_wait3A_41 : memref<30522x768xf32, #tpu.memory_space<hbm>>) dst(%arg6 : memref<16x768xf32, #tpu.memory_space<vmem>>)
      %mul3A_42 = arith.constant 16 : i32
      %mul3A_43 = arith.muli %add3A_31, %mul3A_42 : i32
      %add3A_44 = arith.addi %mul3A_2, %mul3A_43 : i32
      %dma_start3A_45 = arith.constant 0 : i32
      %dma_start3A_46 = tpu.memref_slice %arg4[%add3A_44, %dma_start3A_45] : memref<20480x768xf32, #tpu.memory_space<hbm>> -> memref<16x768xf32, #tpu.memory_space<hbm>>
      %dma_start3A_47 = arith.constant 0 : i32
      %dma_start3A_48 = tpu.memref_slice %arg4[%add3A_44, %dma_start3A_47] : memref<20480x768xf32, #tpu.memory_space<hbm>> -> memref<16x768xf32, #tpu.memory_space<hbm>>
      tpu.enqueue_dma source(%arg6 : memref<16x768xf32, #tpu.memory_space<vmem>>) target(%dma_start3A_48 : memref<16x768xf32, #tpu.memory_space<hbm>>) target_semaphore(%arg10 : memref<!tpu.dma_semaphore, #tpu.memory_space<semaphore_mem>>)
      %add3A_49 = arith.constant 1 : i32
      %add3A_50 = arith.addi %mul3A_29, %add3A_49 : i32
      %add3A_51 = arith.constant 1 : i32
      %add3A_52 = arith.addi %add3A_50, %add3A_51 : i32
      %lt3A_53 = arith.constant 40 : i32
      %lt3A_54 = arith.cmpi slt, %add3A_52, %lt3A_53 : i32
      %convert_element_type3A_55 = arith.extui %lt3A_54 : i1 to i32
      %cond3A_56 = arith.constant 0 : i32
      %cond3A_57 = arith.cmpi ne, %convert_element_type3A_55, %cond3A_56 : i32
      scf.if %cond3A_57 {
        %ge3A = arith.constant 1 : i32
        %ge3A_72 = arith.cmpi sge, %add3A_50, %ge3A : i32
        %convert_element_type3A_73 = arith.extui %ge3A_72 : i1 to i32
        %cond3A_74 = arith.constant 0 : i32
        %cond3A_75 = arith.cmpi ne, %convert_element_type3A_73, %cond3A_74 : i32
        scf.if %cond3A_75 {
          %sub3A = arith.constant 1 : i32
          %sub3A_84 = arith.subi %add3A_50, %sub3A : i32
          %mul3A_85 = arith.constant 16 : i32
          %mul3A_86 = arith.muli %sub3A_84, %mul3A_85 : i32
          %add3A_87 = arith.addi %mul3A_2, %mul3A_86 : i32
          %dma_wait3A_88 = arith.constant 0 : i32
          %dma_wait3A_89 = tpu.memref_slice %arg4[%add3A_87, %dma_wait3A_88] : memref<20480x768xf32, #tpu.memory_space<hbm>> -> memref<16x768xf32, #tpu.memory_space<hbm>>
          %dma_wait3A_90 = arith.constant 0 : i32
          %dma_wait3A_91 = tpu.memref_slice %arg4[%add3A_87, %dma_wait3A_90] : memref<20480x768xf32, #tpu.memory_space<hbm>> -> memref<16x768xf32, #tpu.memory_space<hbm>>
          tpu.wait_dma2 semaphore(%arg10 : memref<!tpu.dma_semaphore, #tpu.memory_space<semaphore_mem>>) src(%arg6 : memref<16x768xf32, #tpu.memory_space<vmem>>) dst(%dma_wait3A_91 : memref<16x768xf32, #tpu.memory_space<hbm>>)
        } else {
        }
        %add3A_76 = arith.constant 1 : i32
        %add3A_77 = arith.addi %add3A_50, %add3A_76 : i32
        %dma_start3A_78 = arith.constant 0 : i32
        %dma_start3A_79 = tpu.memref_slice %arg5[%add3A_77, %dma_start3A_78] : memref<40x16xi32, #tpu.memory_space<vmem>> -> memref<1x16xi32, #tpu.memory_space<vmem>>
        %dma_start3A_80 = tpu.memref_squeeze %dma_start3A_79 : memref<1x16xi32, #tpu.memory_space<vmem>> -> memref<16xi32, #tpu.memory_space<vmem>>
        %dma_start3A_81 = arith.constant 0 : i32
        %dma_start3A_82 = arith.constant 0 : i32
        %dma_start3A_83 = tpu.memref_slice %arg3[%dma_start3A_81, %dma_start3A_82] : memref<30522x768xf32, #tpu.memory_space<hbm>> -> memref<30522x768xf32, #tpu.memory_space<hbm>>
        tpu.enqueue_indirect_dma source(%dma_start3A_83 : memref<30522x768xf32, #tpu.memory_space<hbm>>) target(%arg6 : memref<16x768xf32, #tpu.memory_space<vmem>>) offsets(%dma_start3A_80 : memref<16xi32, #tpu.memory_space<vmem>>) semaphore(%arg8 : memref<!tpu.dma_semaphore, #tpu.memory_space<semaphore_mem>>)
      } else {
      }
      %dma_wait3A_58 = arith.constant 0 : i32
      %dma_wait3A_59 = tpu.memref_slice %arg5[%add3A_50, %dma_wait3A_58] : memref<40x16xi32, #tpu.memory_space<vmem>> -> memref<1x16xi32, #tpu.memory_space<vmem>>
      %dma_wait3A_60 = tpu.memref_squeeze %dma_wait3A_59 : memref<1x16xi32, #tpu.memory_space<vmem>> -> memref<16xi32, #tpu.memory_space<vmem>>
      %dma_wait3A_61 = arith.constant 0 : i32
      %dma_wait3A_62 = arith.constant 0 : i32
      %dma_wait3A_63 = tpu.memref_slice %arg3[%dma_wait3A_61, %dma_wait3A_62] : memref<30522x768xf32, #tpu.memory_space<hbm>> -> memref<30522x768xf32, #tpu.memory_space<hbm>>
      tpu.wait_indirect_dma semaphore(%arg9 : memref<!tpu.dma_semaphore, #tpu.memory_space<semaphore_mem>>) src(%dma_wait3A_63 : memref<30522x768xf32, #tpu.memory_space<hbm>>) dst(%arg7 : memref<16x768xf32, #tpu.memory_space<vmem>>)
      %mul3A_64 = arith.constant 16 : i32
      %mul3A_65 = arith.muli %add3A_50, %mul3A_64 : i32
      %add3A_66 = arith.addi %mul3A_2, %mul3A_65 : i32
      %dma_start3A_67 = arith.constant 0 : i32
      %dma_start3A_68 = tpu.memref_slice %arg4[%add3A_66, %dma_start3A_67] : memref<20480x768xf32, #tpu.memory_space<hbm>> -> memref<16x768xf32, #tpu.memory_space<hbm>>
      %dma_start3A_69 = arith.constant 0 : i32
      %dma_start3A_70 = tpu.memref_slice %arg4[%add3A_66, %dma_start3A_69] : memref<20480x768xf32, #tpu.memory_space<hbm>> -> memref<16x768xf32, #tpu.memory_space<hbm>>
      tpu.enqueue_dma source(%arg7 : memref<16x768xf32, #tpu.memory_space<vmem>>) target(%dma_start3A_70 : memref<16x768xf32, #tpu.memory_space<hbm>>) target_semaphore(%arg11 : memref<!tpu.dma_semaphore, #tpu.memory_space<semaphore_mem>>)
      %scan3A_71 = arith.constant 0 : i32
      scf.yield %scan3A_71 : i32
    }
    %scan3A_14 = arith.constant 20 : i32
    %add3A_15 = arith.constant 608 : i32
    %add3A_16 = arith.addi %mul3A_2, %add3A_15 : i32
    %dma_wait3A = arith.constant 0 : i32
    %dma_wait3A_17 = tpu.memref_slice %arg4[%add3A_16, %dma_wait3A] : memref<20480x768xf32, #tpu.memory_space<hbm>> -> memref<16x768xf32, #tpu.memory_space<hbm>>
    %dma_wait3A_18 = arith.constant 0 : i32
    %dma_wait3A_19 = tpu.memref_slice %arg4[%add3A_16, %dma_wait3A_18] : memref<20480x768xf32, #tpu.memory_space<hbm>> -> memref<16x768xf32, #tpu.memory_space<hbm>>
    tpu.wait_dma2 semaphore(%arg10 : memref<!tpu.dma_semaphore, #tpu.memory_space<semaphore_mem>>) src(%arg6 : memref<16x768xf32, #tpu.memory_space<vmem>>) dst(%dma_wait3A_19 : memref<16x768xf32, #tpu.memory_space<hbm>>)
    %add3A_20 = arith.constant 624 : i32
    %add3A_21 = arith.addi %mul3A_2, %add3A_20 : i32
    %dma_wait3A_22 = arith.constant 0 : i32
    %dma_wait3A_23 = tpu.memref_slice %arg4[%add3A_21, %dma_wait3A_22] : memref<20480x768xf32, #tpu.memory_space<hbm>> -> memref<16x768xf32, #tpu.memory_space<hbm>>
    %dma_wait3A_24 = arith.constant 0 : i32
    %dma_wait3A_25 = tpu.memref_slice %arg4[%add3A_21, %dma_wait3A_24] : memref<20480x768xf32, #tpu.memory_space<hbm>> -> memref<16x768xf32, #tpu.memory_space<hbm>>
    tpu.wait_dma2 semaphore(%arg11 : memref<!tpu.dma_semaphore, #tpu.memory_space<semaphore_mem>>) src(%arg7 : memref<16x768xf32, #tpu.memory_space<vmem>>) dst(%dma_wait3A_25 : memref<16x768xf32, #tpu.memory_space<hbm>>)
    return
  }
}

#map = affine_map<(d0, d1) -> (0, 0, 0)>
#map1 = affine_map<(d0, d1) -> (0, 0)>
module attributes {stable_mosaic.version = 14 : i64} {
  func.func @body(%arg0: i32, %arg1: i32, %arg2: memref<32x40x16xi32, #tpu.memory_space<hbm>>, %arg3: memref<30522x768xf32, #tpu.memory_space<hbm>>, %arg4: memref<20480x768xf32, #tpu.memory_space<hbm>>, %arg5: memref<40x16xi32, #tpu.memory_space<vmem>>, %arg6: memref<16x768xf32, #tpu.memory_space<vmem>>, %arg7: memref<16x768xf32, #tpu.memory_space<vmem>>, %arg8: memref<!tpu.dma_semaphore, #tpu.memory_space<semaphore_mem>>, %arg9: memref<!tpu.dma_semaphore, #tpu.memory_space<semaphore_mem>>, %arg10: memref<!tpu.dma_semaphore, #tpu.memory_space<semaphore_mem>>, %arg11: memref<!tpu.dma_semaphore, #tpu.memory_space<semaphore_mem>>) attributes {dimension_semantics = [#tpu.dimension_semantics<core_parallel>, #tpu.dimension_semantics<subcore_parallel>], iteration_bounds = array<i64: 2, 16>, scalar_prefetch = 0 : i64, scratch_operands = 7 : i64, tpu.core_type = #tpu.core_type<sc_vector_subcore>, window_params = [{transform_indices = #map}, {transform_indices = #map1}, {transform_indices = #map1}]} {
    %mul3A = arith.constant 2 : i32
    %mul3A_0 = arith.muli %arg1, %mul3A : i32
    %add3A = arith.addi %mul3A_0, %arg0 : i32
    %mul3A_1 = arith.constant 640 : i32
    %mul3A_2 = arith.muli %add3A, %mul3A_1 : i32
    "tpu.region"() ({
      %run_scoped3A = tpu.sem_alloc : memref<!tpu.dma_semaphore, #tpu.memory_space<semaphore_mem>>
      %dma_start3A_26 = arith.constant 0 : i32
      %dma_start3A_27 = arith.constant 0 : i32
      %dma_start3A_28 = tpu.memref_slice %arg2[%add3A, %dma_start3A_26, %dma_start3A_27] : memref<32x40x16xi32, #tpu.memory_space<hbm>> -> memref<1x40x16xi32, #tpu.memory_space<hbm>>
      %dma_start3A_29 = tpu.memref_squeeze %dma_start3A_28 : memref<1x40x16xi32, #tpu.memory_space<hbm>> -> memref<40x16xi32, #tpu.memory_space<hbm>>
      %dma_start3A_30 = arith.constant 0 : i32
      %dma_start3A_31 = arith.constant 0 : i32
      %dma_start3A_32 = tpu.memref_slice %arg2[%add3A, %dma_start3A_30, %dma_start3A_31] : memref<32x40x16xi32, #tpu.memory_space<hbm>> -> memref<1x40x16xi32, #tpu.memory_space<hbm>>
      %dma_start3A_33 = tpu.memref_squeeze %dma_start3A_32 : memref<1x40x16xi32, #tpu.memory_space<hbm>> -> memref<40x16xi32, #tpu.memory_space<hbm>>
      tpu.enqueue_dma source(%dma_start3A_33 : memref<40x16xi32, #tpu.memory_space<hbm>>) target(%arg5 : memref<40x16xi32, #tpu.memory_space<vmem>>) target_semaphore(%run_scoped3A : memref<!tpu.dma_semaphore, #tpu.memory_space<semaphore_mem>>)
      %dma_wait3A_34 = arith.constant 0 : i32
      %dma_wait3A_35 = arith.constant 0 : i32
      %dma_wait3A_36 = tpu.memref_slice %arg2[%add3A, %dma_wait3A_34, %dma_wait3A_35] : memref<32x40x16xi32, #tpu.memory_space<hbm>> -> memref<1x40x16xi32, #tpu.memory_space<hbm>>
      %dma_wait3A_37 = tpu.memref_squeeze %dma_wait3A_36 : memref<1x40x16xi32, #tpu.memory_space<hbm>> -> memref<40x16xi32, #tpu.memory_space<hbm>>
      %dma_wait3A_38 = arith.constant 0 : i32
      %dma_wait3A_39 = arith.constant 0 : i32
      %dma_wait3A_40 = tpu.memref_slice %arg2[%add3A, %dma_wait3A_38, %dma_wait3A_39] : memref<32x40x16xi32, #tpu.memory_space<hbm>> -> memref<1x40x16xi32, #tpu.memory_space<hbm>>
      %dma_wait3A_41 = tpu.memref_squeeze %dma_wait3A_40 : memref<1x40x16xi32, #tpu.memory_space<hbm>> -> memref<40x16xi32, #tpu.memory_space<hbm>>
      tpu.wait_dma2 semaphore(%run_scoped3A : memref<!tpu.dma_semaphore, #tpu.memory_space<semaphore_mem>>) src(%dma_wait3A_41 : memref<40x16xi32, #tpu.memory_space<hbm>>) dst(%arg5 : memref<40x16xi32, #tpu.memory_space<vmem>>)
      tpu.yield
    }) : () -> ()
    %dma_start3A = arith.constant 0 : i32
    %dma_start3A_3 = arith.constant 0 : i32
    %dma_start3A_4 = tpu.memref_slice %arg5[%dma_start3A, %dma_start3A_3] : memref<40x16xi32, #tpu.memory_space<vmem>> -> memref<1x16xi32, #tpu.memory_space<vmem>>
    %dma_start3A_5 = tpu.memref_squeeze %dma_start3A_4 : memref<1x16xi32, #tpu.memory_space<vmem>> -> memref<16xi32, #tpu.memory_space<vmem>>
    %dma_start3A_6 = arith.constant 0 : i32
    %dma_start3A_7 = arith.constant 0 : i32
    %dma_start3A_8 = tpu.memref_slice %arg3[%dma_start3A_6, %dma_start3A_7] : memref<30522x768xf32, #tpu.memory_space<hbm>> -> memref<30522x768xf32, #tpu.memory_space<hbm>>
    tpu.enqueue_indirect_dma source(%dma_start3A_8 : memref<30522x768xf32, #tpu.memory_space<hbm>>) target(%arg6 : memref<16x768xf32, #tpu.memory_space<vmem>>) offsets(%dma_start3A_5 : memref<16xi32, #tpu.memory_space<vmem>>) semaphore(%arg8 : memref<!tpu.dma_semaphore, #tpu.memory_space<semaphore_mem>>)
    %scan3A = arith.constant 0 : i32
    %scan3A_9 = arith.constant 0 : i32
    %scan3A_10 = arith.constant 20 : i32
    %scan3A_11 = arith.addi %scan3A_9, %scan3A_10 : i32
    %scan3A_12 = arith.constant 1 : i32
    %scan3A_13 = scf.for %scan3A_26 = %scan3A_9 to %scan3A_11 step %scan3A_12 iter_args(%scan3A_27 = %scan3A) -> (i32)  : i32 {
      %mul3A_28 = arith.constant 2 : i32
      %mul3A_29 = arith.muli %scan3A_26, %mul3A_28 : i32
      %add3A_30 = arith.constant 0 : i32
      %add3A_31 = arith.addi %mul3A_29, %add3A_30 : i32
      %add3A_32 = arith.constant 1 : i32
      %add3A_33 = arith.addi %add3A_31, %add3A_32 : i32
      %lt3A = arith.constant 40 : i32
      %lt3A_34 = arith.cmpi slt, %add3A_33, %lt3A : i32
      %convert_element_type3A = arith.extui %lt3A_34 : i1 to i32
      %cond3A = arith.constant 0 : i32
      %cond3A_35 = arith.cmpi ne, %convert_element_type3A, %cond3A : i32
      scf.if %cond3A_35 {
        %ge3A = arith.constant 1 : i32
        %ge3A_72 = arith.cmpi sge, %add3A_31, %ge3A : i32
        %convert_element_type3A_73 = arith.extui %ge3A_72 : i1 to i32
        %cond3A_74 = arith.constant 0 : i32
        %cond3A_75 = arith.cmpi ne, %convert_element_type3A_73, %cond3A_74 : i32
        scf.if %cond3A_75 {
          %sub3A = arith.constant 1 : i32
          %sub3A_84 = arith.subi %add3A_31, %sub3A : i32
          %mul3A_85 = arith.constant 16 : i32
          %mul3A_86 = arith.muli %sub3A_84, %mul3A_85 : i32
          %add3A_87 = arith.addi %mul3A_2, %mul3A_86 : i32
          %dma_wait3A_88 = arith.constant 0 : i32
          %dma_wait3A_89 = tpu.memref_slice %arg4[%add3A_87, %dma_wait3A_88] : memref<20480x768xf32, #tpu.memory_space<hbm>> -> memref<16x768xf32, #tpu.memory_space<hbm>>
          %dma_wait3A_90 = arith.constant 0 : i32
          %dma_wait3A_91 = tpu.memref_slice %arg4[%add3A_87, %dma_wait3A_90] : memref<20480x768xf32, #tpu.memory_space<hbm>> -> memref<16x768xf32, #tpu.memory_space<hbm>>
          tpu.wait_dma2 semaphore(%arg11 : memref<!tpu.dma_semaphore, #tpu.memory_space<semaphore_mem>>) src(%arg7 : memref<16x768xf32, #tpu.memory_space<vmem>>) dst(%dma_wait3A_91 : memref<16x768xf32, #tpu.memory_space<hbm>>)
        } else {
        }
        %add3A_76 = arith.constant 1 : i32
        %add3A_77 = arith.addi %add3A_31, %add3A_76 : i32
        %dma_start3A_78 = arith.constant 0 : i32
        %dma_start3A_79 = tpu.memref_slice %arg5[%add3A_77, %dma_start3A_78] : memref<40x16xi32, #tpu.memory_space<vmem>> -> memref<1x16xi32, #tpu.memory_space<vmem>>
        %dma_start3A_80 = tpu.memref_squeeze %dma_start3A_79 : memref<1x16xi32, #tpu.memory_space<vmem>> -> memref<16xi32, #tpu.memory_space<vmem>>
        %dma_start3A_81 = arith.constant 0 : i32
        %dma_start3A_82 = arith.constant 0 : i32
        %dma_start3A_83 = tpu.memref_slice %arg3[%dma_start3A_81, %dma_start3A_82] : memref<30522x768xf32, #tpu.memory_space<hbm>> -> memref<30522x768xf32, #tpu.memory_space<hbm>>
        tpu.enqueue_indirect_dma source(%dma_start3A_83 : memref<30522x768xf32, #tpu.memory_space<hbm>>) target(%arg7 : memref<16x768xf32, #tpu.memory_space<vmem>>) offsets(%dma_start3A_80 : memref<16xi32, #tpu.memory_space<vmem>>) semaphore(%arg9 : memref<!tpu.dma_semaphore, #tpu.memory_space<semaphore_mem>>)
      } else {
      }
      %dma_wait3A_36 = arith.constant 0 : i32
      %dma_wait3A_37 = tpu.memref_slice %arg5[%add3A_31, %dma_wait3A_36] : memref<40x16xi32, #tpu.memory_space<vmem>> -> memref<1x16xi32, #tpu.memory_space<vmem>>
      %dma_wait3A_38 = tpu.memref_squeeze %dma_wait3A_37 : memref<1x16xi32, #tpu.memory_space<vmem>> -> memref<16xi32, #tpu.memory_space<vmem>>
      %dma_wait3A_39 = arith.constant 0 : i32
      %dma_wait3A_40 = arith.constant 0 : i32
      %dma_wait3A_41 = tpu.memref_slice %arg3[%dma_wait3A_39, %dma_wait3A_40] : memref<30522x768xf32, #tpu.memory_space<hbm>> -> memref<30522x768xf32, #tpu.memory_space<hbm>>
      tpu.wait_indirect_dma semaphore(%arg8 : memref<!tpu.dma_semaphore, #tpu.memory_space<semaphore_mem>>) src(%dma_wait3A_41 : memref<30522x768xf32, #tpu.memory_space<hbm>>) dst(%arg6 : memref<16x768xf32, #tpu.memory_space<vmem>>)
      %mul3A_42 = arith.constant 16 : i32
      %mul3A_43 = arith.muli %add3A_31, %mul3A_42 : i32
      %add3A_44 = arith.addi %mul3A_2, %mul3A_43 : i32
      %dma_start3A_45 = arith.constant 0 : i32
      %dma_start3A_46 = tpu.memref_slice %arg4[%add3A_44, %dma_start3A_45] : memref<20480x768xf32, #tpu.memory_space<hbm>> -> memref<16x768xf32, #tpu.memory_space<hbm>>
      %dma_start3A_47 = arith.constant 0 : i32
      %dma_start3A_48 = tpu.memref_slice %arg4[%add3A_44, %dma_start3A_47] : memref<20480x768xf32, #tpu.memory_space<hbm>> -> memref<16x768xf32, #tpu.memory_space<hbm>>
      tpu.enqueue_dma source(%arg6 : memref<16x768xf32, #tpu.memory_space<vmem>>) target(%dma_start3A_48 : memref<16x768xf32, #tpu.memory_space<hbm>>) target_semaphore(%arg10 : memref<!tpu.dma_semaphore, #tpu.memory_space<semaphore_mem>>)
      %add3A_49 = arith.constant 1 : i32
      %add3A_50 = arith.addi %mul3A_29, %add3A_49 : i32
      %add3A_51 = arith.constant 1 : i32
      %add3A_52 = arith.addi %add3A_50, %add3A_51 : i32
      %lt3A_53 = arith.constant 40 : i32
      %lt3A_54 = arith.cmpi slt, %add3A_52, %lt3A_53 : i32
      %convert_element_type3A_55 = arith.extui %lt3A_54 : i1 to i32
      %cond3A_56 = arith.constant 0 : i32
      %cond3A_57 = arith.cmpi ne, %convert_element_type3A_55, %cond3A_56 : i32
      scf.if %cond3A_57 {
        %ge3A = arith.constant 1 : i32
        %ge3A_72 = arith.cmpi sge, %add3A_50, %ge3A : i32
        %convert_element_type3A_73 = arith.extui %ge3A_72 : i1 to i32
        %cond3A_74 = arith.constant 0 : i32
        %cond3A_75 = arith.cmpi ne, %convert_element_type3A_73, %cond3A_74 : i32
        scf.if %cond3A_75 {
          %sub3A = arith.constant 1 : i32
          %sub3A_84 = arith.subi %add3A_50, %sub3A : i32
          %mul3A_85 = arith.constant 16 : i32
          %mul3A_86 = arith.muli %sub3A_84, %mul3A_85 : i32
          %add3A_87 = arith.addi %mul3A_2, %mul3A_86 : i32
          %dma_wait3A_88 = arith.constant 0 : i32
          %dma_wait3A_89 = tpu.memref_slice %arg4[%add3A_87, %dma_wait3A_88] : memref<20480x768xf32, #tpu.memory_space<hbm>> -> memref<16x768xf32, #tpu.memory_space<hbm>>
          %dma_wait3A_90 = arith.constant 0 : i32
          %dma_wait3A_91 = tpu.memref_slice %arg4[%add3A_87, %dma_wait3A_90] : memref<20480x768xf32, #tpu.memory_space<hbm>> -> memref<16x768xf32, #tpu.memory_space<hbm>>
          tpu.wait_dma2 semaphore(%arg10 : memref<!tpu.dma_semaphore, #tpu.memory_space<semaphore_mem>>) src(%arg6 : memref<16x768xf32, #tpu.memory_space<vmem>>) dst(%dma_wait3A_91 : memref<16x768xf32, #tpu.memory_space<hbm>>)
        } else {
        }
        %add3A_76 = arith.constant 1 : i32
        %add3A_77 = arith.addi %add3A_50, %add3A_76 : i32
        %dma_start3A_78 = arith.constant 0 : i32
        %dma_start3A_79 = tpu.memref_slice %arg5[%add3A_77, %dma_start3A_78] : memref<40x16xi32, #tpu.memory_space<vmem>> -> memref<1x16xi32, #tpu.memory_space<vmem>>
        %dma_start3A_80 = tpu.memref_squeeze %dma_start3A_79 : memref<1x16xi32, #tpu.memory_space<vmem>> -> memref<16xi32, #tpu.memory_space<vmem>>
        %dma_start3A_81 = arith.constant 0 : i32
        %dma_start3A_82 = arith.constant 0 : i32
        %dma_start3A_83 = tpu.memref_slice %arg3[%dma_start3A_81, %dma_start3A_82] : memref<30522x768xf32, #tpu.memory_space<hbm>> -> memref<30522x768xf32, #tpu.memory_space<hbm>>
        tpu.enqueue_indirect_dma source(%dma_start3A_83 : memref<30522x768xf32, #tpu.memory_space<hbm>>) target(%arg6 : memref<16x768xf32, #tpu.memory_space<vmem>>) offsets(%dma_start3A_80 : memref<16xi32, #tpu.memory_space<vmem>>) semaphore(%arg8 : memref<!tpu.dma_semaphore, #tpu.memory_space<semaphore_mem>>)
      } else {
      }
      %dma_wait3A_58 = arith.constant 0 : i32
      %dma_wait3A_59 = tpu.memref_slice %arg5[%add3A_50, %dma_wait3A_58] : memref<40x16xi32, #tpu.memory_space<vmem>> -> memref<1x16xi32, #tpu.memory_space<vmem>>
      %dma_wait3A_60 = tpu.memref_squeeze %dma_wait3A_59 : memref<1x16xi32, #tpu.memory_space<vmem>> -> memref<16xi32, #tpu.memory_space<vmem>>
      %dma_wait3A_61 = arith.constant 0 : i32
      %dma_wait3A_62 = arith.constant 0 : i32
      %dma_wait3A_63 = tpu.memref_slice %arg3[%dma_wait3A_61, %dma_wait3A_62] : memref<30522x768xf32, #tpu.memory_space<hbm>> -> memref<30522x768xf32, #tpu.memory_space<hbm>>
      tpu.wait_indirect_dma semaphore(%arg9 : memref<!tpu.dma_semaphore, #tpu.memory_space<semaphore_mem>>) src(%dma_wait3A_63 : memref<30522x768xf32, #tpu.memory_space<hbm>>) dst(%arg7 : memref<16x768xf32, #tpu.memory_space<vmem>>)
      %mul3A_64 = arith.constant 16 : i32
      %mul3A_65 = arith.muli %add3A_50, %mul3A_64 : i32
      %add3A_66 = arith.addi %mul3A_2, %mul3A_65 : i32
      %dma_start3A_67 = arith.constant 0 : i32
      %dma_start3A_68 = tpu.memref_slice %arg4[%add3A_66, %dma_start3A_67] : memref<20480x768xf32, #tpu.memory_space<hbm>> -> memref<16x768xf32, #tpu.memory_space<hbm>>
      %dma_start3A_69 = arith.constant 0 : i32
      %dma_start3A_70 = tpu.memref_slice %arg4[%add3A_66, %dma_start3A_69] : memref<20480x768xf32, #tpu.memory_space<hbm>> -> memref<16x768xf32, #tpu.memory_space<hbm>>
      tpu.enqueue_dma source(%arg7 : memref<16x768xf32, #tpu.memory_space<vmem>>) target(%dma_start3A_70 : memref<16x768xf32, #tpu.memory_space<hbm>>) target_semaphore(%arg11 : memref<!tpu.dma_semaphore, #tpu.memory_space<semaphore_mem>>)
      %scan3A_71 = arith.constant 0 : i32
      scf.yield %scan3A_71 : i32
    }
    %scan3A_14 = arith.constant 20 : i32
    %add3A_15 = arith.constant 608 : i32
    %add3A_16 = arith.addi %mul3A_2, %add3A_15 : i32
    %dma_wait3A = arith.constant 0 : i32
    %dma_wait3A_17 = tpu.memref_slice %arg4[%add3A_16, %dma_wait3A] : memref<20480x768xf32, #tpu.memory_space<hbm>> -> memref<16x768xf32, #tpu.memory_space<hbm>>
    %dma_wait3A_18 = arith.constant 0 : i32
    %dma_wait3A_19 = tpu.memref_slice %arg4[%add3A_16, %dma_wait3A_18] : memref<20480x768xf32, #tpu.memory_space<hbm>> -> memref<16x768xf32, #tpu.memory_space<hbm>>
    tpu.wait_dma2 semaphore(%arg10 : memref<!tpu.dma_semaphore, #tpu.memory_space<semaphore_mem>>) src(%arg6 : memref<16x768xf32, #tpu.memory_space<vmem>>) dst(%dma_wait3A_19 : memref<16x768xf32, #tpu.memory_space<hbm>>)
    %add3A_20 = arith.constant 624 : i32
    %add3A_21 = arith.addi %mul3A_2, %add3A_20 : i32
    %dma_wait3A_22 = arith.constant 0 : i32
    %dma_wait3A_23 = tpu.memref_slice %arg4[%add3A_21, %dma_wait3A_22] : memref<20480x768xf32, #tpu.memory_space<hbm>> -> memref<16x768xf32, #tpu.memory_space<hbm>>
    %dma_wait3A_24 = arith.constant 0 : i32
    %dma_wait3A_25 = tpu.memref_slice %arg4[%add3A_21, %dma_wait3A_24] : memref<20480x768xf32, #tpu.memory_space<hbm>> -> memref<16x768xf32, #tpu.memory_space<hbm>>
    tpu.wait_dma2 semaphore(%arg11 : memref<!tpu.dma_semaphore, #tpu.memory_space<semaphore_mem>>) src(%arg7 : memref<16x768xf32, #tpu.memory_space<vmem>>) dst(%dma_wait3A_25 : memref<16x768xf32, #tpu.memory_space<hbm>>)
    return
  }
}

#map = affine_map<(d0, d1) -> (0, 0, 0)>
#map1 = affine_map<(d0, d1) -> (0, 0)>
module attributes {stable_mosaic.version = 14 : i64} {
  func.func @body(%arg0: i32, %arg1: i32, %arg2: memref<32x40x16xi32, #tpu.memory_space<hbm>>, %arg3: memref<30522x768xf32, #tpu.memory_space<hbm>>, %arg4: memref<20480x768xf32, #tpu.memory_space<hbm>>, %arg5: memref<40x16xi32, #tpu.memory_space<vmem>>, %arg6: memref<16x768xf32, #tpu.memory_space<vmem>>, %arg7: memref<16x768xf32, #tpu.memory_space<vmem>>, %arg8: memref<!tpu.dma_semaphore, #tpu.memory_space<semaphore_mem>>, %arg9: memref<!tpu.dma_semaphore, #tpu.memory_space<semaphore_mem>>, %arg10: memref<!tpu.dma_semaphore, #tpu.memory_space<semaphore_mem>>, %arg11: memref<!tpu.dma_semaphore, #tpu.memory_space<semaphore_mem>>) attributes {dimension_semantics = [#tpu.dimension_semantics<core_parallel>, #tpu.dimension_semantics<subcore_parallel>], iteration_bounds = array<i64: 2, 16>, scalar_prefetch = 0 : i64, scratch_operands = 7 : i64, tpu.core_type = #tpu.core_type<sc_vector_subcore>, window_params = [{transform_indices = #map}, {transform_indices = #map1}, {transform_indices = #map1}]} {
    %mul3A = arith.constant 2 : i32
    %mul3A_0 = arith.muli %arg1, %mul3A : i32
    %add3A = arith.addi %mul3A_0, %arg0 : i32
    %mul3A_1 = arith.constant 640 : i32
    %mul3A_2 = arith.muli %add3A, %mul3A_1 : i32
    "tpu.region"() ({
      %run_scoped3A = tpu.sem_alloc : memref<!tpu.dma_semaphore, #tpu.memory_space<semaphore_mem>>
      %dma_start3A_26 = arith.constant 0 : i32
      %dma_start3A_27 = arith.constant 0 : i32
      %dma_start3A_28 = tpu.memref_slice %arg2[%add3A, %dma_start3A_26, %dma_start3A_27] : memref<32x40x16xi32, #tpu.memory_space<hbm>> -> memref<1x40x16xi32, #tpu.memory_space<hbm>>
      %dma_start3A_29 = tpu.memref_squeeze %dma_start3A_28 : memref<1x40x16xi32, #tpu.memory_space<hbm>> -> memref<40x16xi32, #tpu.memory_space<hbm>>
      %dma_start3A_30 = arith.constant 0 : i32
      %dma_start3A_31 = arith.constant 0 : i32
      %dma_start3A_32 = tpu.memref_slice %arg2[%add3A, %dma_start3A_30, %dma_start3A_31] : memref<32x40x16xi32, #tpu.memory_space<hbm>> -> memref<1x40x16xi32, #tpu.memory_space<hbm>>
      %dma_start3A_33 = tpu.memref_squeeze %dma_start3A_32 : memref<1x40x16xi32, #tpu.memory_space<hbm>> -> memref<40x16xi32, #tpu.memory_space<hbm>>
      tpu.enqueue_dma source(%dma_start3A_33 : memref<40x16xi32, #tpu.memory_space<hbm>>) target(%arg5 : memref<40x16xi32, #tpu.memory_space<vmem>>) target_semaphore(%run_scoped3A : memref<!tpu.dma_semaphore, #tpu.memory_space<semaphore_mem>>)
      %dma_wait3A_34 = arith.constant 0 : i32
      %dma_wait3A_35 = arith.constant 0 : i32
      %dma_wait3A_36 = tpu.memref_slice %arg2[%add3A, %dma_wait3A_34, %dma_wait3A_35] : memref<32x40x16xi32, #tpu.memory_space<hbm>> -> memref<1x40x16xi32, #tpu.memory_space<hbm>>
      %dma_wait3A_37 = tpu.memref_squeeze %dma_wait3A_36 : memref<1x40x16xi32, #tpu.memory_space<hbm>> -> memref<40x16xi32, #tpu.memory_space<hbm>>
      %dma_wait3A_38 = arith.constant 0 : i32
      %dma_wait3A_39 = arith.constant 0 : i32
      %dma_wait3A_40 = tpu.memref_slice %arg2[%add3A, %dma_wait3A_38, %dma_wait3A_39] : memref<32x40x16xi32, #tpu.memory_space<hbm>> -> memref<1x40x16xi32, #tpu.memory_space<hbm>>
      %dma_wait3A_41 = tpu.memref_squeeze %dma_wait3A_40 : memref<1x40x16xi32, #tpu.memory_space<hbm>> -> memref<40x16xi32, #tpu.memory_space<hbm>>
      tpu.wait_dma2 semaphore(%run_scoped3A : memref<!tpu.dma_semaphore, #tpu.memory_space<semaphore_mem>>) src(%dma_wait3A_41 : memref<40x16xi32, #tpu.memory_space<hbm>>) dst(%arg5 : memref<40x16xi32, #tpu.memory_space<vmem>>)
      tpu.yield
    }) : () -> ()
    %dma_start3A = arith.constant 0 : i32
    %dma_start3A_3 = arith.constant 0 : i32
    %dma_start3A_4 = tpu.memref_slice %arg5[%dma_start3A, %dma_start3A_3] : memref<40x16xi32, #tpu.memory_space<vmem>> -> memref<1x16xi32, #tpu.memory_space<vmem>>
    %dma_start3A_5 = tpu.memref_squeeze %dma_start3A_4 : memref<1x16xi32, #tpu.memory_space<vmem>> -> memref<16xi32, #tpu.memory_space<vmem>>
    %dma_start3A_6 = arith.constant 0 : i32
    %dma_start3A_7 = arith.constant 0 : i32
    %dma_start3A_8 = tpu.memref_slice %arg3[%dma_start3A_6, %dma_start3A_7] : memref<30522x768xf32, #tpu.memory_space<hbm>> -> memref<30522x768xf32, #tpu.memory_space<hbm>>
    tpu.enqueue_indirect_dma source(%dma_start3A_8 : memref<30522x768xf32, #tpu.memory_space<hbm>>) target(%arg6 : memref<16x768xf32, #tpu.memory_space<vmem>>) offsets(%dma_start3A_5 : memref<16xi32, #tpu.memory_space<vmem>>) semaphore(%arg8 : memref<!tpu.dma_semaphore, #tpu.memory_space<semaphore_mem>>)
    %scan3A = arith.constant 0 : i32
    %scan3A_9 = arith.constant 0 : i32
    %scan3A_10 = arith.constant 20 : i32
    %scan3A_11 = arith.addi %scan3A_9, %scan3A_10 : i32
    %scan3A_12 = arith.constant 1 : i32
    %scan3A_13 = scf.for %scan3A_26 = %scan3A_9 to %scan3A_11 step %scan3A_12 iter_args(%scan3A_27 = %scan3A) -> (i32)  : i32 {
      %mul3A_28 = arith.constant 2 : i32
      %mul3A_29 = arith.muli %scan3A_26, %mul3A_28 : i32
      %add3A_30 = arith.constant 0 : i32
      %add3A_31 = arith.addi %mul3A_29, %add3A_30 : i32
      %add3A_32 = arith.constant 1 : i32
      %add3A_33 = arith.addi %add3A_31, %add3A_32 : i32
      %lt3A = arith.constant 40 : i32
      %lt3A_34 = arith.cmpi slt, %add3A_33, %lt3A : i32
      %convert_element_type3A = arith.extui %lt3A_34 : i1 to i32
      %cond3A = arith.constant 0 : i32
      %cond3A_35 = arith.cmpi ne, %convert_element_type3A, %cond3A : i32
      scf.if %cond3A_35 {
        %ge3A = arith.constant 1 : i32
        %ge3A_72 = arith.cmpi sge, %add3A_31, %ge3A : i32
        %convert_element_type3A_73 = arith.extui %ge3A_72 : i1 to i32
        %cond3A_74 = arith.constant 0 : i32
        %cond3A_75 = arith.cmpi ne, %convert_element_type3A_73, %cond3A_74 : i32
        scf.if %cond3A_75 {
          %sub3A = arith.constant 1 : i32
          %sub3A_84 = arith.subi %add3A_31, %sub3A : i32
          %mul3A_85 = arith.constant 16 : i32
          %mul3A_86 = arith.muli %sub3A_84, %mul3A_85 : i32
          %add3A_87 = arith.addi %mul3A_2, %mul3A_86 : i32
          %dma_wait3A_88 = arith.constant 0 : i32
          %dma_wait3A_89 = tpu.memref_slice %arg4[%add3A_87, %dma_wait3A_88] : memref<20480x768xf32, #tpu.memory_space<hbm>> -> memref<16x768xf32, #tpu.memory_space<hbm>>
          %dma_wait3A_90 = arith.constant 0 : i32
          %dma_wait3A_91 = tpu.memref_slice %arg4[%add3A_87, %dma_wait3A_90] : memref<20480x768xf32, #tpu.memory_space<hbm>> -> memref<16x768xf32, #tpu.memory_space<hbm>>
          tpu.wait_dma2 semaphore(%arg11 : memref<!tpu.dma_semaphore, #tpu.memory_space<semaphore_mem>>) src(%arg7 : memref<16x768xf32, #tpu.memory_space<vmem>>) dst(%dma_wait3A_91 : memref<16x768xf32, #tpu.memory_space<hbm>>)
        } else {
        }
        %add3A_76 = arith.constant 1 : i32
        %add3A_77 = arith.addi %add3A_31, %add3A_76 : i32
        %dma_start3A_78 = arith.constant 0 : i32
        %dma_start3A_79 = tpu.memref_slice %arg5[%add3A_77, %dma_start3A_78] : memref<40x16xi32, #tpu.memory_space<vmem>> -> memref<1x16xi32, #tpu.memory_space<vmem>>
        %dma_start3A_80 = tpu.memref_squeeze %dma_start3A_79 : memref<1x16xi32, #tpu.memory_space<vmem>> -> memref<16xi32, #tpu.memory_space<vmem>>
        %dma_start3A_81 = arith.constant 0 : i32
        %dma_start3A_82 = arith.constant 0 : i32
        %dma_start3A_83 = tpu.memref_slice %arg3[%dma_start3A_81, %dma_start3A_82] : memref<30522x768xf32, #tpu.memory_space<hbm>> -> memref<30522x768xf32, #tpu.memory_space<hbm>>
        tpu.enqueue_indirect_dma source(%dma_start3A_83 : memref<30522x768xf32, #tpu.memory_space<hbm>>) target(%arg7 : memref<16x768xf32, #tpu.memory_space<vmem>>) offsets(%dma_start3A_80 : memref<16xi32, #tpu.memory_space<vmem>>) semaphore(%arg9 : memref<!tpu.dma_semaphore, #tpu.memory_space<semaphore_mem>>)
      } else {
      }
      %dma_wait3A_36 = arith.constant 0 : i32
      %dma_wait3A_37 = tpu.memref_slice %arg5[%add3A_31, %dma_wait3A_36] : memref<40x16xi32, #tpu.memory_space<vmem>> -> memref<1x16xi32, #tpu.memory_space<vmem>>
      %dma_wait3A_38 = tpu.memref_squeeze %dma_wait3A_37 : memref<1x16xi32, #tpu.memory_space<vmem>> -> memref<16xi32, #tpu.memory_space<vmem>>
      %dma_wait3A_39 = arith.constant 0 : i32
      %dma_wait3A_40 = arith.constant 0 : i32
      %dma_wait3A_41 = tpu.memref_slice %arg3[%dma_wait3A_39, %dma_wait3A_40] : memref<30522x768xf32, #tpu.memory_space<hbm>> -> memref<30522x768xf32, #tpu.memory_space<hbm>>
      tpu.wait_indirect_dma semaphore(%arg8 : memref<!tpu.dma_semaphore, #tpu.memory_space<semaphore_mem>>) src(%dma_wait3A_41 : memref<30522x768xf32, #tpu.memory_space<hbm>>) dst(%arg6 : memref<16x768xf32, #tpu.memory_space<vmem>>)
      %mul3A_42 = arith.constant 16 : i32
      %mul3A_43 = arith.muli %add3A_31, %mul3A_42 : i32
      %add3A_44 = arith.addi %mul3A_2, %mul3A_43 : i32
      %dma_start3A_45 = arith.constant 0 : i32
      %dma_start3A_46 = tpu.memref_slice %arg4[%add3A_44, %dma_start3A_45] : memref<20480x768xf32, #tpu.memory_space<hbm>> -> memref<16x768xf32, #tpu.memory_space<hbm>>
      %dma_start3A_47 = arith.constant 0 : i32
      %dma_start3A_48 = tpu.memref_slice %arg4[%add3A_44, %dma_start3A_47] : memref<20480x768xf32, #tpu.memory_space<hbm>> -> memref<16x768xf32, #tpu.memory_space<hbm>>
      tpu.enqueue_dma source(%arg6 : memref<16x768xf32, #tpu.memory_space<vmem>>) target(%dma_start3A_48 : memref<16x768xf32, #tpu.memory_space<hbm>>) target_semaphore(%arg10 : memref<!tpu.dma_semaphore, #tpu.memory_space<semaphore_mem>>)
      %add3A_49 = arith.constant 1 : i32
      %add3A_50 = arith.addi %mul3A_29, %add3A_49 : i32
      %add3A_51 = arith.constant 1 : i32
      %add3A_52 = arith.addi %add3A_50, %add3A_51 : i32
      %lt3A_53 = arith.constant 40 : i32
      %lt3A_54 = arith.cmpi slt, %add3A_52, %lt3A_53 : i32
      %convert_element_type3A_55 = arith.extui %lt3A_54 : i1 to i32
      %cond3A_56 = arith.constant 0 : i32
      %cond3A_57 = arith.cmpi ne, %convert_element_type3A_55, %cond3A_56 : i32
      scf.if %cond3A_57 {
        %ge3A = arith.constant 1 : i32
        %ge3A_72 = arith.cmpi sge, %add3A_50, %ge3A : i32
        %convert_element_type3A_73 = arith.extui %ge3A_72 : i1 to i32
        %cond3A_74 = arith.constant 0 : i32
        %cond3A_75 = arith.cmpi ne, %convert_element_type3A_73, %cond3A_74 : i32
        scf.if %cond3A_75 {
          %sub3A = arith.constant 1 : i32
          %sub3A_84 = arith.subi %add3A_50, %sub3A : i32
          %mul3A_85 = arith.constant 16 : i32
          %mul3A_86 = arith.muli %sub3A_84, %mul3A_85 : i32
          %add3A_87 = arith.addi %mul3A_2, %mul3A_86 : i32
          %dma_wait3A_88 = arith.constant 0 : i32
          %dma_wait3A_89 = tpu.memref_slice %arg4[%add3A_87, %dma_wait3A_88] : memref<20480x768xf32, #tpu.memory_space<hbm>> -> memref<16x768xf32, #tpu.memory_space<hbm>>
          %dma_wait3A_90 = arith.constant 0 : i32
          %dma_wait3A_91 = tpu.memref_slice %arg4[%add3A_87, %dma_wait3A_90] : memref<20480x768xf32, #tpu.memory_space<hbm>> -> memref<16x768xf32, #tpu.memory_space<hbm>>
          tpu.wait_dma2 semaphore(%arg10 : memref<!tpu.dma_semaphore, #tpu.memory_space<semaphore_mem>>) src(%arg6 : memref<16x768xf32, #tpu.memory_space<vmem>>) dst(%dma_wait3A_91 : memref<16x768xf32, #tpu.memory_space<hbm>>)
        } else {
        }
        %add3A_76 = arith.constant 1 : i32
        %add3A_77 = arith.addi %add3A_50, %add3A_76 : i32
        %dma_start3A_78 = arith.constant 0 : i32
        %dma_start3A_79 = tpu.memref_slice %arg5[%add3A_77, %dma_start3A_78] : memref<40x16xi32, #tpu.memory_space<vmem>> -> memref<1x16xi32, #tpu.memory_space<vmem>>
        %dma_start3A_80 = tpu.memref_squeeze %dma_start3A_79 : memref<1x16xi32, #tpu.memory_space<vmem>> -> memref<16xi32, #tpu.memory_space<vmem>>
        %dma_start3A_81 = arith.constant 0 : i32
        %dma_start3A_82 = arith.constant 0 : i32
        %dma_start3A_83 = tpu.memref_slice %arg3[%dma_start3A_81, %dma_start3A_82] : memref<30522x768xf32, #tpu.memory_space<hbm>> -> memref<30522x768xf32, #tpu.memory_space<hbm>>
        tpu.enqueue_indirect_dma source(%dma_start3A_83 : memref<30522x768xf32, #tpu.memory_space<hbm>>) target(%arg6 : memref<16x768xf32, #tpu.memory_space<vmem>>) offsets(%dma_start3A_80 : memref<16xi32, #tpu.memory_space<vmem>>) semaphore(%arg8 : memref<!tpu.dma_semaphore, #tpu.memory_space<semaphore_mem>>)
      } else {
      }
      %dma_wait3A_58 = arith.constant 0 : i32
      %dma_wait3A_59 = tpu.memref_slice %arg5[%add3A_50, %dma_wait3A_58] : memref<40x16xi32, #tpu.memory_space<vmem>> -> memref<1x16xi32, #tpu.memory_space<vmem>>
      %dma_wait3A_60 = tpu.memref_squeeze %dma_wait3A_59 : memref<1x16xi32, #tpu.memory_space<vmem>> -> memref<16xi32, #tpu.memory_space<vmem>>
      %dma_wait3A_61 = arith.constant 0 : i32
      %dma_wait3A_62 = arith.constant 0 : i32
      %dma_wait3A_63 = tpu.memref_slice %arg3[%dma_wait3A_61, %dma_wait3A_62] : memref<30522x768xf32, #tpu.memory_space<hbm>> -> memref<30522x768xf32, #tpu.memory_space<hbm>>
      tpu.wait_indirect_dma semaphore(%arg9 : memref<!tpu.dma_semaphore, #tpu.memory_space<semaphore_mem>>) src(%dma_wait3A_63 : memref<30522x768xf32, #tpu.memory_space<hbm>>) dst(%arg7 : memref<16x768xf32, #tpu.memory_space<vmem>>)
      %mul3A_64 = arith.constant 16 : i32
      %mul3A_65 = arith.muli %add3A_50, %mul3A_64 : i32
      %add3A_66 = arith.addi %mul3A_2, %mul3A_65 : i32
      %dma_start3A_67 = arith.constant 0 : i32
      %dma_start3A_68 = tpu.memref_slice %arg4[%add3A_66, %dma_start3A_67] : memref<20480x768xf32, #tpu.memory_space<hbm>> -> memref<16x768xf32, #tpu.memory_space<hbm>>
      %dma_start3A_69 = arith.constant 0 : i32
      %dma_start3A_70 = tpu.memref_slice %arg4[%add3A_66, %dma_start3A_69] : memref<20480x768xf32, #tpu.memory_space<hbm>> -> memref<16x768xf32, #tpu.memory_space<hbm>>
      tpu.enqueue_dma source(%arg7 : memref<16x768xf32, #tpu.memory_space<vmem>>) target(%dma_start3A_70 : memref<16x768xf32, #tpu.memory_space<hbm>>) target_semaphore(%arg11 : memref<!tpu.dma_semaphore, #tpu.memory_space<semaphore_mem>>)
      %scan3A_71 = arith.constant 0 : i32
      scf.yield %scan3A_71 : i32
    }
    %scan3A_14 = arith.constant 20 : i32
    %add3A_15 = arith.constant 608 : i32
    %add3A_16 = arith.addi %mul3A_2, %add3A_15 : i32
    %dma_wait3A = arith.constant 0 : i32
    %dma_wait3A_17 = tpu.memref_slice %arg4[%add3A_16, %dma_wait3A] : memref<20480x768xf32, #tpu.memory_space<hbm>> -> memref<16x768xf32, #tpu.memory_space<hbm>>
    %dma_wait3A_18 = arith.constant 0 : i32
    %dma_wait3A_19 = tpu.memref_slice %arg4[%add3A_16, %dma_wait3A_18] : memref<20480x768xf32, #tpu.memory_space<hbm>> -> memref<16x768xf32, #tpu.memory_space<hbm>>
    tpu.wait_dma2 semaphore(%arg10 : memref<!tpu.dma_semaphore, #tpu.memory_space<semaphore_mem>>) src(%arg6 : memref<16x768xf32, #tpu.memory_space<vmem>>) dst(%dma_wait3A_19 : memref<16x768xf32, #tpu.memory_space<hbm>>)
    %add3A_20 = arith.constant 624 : i32
    %add3A_21 = arith.addi %mul3A_2, %add3A_20 : i32
    %dma_wait3A_22 = arith.constant 0 : i32
    %dma_wait3A_23 = tpu.memref_slice %arg4[%add3A_21, %dma_wait3A_22] : memref<20480x768xf32, #tpu.memory_space<hbm>> -> memref<16x768xf32, #tpu.memory_space<hbm>>
    %dma_wait3A_24 = arith.constant 0 : i32
    %dma_wait3A_25 = tpu.memref_slice %arg4[%add3A_21, %dma_wait3A_24] : memref<20480x768xf32, #tpu.memory_space<hbm>> -> memref<16x768xf32, #tpu.memory_space<hbm>>
    tpu.wait_dma2 semaphore(%arg11 : memref<!tpu.dma_semaphore, #tpu.memory_space<semaphore_mem>>) src(%arg7 : memref<16x768xf32, #tpu.memory_space<vmem>>) dst(%dma_wait3A_25 : memref<16x768xf32, #tpu.memory_space<hbm>>)
    return
  }
}

module attributes {stable_mosaic.version = 14 : i64} {
  func.func @_tc_ln(%arg0: i32, %arg1: memref<1024x768xf32, #tpu.memory_space<vmem>>, %arg2: memref<1x1x768xf32, #tpu.memory_space<vmem>>, %arg3: memref<2x768xf32, #tpu.memory_space<vmem>>, %arg4: memref<1x768xf32, #tpu.memory_space<vmem>>, %arg5: memref<1x768xf32, #tpu.memory_space<vmem>>, %arg6: memref<1024x768xf32, #tpu.memory_space<vmem>>) attributes {dimension_semantics = [#tpu.dimension_semantics<arbitrary>], iteration_bounds = array<i64: 20>, scalar_prefetch = 0 : i64, scratch_operands = 0 : i64, tpu.core_type = #tpu.core_type<tc>, window_params = [{transform_indices = @transform_0, window_bounds = array<i64: 1024, 768>}, {transform_indices = @transform_1, window_bounds = array<i64: 1, 1, 768>}, {pipeline_mode = #tpu.pipeline_mode<synchronous>, transform_indices = @transform_2, window_bounds = array<i64: 2, 768>}, {pipeline_mode = #tpu.pipeline_mode<synchronous>, transform_indices = @transform_3, window_bounds = array<i64: 1, 768>}, {pipeline_mode = #tpu.pipeline_mode<synchronous>, transform_indices = @transform_4, window_bounds = array<i64: 1, 768>}, {transform_indices = @transform_5, window_bounds = array<i64: 1024, 768>}]} {
    %get3A = arith.constant 0 : index
    %get3A_0 = arith.constant 0 : index
    %get3A_1 = vector.load %arg1[%get3A, %get3A_0] : memref<1024x768xf32, #tpu.memory_space<vmem>>, vector<1024x768xf32>
    %get3A_2 = arith.constant 0 : index
    %get3A_3 = arith.constant 0 : index
    %get3A_4 = arith.constant 0 : index
    %get3A_5 = vector.load %arg2[%get3A_2, %get3A_3, %get3A_4] : memref<1x1x768xf32, #tpu.memory_space<vmem>>, vector<1x1x768xf32>
    %get3A_6 = vector.shape_cast %get3A_5 : vector<1x1x768xf32> to vector<1x768xf32>
    %add3A = vector.broadcast %get3A_6 : vector<1x768xf32> to vector<1024x768xf32>
    %add3A_7 = arith.addf %get3A_1, %add3A : vector<1024x768xf32>
    %get3A_8 = arith.constant 0 : index
    %get3A_9 = arith.constant 0 : index
    %get3A_10 = vector.load %arg3[%get3A_8, %get3A_9] : memref<2x768xf32, #tpu.memory_space<vmem>>, vector<1x768xf32>
    %add3A_11 = vector.broadcast %get3A_10 : vector<1x768xf32> to vector<1024x768xf32>
    %add3A_12 = arith.addf %add3A_7, %add3A_11 : vector<1024x768xf32>
    %reduce_sum3A = arith.constant dense<0.000000e+00> : vector<1024xf32>
    %reduce_sum3A_13 = vector.multi_reduction <add>, %add3A_12, %reduce_sum3A [1] : vector<1024x768xf32> to vector<1024xf32>
    %broadcast_in_dim3A = vector.shape_cast %reduce_sum3A_13 : vector<1024xf32> to vector<1024x1xf32>
    %div3A = arith.constant 7.680000e+02 : f32
    %div3A_14 = vector.broadcast %div3A : f32 to vector<1024x1xf32>
    %div3A_15 = arith.divf %broadcast_in_dim3A, %div3A_14 : vector<1024x1xf32>
    %sub3A = vector.broadcast %div3A_15 : vector<1024x1xf32> to vector<1024x768xf32>
    %sub3A_16 = arith.subf %add3A_12, %sub3A : vector<1024x768xf32>
    %sub3A_17 = vector.broadcast %div3A_15 : vector<1024x1xf32> to vector<1024x768xf32>
    %sub3A_18 = arith.subf %add3A_12, %sub3A_17 : vector<1024x768xf32>
    %mul3A = arith.mulf %sub3A_16, %sub3A_18 : vector<1024x768xf32>
    %reduce_sum3A_19 = arith.constant dense<0.000000e+00> : vector<1024xf32>
    %reduce_sum3A_20 = vector.multi_reduction <add>, %mul3A, %reduce_sum3A_19 [1] : vector<1024x768xf32> to vector<1024xf32>
    %broadcast_in_dim3A_21 = vector.shape_cast %reduce_sum3A_20 : vector<1024xf32> to vector<1024x1xf32>
    %div3A_22 = arith.constant 7.680000e+02 : f32
    %div3A_23 = vector.broadcast %div3A_22 : f32 to vector<1024x1xf32>
    %div3A_24 = arith.divf %broadcast_in_dim3A_21, %div3A_23 : vector<1024x1xf32>
    %sub3A_25 = vector.broadcast %div3A_15 : vector<1024x1xf32> to vector<1024x768xf32>
    %sub3A_26 = arith.subf %add3A_12, %sub3A_25 : vector<1024x768xf32>
    %add3A_27 = arith.constant 9.99999996E-13 : f32
    %add3A_28 = vector.broadcast %add3A_27 : f32 to vector<1024x1xf32>
    %add3A_29 = arith.addf %div3A_24, %add3A_28 : vector<1024x1xf32>
    %rsqrt3A = math.rsqrt %add3A_29 : vector<1024x1xf32>
    %mul3A_30 = vector.broadcast %rsqrt3A : vector<1024x1xf32> to vector<1024x768xf32>
    %mul3A_31 = arith.mulf %sub3A_26, %mul3A_30 : vector<1024x768xf32>
    %get3A_32 = arith.constant 0 : index
    %get3A_33 = arith.constant 0 : index
    %get3A_34 = vector.load %arg4[%get3A_32, %get3A_33] : memref<1x768xf32, #tpu.memory_space<vmem>>, vector<1x768xf32>
    %mul3A_35 = vector.broadcast %get3A_34 : vector<1x768xf32> to vector<1024x768xf32>
    %mul3A_36 = arith.mulf %mul3A_31, %mul3A_35 : vector<1024x768xf32>
    %get3A_37 = arith.constant 0 : index
    %get3A_38 = arith.constant 0 : index
    %get3A_39 = vector.load %arg5[%get3A_37, %get3A_38] : memref<1x768xf32, #tpu.memory_space<vmem>>, vector<1x768xf32>
    %add3A_40 = vector.broadcast %get3A_39 : vector<1x768xf32> to vector<1024x768xf32>
    %add3A_41 = arith.addf %mul3A_36, %add3A_40 : vector<1024x768xf32>
    %swap3A = arith.constant 0 : index
    %swap3A_42 = arith.constant 0 : index
    %swap3A_43 = vector.load %arg6[%swap3A, %swap3A_42] : memref<1024x768xf32, #tpu.memory_space<vmem>>, vector<1024x768xf32>
    tpu.vector_store %arg6[%swap3A, %swap3A_42], %add3A_41 {strides = array<i32>} : memref<1024x768xf32, #tpu.memory_space<vmem>>, vector<1024x768xf32>,
    return
  }
  func.func @transform_0(%arg0: i32) -> (i32, i32) {
    %c0_i32 = arith.constant 0 : i32
    %c0_i32_0 = arith.constant 0 : i32
    return %arg0, %c0_i32 : i32, i32
  }
  func.func @transform_1(%arg0: i32) -> (i32, i32, i32) {
    %add3A = arith.constant 0 : i32
    %add3A_0 = arith.addi %add3A, %arg0 : i32
    %c0_i32 = arith.constant 0 : i32
    %c0_i32_1 = arith.constant 0 : i32
    %c0_i32_2 = arith.constant 0 : i32
    return %add3A_0, %c0_i32, %c0_i32_1 : i32, i32, i32
  }
  func.func @transform_2(%arg0: i32) -> (i32, i32) {
    %c0_i32 = arith.constant 0 : i32
    %c0_i32_0 = arith.constant 0 : i32
    %c0_i32_1 = arith.constant 0 : i32
    return %c0_i32, %c0_i32_0 : i32, i32
  }
  func.func @transform_3(%arg0: i32) -> (i32, i32) {
    %c0_i32 = arith.constant 0 : i32
    %c0_i32_0 = arith.constant 0 : i32
    %c0_i32_1 = arith.constant 0 : i32
    return %c0_i32, %c0_i32_0 : i32, i32
  }
  func.func @transform_4(%arg0: i32) -> (i32, i32) {
    %c0_i32 = arith.constant 0 : i32
    %c0_i32_0 = arith.constant 0 : i32
    %c0_i32_1 = arith.constant 0 : i32
    return %c0_i32, %c0_i32_0 : i32, i32
  }
  func.func @transform_5(%arg0: i32) -> (i32, i32) {
    %add3A = arith.constant 0 : i32
    %add3A_0 = arith.addi %add3A, %arg0 : i32
    %c0_i32 = arith.constant 0 : i32
    %c0_i32_1 = arith.constant 0 : i32
    return %add3A_0, %c0_i32 : i32, i32
  }
}

module attributes {stable_mosaic.version = 14 : i64} {
  func.func @_tc_ln_acc(%arg0: i32, %arg1: memref<1024x768xf32, #tpu.memory_space<vmem>>, %arg2: memref<1x1x768xf32, #tpu.memory_space<vmem>>, %arg3: memref<2x768xf32, #tpu.memory_space<vmem>>, %arg4: memref<1x768xf32, #tpu.memory_space<vmem>>, %arg5: memref<1x768xf32, #tpu.memory_space<vmem>>, %arg6: memref<102400x768xf32, #tpu.memory_space<any>>, %arg7: memref<1024x768xf32, #tpu.memory_space<vmem>>) attributes {dimension_semantics = [#tpu.dimension_semantics<arbitrary>], iteration_bounds = array<i64: 20>, scalar_prefetch = 0 : i64, scratch_operands = 0 : i64, tpu.core_type = #tpu.core_type<tc>, window_params = [{transform_indices = @transform_0, window_bounds = array<i64: 1024, 768>}, {transform_indices = @transform_1, window_bounds = array<i64: 1, 1, 768>}, {pipeline_mode = #tpu.pipeline_mode<synchronous>, transform_indices = @transform_2, window_bounds = array<i64: 2, 768>}, {pipeline_mode = #tpu.pipeline_mode<synchronous>, transform_indices = @transform_3, window_bounds = array<i64: 1, 768>}, {pipeline_mode = #tpu.pipeline_mode<synchronous>, transform_indices = @transform_4, window_bounds = array<i64: 1, 768>}, {}, {transform_indices = @transform_6, window_bounds = array<i64: 1024, 768>}]} {
    %get3A = arith.constant 0 : index
    %get3A_0 = arith.constant 0 : index
    %get3A_1 = vector.load %arg1[%get3A, %get3A_0] : memref<1024x768xf32, #tpu.memory_space<vmem>>, vector<1024x768xf32>
    %get3A_2 = arith.constant 0 : index
    %get3A_3 = arith.constant 0 : index
    %get3A_4 = arith.constant 0 : index
    %get3A_5 = vector.load %arg2[%get3A_2, %get3A_3, %get3A_4] : memref<1x1x768xf32, #tpu.memory_space<vmem>>, vector<1x1x768xf32>
    %get3A_6 = vector.shape_cast %get3A_5 : vector<1x1x768xf32> to vector<1x768xf32>
    %add3A = vector.broadcast %get3A_6 : vector<1x768xf32> to vector<1024x768xf32>
    %add3A_7 = arith.addf %get3A_1, %add3A : vector<1024x768xf32>
    %get3A_8 = arith.constant 0 : index
    %get3A_9 = arith.constant 0 : index
    %get3A_10 = vector.load %arg3[%get3A_8, %get3A_9] : memref<2x768xf32, #tpu.memory_space<vmem>>, vector<1x768xf32>
    %add3A_11 = vector.broadcast %get3A_10 : vector<1x768xf32> to vector<1024x768xf32>
    %add3A_12 = arith.addf %add3A_7, %add3A_11 : vector<1024x768xf32>
    %reduce_sum3A = arith.constant dense<0.000000e+00> : vector<1024xf32>
    %reduce_sum3A_13 = vector.multi_reduction <add>, %add3A_12, %reduce_sum3A [1] : vector<1024x768xf32> to vector<1024xf32>
    %broadcast_in_dim3A = vector.shape_cast %reduce_sum3A_13 : vector<1024xf32> to vector<1024x1xf32>
    %div3A = arith.constant 7.680000e+02 : f32
    %div3A_14 = vector.broadcast %div3A : f32 to vector<1024x1xf32>
    %div3A_15 = arith.divf %broadcast_in_dim3A, %div3A_14 : vector<1024x1xf32>
    %sub3A = vector.broadcast %div3A_15 : vector<1024x1xf32> to vector<1024x768xf32>
    %sub3A_16 = arith.subf %add3A_12, %sub3A : vector<1024x768xf32>
    %sub3A_17 = vector.broadcast %div3A_15 : vector<1024x1xf32> to vector<1024x768xf32>
    %sub3A_18 = arith.subf %add3A_12, %sub3A_17 : vector<1024x768xf32>
    %mul3A = arith.mulf %sub3A_16, %sub3A_18 : vector<1024x768xf32>
    %reduce_sum3A_19 = arith.constant dense<0.000000e+00> : vector<1024xf32>
    %reduce_sum3A_20 = vector.multi_reduction <add>, %mul3A, %reduce_sum3A_19 [1] : vector<1024x768xf32> to vector<1024xf32>
    %broadcast_in_dim3A_21 = vector.shape_cast %reduce_sum3A_20 : vector<1024xf32> to vector<1024x1xf32>
    %div3A_22 = arith.constant 7.680000e+02 : f32
    %div3A_23 = vector.broadcast %div3A_22 : f32 to vector<1024x1xf32>
    %div3A_24 = arith.divf %broadcast_in_dim3A_21, %div3A_23 : vector<1024x1xf32>
    %sub3A_25 = vector.broadcast %div3A_15 : vector<1024x1xf32> to vector<1024x768xf32>
    %sub3A_26 = arith.subf %add3A_12, %sub3A_25 : vector<1024x768xf32>
    %add3A_27 = arith.constant 9.99999996E-13 : f32
    %add3A_28 = vector.broadcast %add3A_27 : f32 to vector<1024x1xf32>
    %add3A_29 = arith.addf %div3A_24, %add3A_28 : vector<1024x1xf32>
    %rsqrt3A = math.rsqrt %add3A_29 : vector<1024x1xf32>
    %mul3A_30 = vector.broadcast %rsqrt3A : vector<1024x1xf32> to vector<1024x768xf32>
    %mul3A_31 = arith.mulf %sub3A_26, %mul3A_30 : vector<1024x768xf32>
    %get3A_32 = arith.constant 0 : index
    %get3A_33 = arith.constant 0 : index
    %get3A_34 = vector.load %arg4[%get3A_32, %get3A_33] : memref<1x768xf32, #tpu.memory_space<vmem>>, vector<1x768xf32>
    %mul3A_35 = vector.broadcast %get3A_34 : vector<1x768xf32> to vector<1024x768xf32>
    %mul3A_36 = arith.mulf %mul3A_31, %mul3A_35 : vector<1024x768xf32>
    %get3A_37 = arith.constant 0 : index
    %get3A_38 = arith.constant 0 : index
    %get3A_39 = vector.load %arg5[%get3A_37, %get3A_38] : memref<1x768xf32, #tpu.memory_space<vmem>>, vector<1x768xf32>
    %add3A_40 = vector.broadcast %get3A_39 : vector<1x768xf32> to vector<1024x768xf32>
    %add3A_41 = arith.addf %mul3A_36, %add3A_40 : vector<1024x768xf32>
    %swap3A = arith.constant 0 : index
    %swap3A_42 = arith.constant 0 : index
    %swap3A_43 = vector.load %arg7[%swap3A, %swap3A_42] : memref<1024x768xf32, #tpu.memory_space<vmem>>, vector<1024x768xf32>
    tpu.vector_store %arg7[%swap3A, %swap3A_42], %add3A_41 {strides = array<i32>} : memref<1024x768xf32, #tpu.memory_space<vmem>>, vector<1024x768xf32>,
    return
  }
  func.func @transform_0(%arg0: i32) -> (i32, i32) {
    %c0_i32 = arith.constant 0 : i32
    %c0_i32_0 = arith.constant 0 : i32
    return %arg0, %c0_i32 : i32, i32
  }
  func.func @transform_1(%arg0: i32) -> (i32, i32, i32) {
    %add3A = arith.constant 20 : i32
    %add3A_0 = arith.addi %add3A, %arg0 : i32
    %c0_i32 = arith.constant 0 : i32
    %c0_i32_1 = arith.constant 0 : i32
    %c0_i32_2 = arith.constant 0 : i32
    return %add3A_0, %c0_i32, %c0_i32_1 : i32, i32, i32
  }
  func.func @transform_2(%arg0: i32) -> (i32, i32) {
    %c0_i32 = arith.constant 0 : i32
    %c0_i32_0 = arith.constant 0 : i32
    %c0_i32_1 = arith.constant 0 : i32
    return %c0_i32, %c0_i32_0 : i32, i32
  }
  func.func @transform_3(%arg0: i32) -> (i32, i32) {
    %c0_i32 = arith.constant 0 : i32
    %c0_i32_0 = arith.constant 0 : i32
    %c0_i32_1 = arith.constant 0 : i32
    return %c0_i32, %c0_i32_0 : i32, i32
  }
  func.func @transform_4(%arg0: i32) -> (i32, i32) {
    %c0_i32 = arith.constant 0 : i32
    %c0_i32_0 = arith.constant 0 : i32
    %c0_i32_1 = arith.constant 0 : i32
    return %c0_i32, %c0_i32_0 : i32, i32
  }
  func.func @transform_6(%arg0: i32) -> (i32, i32) {
    %add3A = arith.constant 20 : i32
    %add3A_0 = arith.addi %add3A, %arg0 : i32
    %c0_i32 = arith.constant 0 : i32
    %c0_i32_1 = arith.constant 0 : i32
    return %add3A_0, %c0_i32 : i32, i32
  }
}

module attributes {stable_mosaic.version = 14 : i64} {
  func.func @_tc_ln_acc(%arg0: i32, %arg1: memref<1024x768xf32, #tpu.memory_space<vmem>>, %arg2: memref<1x1x768xf32, #tpu.memory_space<vmem>>, %arg3: memref<2x768xf32, #tpu.memory_space<vmem>>, %arg4: memref<1x768xf32, #tpu.memory_space<vmem>>, %arg5: memref<1x768xf32, #tpu.memory_space<vmem>>, %arg6: memref<102400x768xf32, #tpu.memory_space<any>>, %arg7: memref<1024x768xf32, #tpu.memory_space<vmem>>) attributes {dimension_semantics = [#tpu.dimension_semantics<arbitrary>], iteration_bounds = array<i64: 20>, scalar_prefetch = 0 : i64, scratch_operands = 0 : i64, tpu.core_type = #tpu.core_type<tc>, window_params = [{transform_indices = @transform_0, window_bounds = array<i64: 1024, 768>}, {transform_indices = @transform_1, window_bounds = array<i64: 1, 1, 768>}, {pipeline_mode = #tpu.pipeline_mode<synchronous>, transform_indices = @transform_2, window_bounds = array<i64: 2, 768>}, {pipeline_mode = #tpu.pipeline_mode<synchronous>, transform_indices = @transform_3, window_bounds = array<i64: 1, 768>}, {pipeline_mode = #tpu.pipeline_mode<synchronous>, transform_indices = @transform_4, window_bounds = array<i64: 1, 768>}, {}, {transform_indices = @transform_6, window_bounds = array<i64: 1024, 768>}]} {
    %get3A = arith.constant 0 : index
    %get3A_0 = arith.constant 0 : index
    %get3A_1 = vector.load %arg1[%get3A, %get3A_0] : memref<1024x768xf32, #tpu.memory_space<vmem>>, vector<1024x768xf32>
    %get3A_2 = arith.constant 0 : index
    %get3A_3 = arith.constant 0 : index
    %get3A_4 = arith.constant 0 : index
    %get3A_5 = vector.load %arg2[%get3A_2, %get3A_3, %get3A_4] : memref<1x1x768xf32, #tpu.memory_space<vmem>>, vector<1x1x768xf32>
    %get3A_6 = vector.shape_cast %get3A_5 : vector<1x1x768xf32> to vector<1x768xf32>
    %add3A = vector.broadcast %get3A_6 : vector<1x768xf32> to vector<1024x768xf32>
    %add3A_7 = arith.addf %get3A_1, %add3A : vector<1024x768xf32>
    %get3A_8 = arith.constant 0 : index
    %get3A_9 = arith.constant 0 : index
    %get3A_10 = vector.load %arg3[%get3A_8, %get3A_9] : memref<2x768xf32, #tpu.memory_space<vmem>>, vector<1x768xf32>
    %add3A_11 = vector.broadcast %get3A_10 : vector<1x768xf32> to vector<1024x768xf32>
    %add3A_12 = arith.addf %add3A_7, %add3A_11 : vector<1024x768xf32>
    %reduce_sum3A = arith.constant dense<0.000000e+00> : vector<1024xf32>
    %reduce_sum3A_13 = vector.multi_reduction <add>, %add3A_12, %reduce_sum3A [1] : vector<1024x768xf32> to vector<1024xf32>
    %broadcast_in_dim3A = vector.shape_cast %reduce_sum3A_13 : vector<1024xf32> to vector<1024x1xf32>
    %div3A = arith.constant 7.680000e+02 : f32
    %div3A_14 = vector.broadcast %div3A : f32 to vector<1024x1xf32>
    %div3A_15 = arith.divf %broadcast_in_dim3A, %div3A_14 : vector<1024x1xf32>
    %sub3A = vector.broadcast %div3A_15 : vector<1024x1xf32> to vector<1024x768xf32>
    %sub3A_16 = arith.subf %add3A_12, %sub3A : vector<1024x768xf32>
    %sub3A_17 = vector.broadcast %div3A_15 : vector<1024x1xf32> to vector<1024x768xf32>
    %sub3A_18 = arith.subf %add3A_12, %sub3A_17 : vector<1024x768xf32>
    %mul3A = arith.mulf %sub3A_16, %sub3A_18 : vector<1024x768xf32>
    %reduce_sum3A_19 = arith.constant dense<0.000000e+00> : vector<1024xf32>
    %reduce_sum3A_20 = vector.multi_reduction <add>, %mul3A, %reduce_sum3A_19 [1] : vector<1024x768xf32> to vector<1024xf32>
    %broadcast_in_dim3A_21 = vector.shape_cast %reduce_sum3A_20 : vector<1024xf32> to vector<1024x1xf32>
    %div3A_22 = arith.constant 7.680000e+02 : f32
    %div3A_23 = vector.broadcast %div3A_22 : f32 to vector<1024x1xf32>
    %div3A_24 = arith.divf %broadcast_in_dim3A_21, %div3A_23 : vector<1024x1xf32>
    %sub3A_25 = vector.broadcast %div3A_15 : vector<1024x1xf32> to vector<1024x768xf32>
    %sub3A_26 = arith.subf %add3A_12, %sub3A_25 : vector<1024x768xf32>
    %add3A_27 = arith.constant 9.99999996E-13 : f32
    %add3A_28 = vector.broadcast %add3A_27 : f32 to vector<1024x1xf32>
    %add3A_29 = arith.addf %div3A_24, %add3A_28 : vector<1024x1xf32>
    %rsqrt3A = math.rsqrt %add3A_29 : vector<1024x1xf32>
    %mul3A_30 = vector.broadcast %rsqrt3A : vector<1024x1xf32> to vector<1024x768xf32>
    %mul3A_31 = arith.mulf %sub3A_26, %mul3A_30 : vector<1024x768xf32>
    %get3A_32 = arith.constant 0 : index
    %get3A_33 = arith.constant 0 : index
    %get3A_34 = vector.load %arg4[%get3A_32, %get3A_33] : memref<1x768xf32, #tpu.memory_space<vmem>>, vector<1x768xf32>
    %mul3A_35 = vector.broadcast %get3A_34 : vector<1x768xf32> to vector<1024x768xf32>
    %mul3A_36 = arith.mulf %mul3A_31, %mul3A_35 : vector<1024x768xf32>
    %get3A_37 = arith.constant 0 : index
    %get3A_38 = arith.constant 0 : index
    %get3A_39 = vector.load %arg5[%get3A_37, %get3A_38] : memref<1x768xf32, #tpu.memory_space<vmem>>, vector<1x768xf32>
    %add3A_40 = vector.broadcast %get3A_39 : vector<1x768xf32> to vector<1024x768xf32>
    %add3A_41 = arith.addf %mul3A_36, %add3A_40 : vector<1024x768xf32>
    %swap3A = arith.constant 0 : index
    %swap3A_42 = arith.constant 0 : index
    %swap3A_43 = vector.load %arg7[%swap3A, %swap3A_42] : memref<1024x768xf32, #tpu.memory_space<vmem>>, vector<1024x768xf32>
    tpu.vector_store %arg7[%swap3A, %swap3A_42], %add3A_41 {strides = array<i32>} : memref<1024x768xf32, #tpu.memory_space<vmem>>, vector<1024x768xf32>,
    return
  }
  func.func @transform_0(%arg0: i32) -> (i32, i32) {
    %c0_i32 = arith.constant 0 : i32
    %c0_i32_0 = arith.constant 0 : i32
    return %arg0, %c0_i32 : i32, i32
  }
  func.func @transform_1(%arg0: i32) -> (i32, i32, i32) {
    %add3A = arith.constant 40 : i32
    %add3A_0 = arith.addi %add3A, %arg0 : i32
    %c0_i32 = arith.constant 0 : i32
    %c0_i32_1 = arith.constant 0 : i32
    %c0_i32_2 = arith.constant 0 : i32
    return %add3A_0, %c0_i32, %c0_i32_1 : i32, i32, i32
  }
  func.func @transform_2(%arg0: i32) -> (i32, i32) {
    %c0_i32 = arith.constant 0 : i32
    %c0_i32_0 = arith.constant 0 : i32
    %c0_i32_1 = arith.constant 0 : i32
    return %c0_i32, %c0_i32_0 : i32, i32
  }
  func.func @transform_3(%arg0: i32) -> (i32, i32) {
    %c0_i32 = arith.constant 0 : i32
    %c0_i32_0 = arith.constant 0 : i32
    %c0_i32_1 = arith.constant 0 : i32
    return %c0_i32, %c0_i32_0 : i32, i32
  }
  func.func @transform_4(%arg0: i32) -> (i32, i32) {
    %c0_i32 = arith.constant 0 : i32
    %c0_i32_0 = arith.constant 0 : i32
    %c0_i32_1 = arith.constant 0 : i32
    return %c0_i32, %c0_i32_0 : i32, i32
  }
  func.func @transform_6(%arg0: i32) -> (i32, i32) {
    %add3A = arith.constant 40 : i32
    %add3A_0 = arith.addi %add3A, %arg0 : i32
    %c0_i32 = arith.constant 0 : i32
    %c0_i32_1 = arith.constant 0 : i32
    return %add3A_0, %c0_i32 : i32, i32
  }
}

module attributes {stable_mosaic.version = 14 : i64} {
  func.func @_tc_ln_acc(%arg0: i32, %arg1: memref<1024x768xf32, #tpu.memory_space<vmem>>, %arg2: memref<1x1x768xf32, #tpu.memory_space<vmem>>, %arg3: memref<2x768xf32, #tpu.memory_space<vmem>>, %arg4: memref<1x768xf32, #tpu.memory_space<vmem>>, %arg5: memref<1x768xf32, #tpu.memory_space<vmem>>, %arg6: memref<102400x768xf32, #tpu.memory_space<any>>, %arg7: memref<1024x768xf32, #tpu.memory_space<vmem>>) attributes {dimension_semantics = [#tpu.dimension_semantics<arbitrary>], iteration_bounds = array<i64: 20>, scalar_prefetch = 0 : i64, scratch_operands = 0 : i64, tpu.core_type = #tpu.core_type<tc>, window_params = [{transform_indices = @transform_0, window_bounds = array<i64: 1024, 768>}, {transform_indices = @transform_1, window_bounds = array<i64: 1, 1, 768>}, {pipeline_mode = #tpu.pipeline_mode<synchronous>, transform_indices = @transform_2, window_bounds = array<i64: 2, 768>}, {pipeline_mode = #tpu.pipeline_mode<synchronous>, transform_indices = @transform_3, window_bounds = array<i64: 1, 768>}, {pipeline_mode = #tpu.pipeline_mode<synchronous>, transform_indices = @transform_4, window_bounds = array<i64: 1, 768>}, {}, {transform_indices = @transform_6, window_bounds = array<i64: 1024, 768>}]} {
    %get3A = arith.constant 0 : index
    %get3A_0 = arith.constant 0 : index
    %get3A_1 = vector.load %arg1[%get3A, %get3A_0] : memref<1024x768xf32, #tpu.memory_space<vmem>>, vector<1024x768xf32>
    %get3A_2 = arith.constant 0 : index
    %get3A_3 = arith.constant 0 : index
    %get3A_4 = arith.constant 0 : index
    %get3A_5 = vector.load %arg2[%get3A_2, %get3A_3, %get3A_4] : memref<1x1x768xf32, #tpu.memory_space<vmem>>, vector<1x1x768xf32>
    %get3A_6 = vector.shape_cast %get3A_5 : vector<1x1x768xf32> to vector<1x768xf32>
    %add3A = vector.broadcast %get3A_6 : vector<1x768xf32> to vector<1024x768xf32>
    %add3A_7 = arith.addf %get3A_1, %add3A : vector<1024x768xf32>
    %get3A_8 = arith.constant 0 : index
    %get3A_9 = arith.constant 0 : index
    %get3A_10 = vector.load %arg3[%get3A_8, %get3A_9] : memref<2x768xf32, #tpu.memory_space<vmem>>, vector<1x768xf32>
    %add3A_11 = vector.broadcast %get3A_10 : vector<1x768xf32> to vector<1024x768xf32>
    %add3A_12 = arith.addf %add3A_7, %add3A_11 : vector<1024x768xf32>
    %reduce_sum3A = arith.constant dense<0.000000e+00> : vector<1024xf32>
    %reduce_sum3A_13 = vector.multi_reduction <add>, %add3A_12, %reduce_sum3A [1] : vector<1024x768xf32> to vector<1024xf32>
    %broadcast_in_dim3A = vector.shape_cast %reduce_sum3A_13 : vector<1024xf32> to vector<1024x1xf32>
    %div3A = arith.constant 7.680000e+02 : f32
    %div3A_14 = vector.broadcast %div3A : f32 to vector<1024x1xf32>
    %div3A_15 = arith.divf %broadcast_in_dim3A, %div3A_14 : vector<1024x1xf32>
    %sub3A = vector.broadcast %div3A_15 : vector<1024x1xf32> to vector<1024x768xf32>
    %sub3A_16 = arith.subf %add3A_12, %sub3A : vector<1024x768xf32>
    %sub3A_17 = vector.broadcast %div3A_15 : vector<1024x1xf32> to vector<1024x768xf32>
    %sub3A_18 = arith.subf %add3A_12, %sub3A_17 : vector<1024x768xf32>
    %mul3A = arith.mulf %sub3A_16, %sub3A_18 : vector<1024x768xf32>
    %reduce_sum3A_19 = arith.constant dense<0.000000e+00> : vector<1024xf32>
    %reduce_sum3A_20 = vector.multi_reduction <add>, %mul3A, %reduce_sum3A_19 [1] : vector<1024x768xf32> to vector<1024xf32>
    %broadcast_in_dim3A_21 = vector.shape_cast %reduce_sum3A_20 : vector<1024xf32> to vector<1024x1xf32>
    %div3A_22 = arith.constant 7.680000e+02 : f32
    %div3A_23 = vector.broadcast %div3A_22 : f32 to vector<1024x1xf32>
    %div3A_24 = arith.divf %broadcast_in_dim3A_21, %div3A_23 : vector<1024x1xf32>
    %sub3A_25 = vector.broadcast %div3A_15 : vector<1024x1xf32> to vector<1024x768xf32>
    %sub3A_26 = arith.subf %add3A_12, %sub3A_25 : vector<1024x768xf32>
    %add3A_27 = arith.constant 9.99999996E-13 : f32
    %add3A_28 = vector.broadcast %add3A_27 : f32 to vector<1024x1xf32>
    %add3A_29 = arith.addf %div3A_24, %add3A_28 : vector<1024x1xf32>
    %rsqrt3A = math.rsqrt %add3A_29 : vector<1024x1xf32>
    %mul3A_30 = vector.broadcast %rsqrt3A : vector<1024x1xf32> to vector<1024x768xf32>
    %mul3A_31 = arith.mulf %sub3A_26, %mul3A_30 : vector<1024x768xf32>
    %get3A_32 = arith.constant 0 : index
    %get3A_33 = arith.constant 0 : index
    %get3A_34 = vector.load %arg4[%get3A_32, %get3A_33] : memref<1x768xf32, #tpu.memory_space<vmem>>, vector<1x768xf32>
    %mul3A_35 = vector.broadcast %get3A_34 : vector<1x768xf32> to vector<1024x768xf32>
    %mul3A_36 = arith.mulf %mul3A_31, %mul3A_35 : vector<1024x768xf32>
    %get3A_37 = arith.constant 0 : index
    %get3A_38 = arith.constant 0 : index
    %get3A_39 = vector.load %arg5[%get3A_37, %get3A_38] : memref<1x768xf32, #tpu.memory_space<vmem>>, vector<1x768xf32>
    %add3A_40 = vector.broadcast %get3A_39 : vector<1x768xf32> to vector<1024x768xf32>
    %add3A_41 = arith.addf %mul3A_36, %add3A_40 : vector<1024x768xf32>
    %swap3A = arith.constant 0 : index
    %swap3A_42 = arith.constant 0 : index
    %swap3A_43 = vector.load %arg7[%swap3A, %swap3A_42] : memref<1024x768xf32, #tpu.memory_space<vmem>>, vector<1024x768xf32>
    tpu.vector_store %arg7[%swap3A, %swap3A_42], %add3A_41 {strides = array<i32>} : memref<1024x768xf32, #tpu.memory_space<vmem>>, vector<1024x768xf32>,
    return
  }
  func.func @transform_0(%arg0: i32) -> (i32, i32) {
    %c0_i32 = arith.constant 0 : i32
    %c0_i32_0 = arith.constant 0 : i32
    return %arg0, %c0_i32 : i32, i32
  }
  func.func @transform_1(%arg0: i32) -> (i32, i32, i32) {
    %add3A = arith.constant 60 : i32
    %add3A_0 = arith.addi %add3A, %arg0 : i32
    %c0_i32 = arith.constant 0 : i32
    %c0_i32_1 = arith.constant 0 : i32
    %c0_i32_2 = arith.constant 0 : i32
    return %add3A_0, %c0_i32, %c0_i32_1 : i32, i32, i32
  }
  func.func @transform_2(%arg0: i32) -> (i32, i32) {
    %c0_i32 = arith.constant 0 : i32
    %c0_i32_0 = arith.constant 0 : i32
    %c0_i32_1 = arith.constant 0 : i32
    return %c0_i32, %c0_i32_0 : i32, i32
  }
  func.func @transform_3(%arg0: i32) -> (i32, i32) {
    %c0_i32 = arith.constant 0 : i32
    %c0_i32_0 = arith.constant 0 : i32
    %c0_i32_1 = arith.constant 0 : i32
    return %c0_i32, %c0_i32_0 : i32, i32
  }
  func.func @transform_4(%arg0: i32) -> (i32, i32) {
    %c0_i32 = arith.constant 0 : i32
    %c0_i32_0 = arith.constant 0 : i32
    %c0_i32_1 = arith.constant 0 : i32
    return %c0_i32, %c0_i32_0 : i32, i32
  }
  func.func @transform_6(%arg0: i32) -> (i32, i32) {
    %add3A = arith.constant 60 : i32
    %add3A_0 = arith.addi %add3A, %arg0 : i32
    %c0_i32 = arith.constant 0 : i32
    %c0_i32_1 = arith.constant 0 : i32
    return %add3A_0, %c0_i32 : i32, i32
  }
}

module attributes {stable_mosaic.version = 14 : i64} {
  func.func @_tc_ln_acc(%arg0: i32, %arg1: memref<1024x768xf32, #tpu.memory_space<vmem>>, %arg2: memref<1x1x768xf32, #tpu.memory_space<vmem>>, %arg3: memref<2x768xf32, #tpu.memory_space<vmem>>, %arg4: memref<1x768xf32, #tpu.memory_space<vmem>>, %arg5: memref<1x768xf32, #tpu.memory_space<vmem>>, %arg6: memref<102400x768xf32, #tpu.memory_space<any>>, %arg7: memref<1024x768xf32, #tpu.memory_space<vmem>>) attributes {dimension_semantics = [#tpu.dimension_semantics<arbitrary>], iteration_bounds = array<i64: 20>, scalar_prefetch = 0 : i64, scratch_operands = 0 : i64, tpu.core_type = #tpu.core_type<tc>, window_params = [{transform_indices = @transform_0, window_bounds = array<i64: 1024, 768>}, {transform_indices = @transform_1, window_bounds = array<i64: 1, 1, 768>}, {pipeline_mode = #tpu.pipeline_mode<synchronous>, transform_indices = @transform_2, window_bounds = array<i64: 2, 768>}, {pipeline_mode = #tpu.pipeline_mode<synchronous>, transform_indices = @transform_3, window_bounds = array<i64: 1, 768>}, {pipeline_mode = #tpu.pipeline_mode<synchronous>, transform_indices = @transform_4, window_bounds = array<i64: 1, 768>}, {}, {transform_indices = @transform_6, window_bounds = array<i64: 1024, 768>}]} {
    %get3A = arith.constant 0 : index
    %get3A_0 = arith.constant 0 : index
    %get3A_1 = vector.load %arg1[%get3A, %get3A_0] : memref<1024x768xf32, #tpu.memory_space<vmem>>, vector<1024x768xf32>
    %get3A_2 = arith.constant 0 : index
    %get3A_3 = arith.constant 0 : index
    %get3A_4 = arith.constant 0 : index
    %get3A_5 = vector.load %arg2[%get3A_2, %get3A_3, %get3A_4] : memref<1x1x768xf32, #tpu.memory_space<vmem>>, vector<1x1x768xf32>
    %get3A_6 = vector.shape_cast %get3A_5 : vector<1x1x768xf32> to vector<1x768xf32>
    %add3A = vector.broadcast %get3A_6 : vector<1x768xf32> to vector<1024x768xf32>
    %add3A_7 = arith.addf %get3A_1, %add3A : vector<1024x768xf32>
    %get3A_8 = arith.constant 0 : index
    %get3A_9 = arith.constant 0 : index
    %get3A_10 = vector.load %arg3[%get3A_8, %get3A_9] : memref<2x768xf32, #tpu.memory_space<vmem>>, vector<1x768xf32>
    %add3A_11 = vector.broadcast %get3A_10 : vector<1x768xf32> to vector<1024x768xf32>
    %add3A_12 = arith.addf %add3A_7, %add3A_11 : vector<1024x768xf32>
    %reduce_sum3A = arith.constant dense<0.000000e+00> : vector<1024xf32>
    %reduce_sum3A_13 = vector.multi_reduction <add>, %add3A_12, %reduce_sum3A [1] : vector<1024x768xf32> to vector<1024xf32>
    %broadcast_in_dim3A = vector.shape_cast %reduce_sum3A_13 : vector<1024xf32> to vector<1024x1xf32>
    %div3A = arith.constant 7.680000e+02 : f32
    %div3A_14 = vector.broadcast %div3A : f32 to vector<1024x1xf32>
    %div3A_15 = arith.divf %broadcast_in_dim3A, %div3A_14 : vector<1024x1xf32>
    %sub3A = vector.broadcast %div3A_15 : vector<1024x1xf32> to vector<1024x768xf32>
    %sub3A_16 = arith.subf %add3A_12, %sub3A : vector<1024x768xf32>
    %sub3A_17 = vector.broadcast %div3A_15 : vector<1024x1xf32> to vector<1024x768xf32>
    %sub3A_18 = arith.subf %add3A_12, %sub3A_17 : vector<1024x768xf32>
    %mul3A = arith.mulf %sub3A_16, %sub3A_18 : vector<1024x768xf32>
    %reduce_sum3A_19 = arith.constant dense<0.000000e+00> : vector<1024xf32>
    %reduce_sum3A_20 = vector.multi_reduction <add>, %mul3A, %reduce_sum3A_19 [1] : vector<1024x768xf32> to vector<1024xf32>
    %broadcast_in_dim3A_21 = vector.shape_cast %reduce_sum3A_20 : vector<1024xf32> to vector<1024x1xf32>
    %div3A_22 = arith.constant 7.680000e+02 : f32
    %div3A_23 = vector.broadcast %div3A_22 : f32 to vector<1024x1xf32>
    %div3A_24 = arith.divf %broadcast_in_dim3A_21, %div3A_23 : vector<1024x1xf32>
    %sub3A_25 = vector.broadcast %div3A_15 : vector<1024x1xf32> to vector<1024x768xf32>
    %sub3A_26 = arith.subf %add3A_12, %sub3A_25 : vector<1024x768xf32>
    %add3A_27 = arith.constant 9.99999996E-13 : f32
    %add3A_28 = vector.broadcast %add3A_27 : f32 to vector<1024x1xf32>
    %add3A_29 = arith.addf %div3A_24, %add3A_28 : vector<1024x1xf32>
    %rsqrt3A = math.rsqrt %add3A_29 : vector<1024x1xf32>
    %mul3A_30 = vector.broadcast %rsqrt3A : vector<1024x1xf32> to vector<1024x768xf32>
    %mul3A_31 = arith.mulf %sub3A_26, %mul3A_30 : vector<1024x768xf32>
    %get3A_32 = arith.constant 0 : index
    %get3A_33 = arith.constant 0 : index
    %get3A_34 = vector.load %arg4[%get3A_32, %get3A_33] : memref<1x768xf32, #tpu.memory_space<vmem>>, vector<1x768xf32>
    %mul3A_35 = vector.broadcast %get3A_34 : vector<1x768xf32> to vector<1024x768xf32>
    %mul3A_36 = arith.mulf %mul3A_31, %mul3A_35 : vector<1024x768xf32>
    %get3A_37 = arith.constant 0 : index
    %get3A_38 = arith.constant 0 : index
    %get3A_39 = vector.load %arg5[%get3A_37, %get3A_38] : memref<1x768xf32, #tpu.memory_space<vmem>>, vector<1x768xf32>
    %add3A_40 = vector.broadcast %get3A_39 : vector<1x768xf32> to vector<1024x768xf32>
    %add3A_41 = arith.addf %mul3A_36, %add3A_40 : vector<1024x768xf32>
    %swap3A = arith.constant 0 : index
    %swap3A_42 = arith.constant 0 : index
    %swap3A_43 = vector.load %arg7[%swap3A, %swap3A_42] : memref<1024x768xf32, #tpu.memory_space<vmem>>, vector<1024x768xf32>
    tpu.vector_store %arg7[%swap3A, %swap3A_42], %add3A_41 {strides = array<i32>} : memref<1024x768xf32, #tpu.memory_space<vmem>>, vector<1024x768xf32>,
    return
  }
  func.func @transform_0(%arg0: i32) -> (i32, i32) {
    %c0_i32 = arith.constant 0 : i32
    %c0_i32_0 = arith.constant 0 : i32
    return %arg0, %c0_i32 : i32, i32
  }
  func.func @transform_1(%arg0: i32) -> (i32, i32, i32) {
    %add3A = arith.constant 80 : i32
    %add3A_0 = arith.addi %add3A, %arg0 : i32
    %c0_i32 = arith.constant 0 : i32
    %c0_i32_1 = arith.constant 0 : i32
    %c0_i32_2 = arith.constant 0 : i32
    return %add3A_0, %c0_i32, %c0_i32_1 : i32, i32, i32
  }
  func.func @transform_2(%arg0: i32) -> (i32, i32) {
    %c0_i32 = arith.constant 0 : i32
    %c0_i32_0 = arith.constant 0 : i32
    %c0_i32_1 = arith.constant 0 : i32
    return %c0_i32, %c0_i32_0 : i32, i32
  }
  func.func @transform_3(%arg0: i32) -> (i32, i32) {
    %c0_i32 = arith.constant 0 : i32
    %c0_i32_0 = arith.constant 0 : i32
    %c0_i32_1 = arith.constant 0 : i32
    return %c0_i32, %c0_i32_0 : i32, i32
  }
  func.func @transform_4(%arg0: i32) -> (i32, i32) {
    %c0_i32 = arith.constant 0 : i32
    %c0_i32_0 = arith.constant 0 : i32
    %c0_i32_1 = arith.constant 0 : i32
    return %c0_i32, %c0_i32_0 : i32, i32
  }
  func.func @transform_6(%arg0: i32) -> (i32, i32) {
    %add3A = arith.constant 80 : i32
    %add3A_0 = arith.addi %add3A, %arg0 : i32
    %c0_i32 = arith.constant 0 : i32
    %c0_i32_1 = arith.constant 0 : i32
    return %add3A_0, %c0_i32 : i32, i32
  }
}

</mosaic_0001>

<sc_bundles>
// kernel: _run.12.cloned.1.call-start
scs
__scs_entry_jumppad:
0x0: {  	(pc) =	sbr.rel $0x88, $3  }
0x1: {  	(tag) =	ssettag $0x0;
	lr =	simm.s32 $0x1  }
0x2: {  	[smem:$0x3F9B] =	sst lr;
	_ =	strace $0xD0000000  }
0x3: {  	_ = 	snop  }
0x4: {  	_ = 	snop  }
0x5: {  	_ = 	snop  }
0x6: {  	_ = 	snop  }
0x7: {  	_ = 	snop  }
__scs_overlays_trampoline_lowered:
0x8: {  	[smem:$0x3FAA] =	sst s0  }
0x9: {  	[smem:$0x3FAB] =	sst s1  }
0xa: {  	[smem:$0x3FAC] =	sst s2  }
0xb: {  	[smem:$0x3FAD] =	sst s3  }
0xc: {  	[smem:$0x3FAE] =	sst s4  }
0xd: {  	[smem:$0x3FAF] =	sst s5  }
0xe: {  	[smem:$0x3FB0] =	sst s6  }
0xf: {  	[smem:$0x3FB1] =	sst s7  }
0x10: {  	[smem:$0x3FB2] =	sst s8  }
0x11: {  	[smem:$0x3FB3] =	sst s9;
	s0 =	simm.s32 @!p0 $0x0  }
0x12: {  	s1 =	sld [smem:$0x3F99];
	s0 =	simm.s32 @p0 $0x1  }
0x13: {  	[smem:$0x3FB4] =	sst s0;
	s0 =	simm.s32 @!p1 $0x0  }
0x14: {  	s2 =	sld [smem:$0x3F98];
	s0 =	simm.s32 @p1 $0x1  }
0x15: {  	[smem:$0x3FB5] =	sst s0;
	s0 =	simm.s32 @!p2 $0x0  }
0x16: {  	s3 =	sld [smem:$0x3FDB];
	s0 =	simm.s32 @p2 $0x1  }
0x17: {  	s4 =	simm.s32 $0x1BF5;
	[smem:$0x3FB7] =	sst s0  }
0x18: {  	s0 =	sld [smem:$0x3F9A];
	_ =	swait.ge [sflag:s4], $0x0  }
0x19: {  	s7 =	sld [smem:$0x3F9B]  }
0x1a: {  	s8 =	sadd.s32 $0xFFFFE003, lr  }
0x1b: {  	s9 =	sadd.s32 $0xFFFFFEF7, lr;
	s5 =	simm.s32 $0xFFFFFFFF;
	p2 =	slt.u32 s8, $0xFFFFF086  }
0x1c: {  	p1 =	slt.u32 s9, $0xF7A;
	s5 =	simm.s32 @!p2 $0x0  }
0x1d: {  	s5 =	simm.s32 @p1 $0x1;
	p0 =	seq.s32 s7, s2  }
0x1e: {  	s7 =	smul.u32 @!p0 $0xF7A, s2;
	p2 =	seq.s32 @!p0 s5, $0x0  }
0x1f: {  	s9 =	smul.u32 $0xF7A, s1;
	s8 =	simm.s32 @!p0 $0x1BF5;
	p2 =	por !p2, p0  }
0x20: {  	[sflag:s8] =	ssyncset.s32 @!p0 $0xFFFFF086;
	s6 =	sadd.s32 @!p0 s3, s7;
	s7 =	simm.s32 @!p0 $0x108  }
0x21: {  	s3 =	sadd.s32 s3, s9;
	s6 =	sadd.s32 @!p0 $0x88, s6;
	s7 =	simm.s32 @p2 $0x1082  }
0x22: {  	[simem:s7], [sflag:s8] =	dma.local @!p0 [hbm:s6], $0xF7A  }
0x23: {  	s9 =	sor.u32 $0xD0000000, s2;
	s6 =	simm.s32 $0x108;
	_ =	swait.ge @!p0 [sflag:s8], $0x0  }
0x24: {  	s3 =	sadd.s32 $0x88, s3;
	s6 =	simm.s32 @!p1 $0x1082;
	[sflag:s4] =	ssyncset.s32 $0xFFFFF086  }
0x25: {  	[simem:s6], [sflag:s4] =	dma.local [hbm:s3], $0xF7A  }
0x26: {  	[smem:$0x3F9B] =	sst s1;
	(tag) =	ssettag s2;
	_ =	strace s9  }
0x27: {  	s1 =	sld [smem:$0x3FAB]  }
0x28: {  	s2 =	sld [smem:$0x3FAC]  }
0x29: {  	s4 =	sld [smem:$0x3FAE]  }
0x2a: {  	p0 =	seq.s32 s5, $0x0;
	s5 =	sld [smem:$0x3FAF]  }
0x2b: {  	s6 =	sld [smem:$0x3FB0]  }
0x2c: {  	s7 =	sld [smem:$0x3FB1]  }
0x2d: {  	s3 =	simm.s32 $0x108;
	s8 =	sld [smem:$0x3FB2]  }
0x2e: {  	s3 =	simm.s32 @!p0 $0x1082;
	s9 =	sld [smem:$0x3FB3]  }
0x2f: {  	lr =	sadd.s32 s0, s3;
	s0 =	sld [smem:$0x3FAA]  }
0x30: {  	s3 =	sld [smem:$0x3FAD]  }
0x31: {  	[smem:$0x3FB6] =	sst s10  }
0x32: {  	s10 =	sld [smem:$0x3FB4];
	_ =	sdelay $0x3  }
0x33: {  	p0 =	seq.s32 s10, $0x1;
	s10 =	sld [smem:$0x3FB6];
	_ =	sdelay $0x3  }
0x34: {  	[smem:$0x3FB6] =	sst s10  }
0x35: {  	s10 =	sld [smem:$0x3FB5];
	_ =	sdelay $0x3  }
0x36: {  	p1 =	seq.s32 s10, $0x1;
	s10 =	sld [smem:$0x3FB6];
	_ =	sdelay $0x3  }
0x37: {  	[smem:$0x3FB6] =	sst s10  }
0x38: {  	s10 =	sld [smem:$0x3FB7]  }
0x39: {  	_ = 	snop;
	(pc) =	sbr.ind lr, $3  }
0x3a: {  	_ = 	snop  }
0x3b: {  	_ = 	snop  }
0x3c: {  	p2 =	seq.s32 s10, $0x1;
	s10 =	sld [smem:$0x3FB6]  }
0x3d: {  	_ =	shalt  }
0x3e: {  	_ =	shalt  }
0x3f: {  	_ =	shalt  }
0x40: {  	_ =	shalt  }
0x41: {  	_ =	shalt  }
0x42: {  	_ =	shalt  }
0x43: {  	_ =	shalt  }
0x44: {  	_ =	shalt  }
0x45: {  	_ =	shalt  }
0x46: {  	_ =	shalt  }
0x47: {  	_ =	shalt  }
0x48: {  	_ =	shalt  }
0x49: {  	_ =	shalt  }
0x4a: {  	_ =	shalt  }
0x4b: {  	_ =	shalt  }
0x4c: {  	_ =	shalt  }
0x4d: {  	_ =	shalt  }
0x4e: {  	_ =	shalt  }
0x4f: {  	_ =	shalt  }
0x50: {  	_ =	shalt  }
0x51: {  	_ =	shalt  }
0x52: {  	_ =	shalt  }
0x53: {  	_ =	shalt  }
0x54: {  	_ =	shalt  }
0x55: {  	_ =	shalt  }
0x56: {  	_ =	shalt  }
0x57: {  	_ =	shalt  }
0x58: {  	_ =	shalt  }
0x59: {  	_ =	shalt  }
0x5a: {  	_ =	shalt  }
0x5b: {  	_ =	shalt  }
0x5c: {  	_ =	shalt  }
0x5d: {  	_ =	shalt  }
0x5e: {  	_ =	shalt  }
0x5f: {  	_ =	shalt  }
0x60: {  	_ =	shalt  }
0x61: {  	_ =	shalt  }
0x62: {  	_ =	shalt  }
0x63: {  	_ =	shalt  }
0x64: {  	_ =	shalt  }
0x65: {  	_ =	shalt  }
0x66: {  	_ =	shalt  }
0x67: {  	_ =	shalt  }
0x68: {  	_ =	shalt  }
0x69: {  	_ =	shalt  }
0x6a: {  	_ =	shalt  }
0x6b: {  	_ =	shalt  }
0x6c: {  	_ =	shalt  }
0x6d: {  	_ =	shalt  }
0x6e: {  	_ =	shalt  }
0x6f: {  	_ =	shalt  }
0x70: {  	_ =	shalt  }
0x71: {  	_ =	shalt  }
0x72: {  	_ =	shalt  }
0x73: {  	_ =	shalt  }
0x74: {  	_ =	shalt  }
0x75: {  	_ =	shalt  }
0x76: {  	_ =	shalt  }
0x77: {  	_ =	shalt  }
0x78: {  	_ =	shalt  }
0x79: {  	_ =	shalt  }
0x7a: {  	_ =	shalt  }
0x7b: {  	_ =	shalt  }
0x7c: {  	_ =	shalt  }
0x7d: {  	_ =	shalt  }
0x7e: {  	_ =	shalt  }
0x7f: {  	_ =	shalt  }
0x80: {  	_ =	shalt  }
0x81: {  	_ =	shalt  }
0x82: {  	_ =	shalt  }
0x83: {  	_ =	shalt  }
0x84: {  	_ =	shalt  }
0x85: {  	_ =	shalt  }
0x86: {  	_ =	shalt  }
0x87: {  	_ =	shalt  }
.Lfunc_end0:
.L_simem_size_0:
called_computation_lowered:
.L_overlay_start_0:
0x88: {  	s2 =	sld [smem:$0x3FD9]  }
0x89: {  	s3 =	sld [smem:$0x3FFE];
	_ =	sdelay $0x1  }
0x8a: {  	s1 =	srdreg.scid  }
0x8b: {  	s0 =	sand.u32 $0x1, s1  }
0x8c: {  	s17 =	sshll.u32 s0, $0xA;
	s2 =	sadd.s32 s3, s2  }
0x8d: {  	s2 =	sadd.s32 s2, s17  }
0x8e: {  	[smem:$0x3FC2] =	sst s2  }
0x8f: {  	_ = 	snop  }
0x90: {  	s2 =	sld [smem:$0x3FC8]  }
0x91: {  	s18 =	sld [smem:$0x3FD0];
	(tm) =	ssettm $0x1  }
0x92: {  	s4 =	sld [smem:$0x3FFB];
	_ =	sdelay $0x3  }
0x93: {  	_ =	strace s4  }
0x94: {  	s4 =	sld [smem:$0x3FFC];
	_ =	sdelay $0x3  }
0x95: {  	_ =	strace s4  }
0x96: {  	s4 =	sld [smem:$0x3FFD];
	_ =	sdelay $0x3  }
0x97: {  	_ =	strace s4  }
0x98: {  	_ =	strace $0x8FFFFFFF  }
0x99: {  	s19 =	sld [smem:$0x3FDB];
	_ =	sdelay $0x1  }
0x9a: {  	s5 =	simm.s32 $_scs_section_size  }
0x9b: {  	s6 =	simm.s32 $_size__tile_overlayer_lowered;
	s7 =	simm.s32 $_tile_overlayer_lowered  }
0x9c: {  	s22 =	simm.s32 $0x1BFF;
	s21 =	sshll.u32 s7, $0x1;
	s4 =	sadd.s32 s5, s19  }
0x9d: {  	s8 =	simm.s32 $0x0;
	s20 =	sshll.u32 s6, $0x1;
	s6 =	sadd.s32 s21, s4  }
0x9e: {  	[timem:s8], [sflag:s22] =	dma.local [hbm:s6], s20  }
0x9f: {  	_ =	swait.ge [sflag:s22], s20  }
0xa0: {  	s5 =	ssub.s32 $0x0, s20;
	[sflag:s22] =	ssyncset.done $0x0  }
0xa1: {  	[sflag:s22] =	ssyncadd.s32 s5;
	_ =	sdelay $0x1  }
0xa2: {  	s23 =	simm.s32 $0x1B8B  }
0xa3: {  	_ =	swait.ge [sflag:s23], $0x1  }
0xa4: {  	[sflag:s23] =	ssyncset.done $0x0  }
0xa5: {  	s25 =	simm.s32 $0x1B8E;
	s24 =	sld [smem:$0x3FFE];
	[sflag:s23] =	ssyncadd.s32 $0xFFFFFFFF  }
0xa6: {  	s26 =	simm.s32 $execute0_lowered;
	[smem:$0x3FD2] =	sst s25  }
0xa7: {  	s6 =	sshll.u32 s26, $0x1;
	_ =	strace $0x80000046;
	[dreg:$0x1] =	wrdreg $0xFFFFFFFF  }
0xa8: {  	s28 =	simm.s32 $_size_execute0_lowered;
	s4 =	sadd.s32 s4, s6;
	[dreg:$0x0] =	wrdreg $0x0  }
0xa9: {  	s6 =	sshll.u32 s28, $0x1;
	[dreg:$0x2] =	wrdreg s4  }
0xaa: {  	[dreg:$0x3] =	wrdreg s6  }
0xab: {  	[dreg:$0x4] =	wrdreg $0xC0  }
0xac: {  	_ =	task [dreg:s8], $0x5FFFF  }
0xad: {  	[dreg:$0x1] =	wrdreg $0xFFFFFFFF  }
0xae: {  	[dreg:$0x0] =	wrdreg $0x60  }
0xaf: {  	[dreg:$0x2] =	wrdreg s18  }
0xb0: {  	[dreg:$0x3] =	wrdreg s2  }
0xb1: {  	[dreg:$0x4] =	wrdreg s24  }
0xb2: {  	[dreg:$0x5] =	wrdreg $0x9  }
0xb3: {  	_ =	task.clear_ibuf [dreg:s8], $0x6FFFF;
	_ =	strace $0x90000046  }
0xb4: {  	s29 =	simm.s32 $0x9;
	_ =	strace $0x80000048  }
0xb5: {  	_ =	swait.ge [sflag:s29], $0x1  }
0xb6: {  	[sflag:s29] =	ssyncadd.s32 $0xFFFFFFFF  }
0xb7: {  	_ =	strace $0x90000048  }
0xb8: {  	_ =	sfence  }
0xb9: {  	s30 =	sld [smem:$0x0];
	_ =	sdelay $0x2  }
0xba: {  	s31 =	sshll.u32 s1, $0xD;
	s1 =	sshrl.u32 s1, $0x2  }
0xbb: {  	s3 =	sand.u32 $0x4000, s31;
	s1 =	sadd.s32 s1, s30  }
0xbc: {  	s0 =	sor.u32 s3, s0;
	s1 =	sshll.u32 s1, $0x11  }
0xbd: {  	s0 =	sor.u32 s1, s0  }
0xbe: {  	s0 =	sadd.s32 $0x8F2B, s0  }
0xbf: {  	[sflag:s0] =	ssyncadd.remote.s32 $0x1  }
0xc0: {  	_ =	sfence.sel $0xFFFF  }
0xc1: {  	[dreg:$0x0] =	wrdreg $0xFFFFFFFF;
	(pc) =	sbr.abs _section_cstart, $3  }
0xc2: {  	[dreg:$0x1] =	wrdreg $0xFFFFFFFF  }
0xc3: {  	_ =	task.clear_ibuf [dreg:s8], $0x2FFFF;
	_ =	strace $0x9FFFFFFF  }
0xc4: {  	(tm) =	ssettm $0x7FFFFFFF  }
0xc5: {  	_ =	shalt  }
tec
execute0_lowered:
.L_overlay_start_1:
0x0: {  	(tag) =	ssettag $0x1  }
0x1: {  	s0 =	rddreg [dreg:$0x0]  }
0x2: {  	s1 =	rddreg [dreg:$0x1]  }
0x3: {  	s2 =	rddreg [dreg:$0x2]  }
0x4: {  	s3 =	simm.s32 $0x0;
	s4 =	srdreg.scid;
	s6 =	stileid.u32  }
0x5: {  	s14 =	simm.s32 $0x5;
	s15 =	simm.s32 $0x1400;
	s16 =	simm.s32 $0x1C00  }
0x6: {  	s17 =	simm.s32 $0x2400;
	s18 =	simm.s32 $0x2C00;
	s19 =	simm.s32 $0x3400  }
0x7: {  	s20 =	simm.s32 $0x3C00;
	s21 =	simm.s32 $0x4400;
	s28 =	simm.s32 $0x1  }
0x8: {  	s29 =	simm.s32 $0x3;
	s30 =	simm.s32 $0x2;
	s31 =	simm.s32 $0x4  }
0x9: {  	s4 =	sand.u32 $0x1, s4;
	s5 =	sshll.u32 s6, $0x1;
	s6 =	smul.u32 $0x500, s6  }
0xa: {  	s7 =	ssub.s32 $0x2, s4;
	s5 =	sor.u32 s4, s5;
	s4 =	smul.u32 $0x280, s4  }
0xb: {  	[smem:$0x7FF] =	sst s3;
	s8 =	sshrl.u32 s7, $0x1;
	s5 =	smul.u32 $0x280, s5  }
0xc: {  	s2 =	sadd.s32 $0x4800, s2;
	_ =	strace $0x80000047;
	s8 =	ssub.s32 s7, s8  }
0xd: {  	s4 =	sadd.s32 s4, s6;
	s6 =	sadd.s32 $0x200, s1;
	s0 =	sadd.s32 s0, s5  }
0xe: {  	s22 =	sshrl.u32 s5, $0x3;
	s23 =	sor.u32 $0x20, s4;
	s4 =	sor.u32 $0x30, s4  }
0xf: {  	s5 =	sadd.s32 $0x100, s1;
	s26 =	smax.u32 s8, $0x1;
	[dreg:$0x4] =	wrdreg s0  }
0x10: {  	s0 =	smul.u32 $0x300, s22;
	s24 =	sshrl.u32 s23, $0x3;
	s4 =	sshrl.u32 s4, $0x3  }
0x11: {  	[dreg:$0x5] =	wrdreg s26;
	s22 =	simm.s32 $0x4C00;
	s12 =	smul.u32 $0x300, s24  }
0x12: {  	s23 =	simm.s32 $0x5400;
	s26 =	simm.s32 $0x6C00;
	s25 =	smul.u32 $0x300, s4  }
0x13: {  	v2 =	vlaneseq.u32;
	s24 =	simm.s32 $0x5C00;
	s7 =	sadd.s32 s2, s0;
	s0 =	simm.s32 $0x0  }
0x14: {  	vm0 =	vmmov $0xffff;
	v1 =	vshrl.u32 v2, $0x3;
	s9 =	sadd.s32 $0x600, s7;
	s10 =	sadd.s32 $0xE400, s7;
	s11 =	sadd.s32 $0xEA00, s7  }
0x15: {  	v0 =	vand.u32 $0x7, v2;
	v2 =	vor.u32 $0x8, v2;
	v1 =	vmul.u32 $0x8, v1;
	s12 =	sadd.s32 s12, s2;
	s13 =	sadd.s32 s25, s2;
	s25 =	simm.s32 $0x6400  }
.LBB2_1:
0x16: {  	s2 =	rddreg [dreg:$0x4]  }
0x17: {  	[tilespmem:s3], [sflag:$0x5] =	stream.linear.gather [hbm4b:s2+s3], $0x1400, $0x38;
	[tilespmem:$0x7400] =	vst v63  }
0x18: {  	_ =	swait.ge [sflag:s14], $0x1400  }
0x19: {  	[sflag:s14] =	ssyncset.done $0x0  }
0x1a: {  	[sflag:s14] =	ssyncadd.s32 $0xFFFFEC00  }
0x1b: {  	v3 =	vld [tilespmem:$0x0];
	_ =	sdelay $0x4  }
0x1c: {  	v4 =	vshrl.u32 v3, $0x3  }
0x1d: {  	v4 =	vmul.u32 $0x30, v4  }
0x1e: {  	v3 =	vand.u32 $0x7, v3  }
0x1f: {  	v3 =	vor.u32 v3, v4  }
0x20: {  	v4 =	vperm.xlane v3, v0;
	_ =	sdelay $0x1  }
0x21: {  	v4 =	vadd.s32 v1, v4;
	_ =	sdelay $0x3  }
0x22: {  	v3 =	vperm.xlane v3, v2  }
0x23: {  	[tilespmem:s15], [sflag:$0x1] =	stream.indirect_vreg.gather [hbm4b:s1+s3], $0x80, v4, vm0, $0xb8;
	[tilespmem:$0x7400] =	vst v63  }
0x24: {  	v3 =	vadd.s32 v1, v3  }
0x25: {  	[tilespmem:s16], [sflag:$0x1] =	stream.indirect_vreg.gather [hbm4b:s5+s3], $0x80, v4, vm0, $0xb8;
	[tilespmem:$0x7400] =	vst v63  }
0x26: {  	_ = 	snop  }
0x27: {  	[tilespmem:s17], [sflag:$0x1] =	stream.indirect_vreg.gather [hbm4b:s6+s3], $0x80, v4, vm0, $0xb8;
	[tilespmem:$0x7400] =	vst v63  }
0x28: {  	_ = 	snop  }
0x29: {  	[tilespmem:s18], [sflag:$0x1] =	stream.indirect_vreg.gather [hbm4b:s1+s3], $0x80, v3, vm0, $0xb8;
	[tilespmem:$0x7400] =	vst v63  }
0x2a: {  	_ = 	snop  }
0x2b: {  	[tilespmem:s19], [sflag:$0x1] =	stream.indirect_vreg.gather [hbm4b:s5+s3], $0x80, v3, vm0, $0xb8;
	[tilespmem:$0x7400] =	vst v63  }
0x2c: {  	_ = 	snop  }
0x2d: {  	[tilespmem:s20], [sflag:$0x1] =	stream.indirect_vreg.gather [hbm4b:s6+s3], $0x80, v3, vm0, $0xb8;
	[tilespmem:$0x7400] =	vst v63  }
0x2e: {  	v3 =	vld [tilespmem:$0x80];
	_ =	sdelay $0x4  }
0x2f: {  	v62 =	vshrl.u32 v3, $0x3  }
0x30: {  	v4 =	vmul.u32 $0x30, v62  }
0x31: {  	v3 =	vand.u32 $0x7, v3  }
0x32: {  	v3 =	vor.u32 v3, v4  }
0x33: {  	v4 =	vperm.xlane v3, v0;
	_ =	sdelay $0x1  }
0x34: {  	v4 =	vadd.s32 v1, v4;
	_ =	sdelay $0x3  }
0x35: {  	v3 =	vperm.xlane v3, v2  }
0x36: {  	[tilespmem:s21], [sflag:$0x2] =	stream.indirect_vreg.gather [hbm4b:s1+s3], $0x80, v4, vm0, $0xb8;
	[tilespmem:$0x7400] =	vst v63  }
0x37: {  	v3 =	vadd.s32 v1, v3  }
0x38: {  	[tilespmem:s22], [sflag:$0x2] =	stream.indirect_vreg.gather [hbm4b:s5+s3], $0x80, v4, vm0, $0xb8;
	[tilespmem:$0x7400] =	vst v63  }
0x39: {  	_ = 	snop  }
0x3a: {  	[tilespmem:s23], [sflag:$0x2] =	stream.indirect_vreg.gather [hbm4b:s6+s3], $0x80, v4, vm0, $0xb8;
	[tilespmem:$0x7400] =	vst v63  }
0x3b: {  	_ = 	snop  }
0x3c: {  	[tilespmem:s24], [sflag:$0x2] =	stream.indirect_vreg.gather [hbm4b:s1+s3], $0x80, v3, vm0, $0xb8;
	[tilespmem:$0x7400] =	vst v63  }
0x3d: {  	_ = 	snop  }
0x3e: {  	[tilespmem:s25], [sflag:$0x2] =	stream.indirect_vreg.gather [hbm4b:s5+s3], $0x80, v3, vm0, $0xb8;
	[tilespmem:$0x7400] =	vst v63  }
0x3f: {  	_ = 	snop  }
0x40: {  	[tilespmem:s26], [sflag:$0x2] =	stream.indirect_vreg.gather [hbm4b:s6+s3], $0x80, v3, vm0, $0xb8;
	[tilespmem:$0x7400] =	vst v63  }
0x41: {  	_ =	swait.ge [sflag:s28], $0x3000  }
0x42: {  	[sflag:s28] =	ssyncset.done $0x0  }
0x43: {  	[sflag:s28] =	ssyncadd.s32 $0xFFFFD000  }
0x44: {  	[hbm4b:s7+s3] =	stream.linear.scatter [tilespmem:s15], [sflag:$0x3], $0x3000, $0x38;
	[tilespmem:$0x7400] =	vst v63  }
0x45: {  	_ =	swait.ge [sflag:s29], $0x3000  }
0x46: {  	[sflag:s29] =	ssyncset.done $0x0  }
0x47: {  	[sflag:s29] =	ssyncadd.s32 $0xFFFFD000  }
0x48: {  	v3 =	vld [tilespmem:$0x100];
	_ =	sdelay $0x4  }
0x49: {  	v63 =	vshrl.u32 v3, $0x3  }
0x4a: {  	v4 =	vmul.u32 $0x30, v63  }
0x4b: {  	v3 =	vand.u32 $0x7, v3  }
0x4c: {  	v3 =	vor.u32 v3, v4  }
0x4d: {  	v4 =	vperm.xlane v3, v0;
	_ =	sdelay $0x1  }
0x4e: {  	v4 =	vadd.s32 v1, v4;
	_ =	sdelay $0x3  }
0x4f: {  	v3 =	vperm.xlane v3, v2  }
0x50: {  	[tilespmem:s15], [sflag:$0x1] =	stream.indirect_vreg.gather [hbm4b:s1+s3], $0x80, v4, vm0, $0xb8;
	[tilespmem:$0x7400] =	vst v63  }
0x51: {  	v3 =	vadd.s32 v1, v3  }
0x52: {  	[tilespmem:s16], [sflag:$0x1] =	stream.indirect_vreg.gather [hbm4b:s5+s3], $0x80, v4, vm0, $0xb8;
	[tilespmem:$0x7400] =	vst v63  }
0x53: {  	_ = 	snop  }
0x54: {  	[tilespmem:s17], [sflag:$0x1] =	stream.indirect_vreg.gather [hbm4b:s6+s3], $0x80, v4, vm0, $0xb8;
	[tilespmem:$0x7400] =	vst v63  }
0x55: {  	_ = 	snop  }
0x56: {  	[tilespmem:s18], [sflag:$0x1] =	stream.indirect_vreg.gather [hbm4b:s1+s3], $0x80, v3, vm0, $0xb8;
	[tilespmem:$0x7400] =	vst v63  }
0x57: {  	_ = 	snop  }
0x58: {  	[tilespmem:s19], [sflag:$0x1] =	stream.indirect_vreg.gather [hbm4b:s5+s3], $0x80, v3, vm0, $0xb8;
	[tilespmem:$0x7400] =	vst v63  }
0x59: {  	_ = 	snop  }
0x5a: {  	[tilespmem:s20], [sflag:$0x1] =	stream.indirect_vreg.gather [hbm4b:s6+s3], $0x80, v3, vm0, $0xb8;
	[tilespmem:$0x7400] =	vst v63  }
0x5b: {  	_ =	swait.ge [sflag:s30], $0x3000  }
0x5c: {  	[sflag:s30] =	ssyncset.done $0x0  }
0x5d: {  	s4 =	simm.s32 $0x0;
	s2 =	simm.s32 $0x200;
	[sflag:s30] =	ssyncadd.s32 $0xFFFFD000  }
0x5e: {  	[hbm4b:s9+s3] =	stream.linear.scatter [tilespmem:s21], [sflag:$0x4], $0x3000, $0x38;
	[tilespmem:$0x7400] =	vst v63  }
.LBB2_2:
0x5f: {  	_ =	swait.ge [sflag:s31], $0x3000  }
0x60: {  	[sflag:s31] =	ssyncset.done $0x0  }
0x61: {  	[sflag:s31] =	ssyncadd.s32 $0xFFFFD000  }
0x62: {  	v3 =	vld [tilespmem:s2+$0xFFFFFF80];
	_ =	sdelay $0x4  }
0x63: {  	v4 =	vshrl.u32 v3, $0x3  }
0x64: {  	v4 =	vmul.u32 $0x30, v4  }
0x65: {  	v3 =	vand.u32 $0x7, v3  }
0x66: {  	v3 =	vor.u32 v3, v4  }
0x67: {  	v4 =	vperm.xlane v3, v0;
	_ =	sdelay $0x1  }
0x68: {  	v4 =	vadd.s32 v1, v4;
	_ =	sdelay $0x3  }
0x69: {  	v3 =	vperm.xlane v3, v2  }
0x6a: {  	[tilespmem:s21], [sflag:$0x2] =	stream.indirect_vreg.gather [hbm4b:s1+s3], $0x80, v4, vm0, $0xb8;
	[tilespmem:$0x7400] =	vst v63  }
0x6b: {  	v3 =	vadd.s32 v1, v3  }
0x6c: {  	[tilespmem:s22], [sflag:$0x2] =	stream.indirect_vreg.gather [hbm4b:s5+s3], $0x80, v4, vm0, $0xb8;
	[tilespmem:$0x7400] =	vst v63  }
0x6d: {  	_ = 	snop  }
0x6e: {  	[tilespmem:s23], [sflag:$0x2] =	stream.indirect_vreg.gather [hbm4b:s6+s3], $0x80, v4, vm0, $0xb8;
	[tilespmem:$0x7400] =	vst v63  }
0x6f: {  	_ = 	snop  }
0x70: {  	[tilespmem:s24], [sflag:$0x2] =	stream.indirect_vreg.gather [hbm4b:s1+s3], $0x80, v3, vm0, $0xb8;
	[tilespmem:$0x7400] =	vst v63  }
0x71: {  	_ = 	snop  }
0x72: {  	[tilespmem:s25], [sflag:$0x2] =	stream.indirect_vreg.gather [hbm4b:s5+s3], $0x80, v3, vm0, $0xb8;
	[tilespmem:$0x7400] =	vst v63  }
0x73: {  	_ = 	snop  }
0x74: {  	[tilespmem:s26], [sflag:$0x2] =	stream.indirect_vreg.gather [hbm4b:s6+s3], $0x80, v3, vm0, $0xb8;
	[tilespmem:$0x7400] =	vst v63  }
0x75: {  	_ =	swait.ge [sflag:s28], $0x3000  }
0x76: {  	[sflag:s28] =	ssyncset.done $0x0  }
0x77: {  	s8 =	sadd.s32 s4, s12;
	[sflag:s28] =	ssyncadd.s32 $0xFFFFD000  }
0x78: {  	[hbm4b:s8+s3] =	stream.linear.scatter [tilespmem:s15], [sflag:$0x3], $0x3000, $0x38;
	[tilespmem:$0x7400] =	vst v63  }
0x79: {  	_ =	swait.ge [sflag:s29], $0x3000  }
0x7a: {  	[sflag:s29] =	ssyncset.done $0x0  }
0x7b: {  	[sflag:s29] =	ssyncadd.s32 $0xFFFFD000  }
0x7c: {  	v3 =	vld [tilespmem:s2+$0x0];
	_ =	sdelay $0x4  }
0x7d: {  	v63 =	vshrl.u32 v3, $0x3  }
0x7e: {  	v4 =	vmul.u32 $0x30, v63  }
0x7f: {  	v3 =	vand.u32 $0x7, v3  }
0x80: {  	v3 =	vor.u32 v3, v4  }
0x81: {  	v4 =	vperm.xlane v3, v0;
	_ =	sdelay $0x1  }
0x82: {  	v4 =	vadd.s32 v1, v4;
	_ =	sdelay $0x3  }
0x83: {  	v3 =	vperm.xlane v3, v2  }
0x84: {  	[tilespmem:s15], [sflag:$0x1] =	stream.indirect_vreg.gather [hbm4b:s1+s3], $0x80, v4, vm0, $0xb8;
	[tilespmem:$0x7400] =	vst v63  }
0x85: {  	v3 =	vadd.s32 v1, v3  }
0x86: {  	[tilespmem:s16], [sflag:$0x1] =	stream.indirect_vreg.gather [hbm4b:s5+s3], $0x80, v4, vm0, $0xb8;
	[tilespmem:$0x7400] =	vst v63  }
0x87: {  	_ = 	snop  }
0x88: {  	[tilespmem:s17], [sflag:$0x1] =	stream.indirect_vreg.gather [hbm4b:s6+s3], $0x80, v4, vm0, $0xb8;
	[tilespmem:$0x7400] =	vst v63  }
0x89: {  	_ = 	snop  }
0x8a: {  	[tilespmem:s18], [sflag:$0x1] =	stream.indirect_vreg.gather [hbm4b:s1+s3], $0x80, v3, vm0, $0xb8;
	[tilespmem:$0x7400] =	vst v63  }
0x8b: {  	_ = 	snop  }
0x8c: {  	[tilespmem:s19], [sflag:$0x1] =	stream.indirect_vreg.gather [hbm4b:s5+s3], $0x80, v3, vm0, $0xb8;
	[tilespmem:$0x7400] =	vst v63  }
0x8d: {  	p0 =	sne.s32 s4, $0xCC00  }
0x8e: {  	[tilespmem:s20], [sflag:$0x1] =	stream.indirect_vreg.gather [hbm4b:s6+s3], $0x80, v3, vm0, $0xb8;
	[tilespmem:$0x7400] =	vst v63  }
.Ltmp0:
0x8f: {  	_ = 	snop;
	(pc) =	sbr.rel @p0 .LBB2_2-.Ltmp0, $4  }
0x90: {  	_ =	swait.ge [sflag:s30], $0x3000  }
0x91: {  	s8 =	sadd.s32 s4, s13;
	[sflag:s30] =	ssyncset.done $0x0  }
0x92: {  	s4 =	sadd.s32 $0xC00, s4;
	s2 =	sadd.s32 $0x100, s2;
	[sflag:s30] =	ssyncadd.s32 $0xFFFFD000  }
0x93: {  	[hbm4b:s8+s3] =	stream.linear.scatter [tilespmem:s21], [sflag:$0x4], $0x3000, $0x38;
	[tilespmem:$0x7400] =	vst v63  }
0x94: {  	_ =	swait.ge [sflag:s31], $0x3000  }
0x95: {  	[sflag:s31] =	ssyncset.done $0x0  }
0x96: {  	[sflag:s31] =	ssyncadd.s32 $0xFFFFD000  }
0x97: {  	v3 =	vld [tilespmem:$0x1380];
	_ =	sdelay $0x4  }
0x98: {  	v4 =	vshrl.u32 v3, $0x3  }
0x99: {  	v4 =	vmul.u32 $0x30, v4  }
0x9a: {  	v3 =	vand.u32 $0x7, v3  }
0x9b: {  	v3 =	vor.u32 v3, v4  }
0x9c: {  	v4 =	vperm.xlane v3, v0;
	_ =	sdelay $0x1  }
0x9d: {  	v4 =	vadd.s32 v1, v4;
	_ =	sdelay $0x3  }
0x9e: {  	v3 =	vperm.xlane v3, v2  }
0x9f: {  	[tilespmem:s21], [sflag:$0x2] =	stream.indirect_vreg.gather [hbm4b:s1+s3], $0x80, v4, vm0, $0xb8;
	[tilespmem:$0x7400] =	vst v63  }
0xa0: {  	v3 =	vadd.s32 v1, v3  }
0xa1: {  	[tilespmem:s22], [sflag:$0x2] =	stream.indirect_vreg.gather [hbm4b:s5+s3], $0x80, v4, vm0, $0xb8;
	[tilespmem:$0x7400] =	vst v63  }
0xa2: {  	_ = 	snop  }
0xa3: {  	[tilespmem:s23], [sflag:$0x2] =	stream.indirect_vreg.gather [hbm4b:s6+s3], $0x80, v4, vm0, $0xb8;
	[tilespmem:$0x7400] =	vst v63  }
0xa4: {  	_ = 	snop  }
0xa5: {  	[tilespmem:s24], [sflag:$0x2] =	stream.indirect_vreg.gather [hbm4b:s1+s3], $0x80, v3, vm0, $0xb8;
	[tilespmem:$0x7400] =	vst v63  }
0xa6: {  	_ = 	snop  }
0xa7: {  	[tilespmem:s25], [sflag:$0x2] =	stream.indirect_vreg.gather [hbm4b:s5+s3], $0x80, v3, vm0, $0xb8;
	[tilespmem:$0x7400] =	vst v63  }
0xa8: {  	_ = 	snop  }
0xa9: {  	[tilespmem:s26], [sflag:$0x2] =	stream.indirect_vreg.gather [hbm4b:s6+s3], $0x80, v3, vm0, $0xb8;
	[tilespmem:$0x7400] =	vst v63  }
0xaa: {  	_ =	swait.ge [sflag:s28], $0x3000  }
0xab: {  	[sflag:s28] =	ssyncset.done $0x0  }
0xac: {  	[sflag:s28] =	ssyncadd.s32 $0xFFFFD000  }
0xad: {  	[hbm4b:s10+s3] =	stream.linear.scatter [tilespmem:s15], [sflag:$0x3], $0x3000, $0x38;
	[tilespmem:$0x7400] =	vst v63  }
0xae: {  	_ =	swait.ge [sflag:s30], $0x3000  }
0xaf: {  	[sflag:s30] =	ssyncset.done $0x0  }
0xb0: {  	[sflag:s30] =	ssyncadd.s32 $0xFFFFD000  }
0xb1: {  	[hbm4b:s11+s3] =	stream.linear.scatter [tilespmem:s21], [sflag:$0x4], $0x3000, $0x38;
	[tilespmem:$0x7400] =	vst v63  }
0xb2: {  	_ =	swait.ge [sflag:s29], $0x3000  }
0xb3: {  	[sflag:s29] =	ssyncset.done $0x0  }
0xb4: {  	[sflag:s29] =	ssyncadd.s32 $0xFFFFD000  }
0xb5: {  	_ =	swait.ge [sflag:s31], $0x3000  }
0xb6: {  	s0 =	sadd.s32 $0x1, s0;
	s2 =	rddreg [dreg:$0x5]  }
0xb7: {  	p0 =	sne.s32 s0, s2  }
.Ltmp1:
0xb8: {  	_ = 	snop;
	(pc) =	sbr.rel @p0 .LBB2_1-.Ltmp1, $3  }
0xb9: {  	_ =	sdelay $0x1  }
0xba: {  	[sflag:s31] =	ssyncset.done $0x0  }
0xbb: {  	[sflag:s31] =	ssyncadd.s32 $0xFFFFD000  }
0xbc: {  	_ =	sfence.sel $0x180000  }
0xbd: {  	[bflag:$0x0] =	sbarrier.arrive $0xFFFF  }
0xbe: {  	_ =	strace $0x90000047  }
0xbf: {  	s0 =	stileid.u32;
	[bflag:$0x2] =	sbarrier.arrive $0xFFFF  }
0xc0: {  	p0 =	sne.s32 s0, $0x0;
	s0 =	rddreg [dreg:$0x3]  }
0xc1: {  	s0 =	sadd.s32 @!p0 $0x100000, s0  }
0xc2: {  	[sflag:s0] =	ssyncadd.tile.s32 @!p0 $0x1;
	_ =	shalt  }
.Lfunc_end2:
_tile_overlayer_lowered:
.L_overlay_start_2:
0xc3: {  	(tag) =	ssettag $0x2  }
0xc4: {  	s0 =	rddreg [dreg:$0x0];
	s2 =	stileid.u32  }
0xc5: {  	s1 =	rddreg [dreg:$0x1];
	p0 =	sne.s32 s2, $0x0  }
0xc6: {  	s3 =	rddreg [dreg:$0x2];
	[bflag:$0x3] =	sbarrier.arrive $0xFFFF;
	s2 =	simm.s32 @!p0 $0x1C05  }
0xc7: {  	[timem:s3], [sflag:s2] =	dma.local @!p0 [hbm:s0], s1  }
0xc8: {  	s0 =	simm.s32 @!p0 $0x5  }
0xc9: {  	_ =	swait.ge @!p0 [sflag:s0], s1  }
0xca: {  	s1 =	ssub.s32 @!p0 $0x0, s1;
	[sflag:s0] =	ssyncset.done @!p0 $0x0  }
0xcb: {  	[sflag:s0] =	ssyncadd.s32 @!p0 s1  }
0xcc: {  	[bflag:$0x3] =	sbarrier.arrive $0xFFFF  }
0xcd: {  	_ =	shalt  }

// kernel: _run.15.cloned.1.call-start
scs
__scs_entry_jumppad:
0x0: {  	(pc) =	sbr.rel $0x88, $3  }
0x1: {  	(tag) =	ssettag $0x0;
	lr =	simm.s32 $0x1  }
0x2: {  	[smem:$0x3F9B] =	sst lr;
	_ =	strace $0xD0000000  }
0x3: {  	_ = 	snop  }
0x4: {  	_ = 	snop  }
0x5: {  	_ = 	snop  }
0x6: {  	_ = 	snop  }
0x7: {  	_ = 	snop  }
__scs_overlays_trampoline_lowered:
0x8: {  	[smem:$0x3FAA] =	sst s0  }
0x9: {  	[smem:$0x3FAB] =	sst s1  }
0xa: {  	[smem:$0x3FAC] =	sst s2  }
0xb: {  	[smem:$0x3FAD] =	sst s3  }
0xc: {  	[smem:$0x3FAE] =	sst s4  }
0xd: {  	[smem:$0x3FAF] =	sst s5  }
0xe: {  	[smem:$0x3FB0] =	sst s6  }
0xf: {  	[smem:$0x3FB1] =	sst s7  }
0x10: {  	[smem:$0x3FB2] =	sst s8  }
0x11: {  	[smem:$0x3FB3] =	sst s9;
	s0 =	simm.s32 @!p0 $0x0  }
0x12: {  	s1 =	sld [smem:$0x3F99];
	s0 =	simm.s32 @p0 $0x1  }
0x13: {  	[smem:$0x3FB4] =	sst s0;
	s0 =	simm.s32 @!p1 $0x0  }
0x14: {  	s2 =	sld [smem:$0x3F98];
	s0 =	simm.s32 @p1 $0x1  }
0x15: {  	[smem:$0x3FB5] =	sst s0;
	s0 =	simm.s32 @!p2 $0x0  }
0x16: {  	s3 =	sld [smem:$0x3FDB];
	s0 =	simm.s32 @p2 $0x1  }
0x17: {  	s4 =	simm.s32 $0x1BF5;
	[smem:$0x3FB7] =	sst s0  }
0x18: {  	s0 =	sld [smem:$0x3F9A];
	_ =	swait.ge [sflag:s4], $0x0  }
0x19: {  	s7 =	sld [smem:$0x3F9B]  }
0x1a: {  	s8 =	sadd.s32 $0xFFFFE003, lr  }
0x1b: {  	s9 =	sadd.s32 $0xFFFFFEF7, lr;
	s5 =	simm.s32 $0xFFFFFFFF;
	p2 =	slt.u32 s8, $0xFFFFF086  }
0x1c: {  	p1 =	slt.u32 s9, $0xF7A;
	s5 =	simm.s32 @!p2 $0x0  }
0x1d: {  	s5 =	simm.s32 @p1 $0x1;
	p0 =	seq.s32 s7, s2  }
0x1e: {  	s7 =	smul.u32 @!p0 $0xF7A, s2;
	p2 =	seq.s32 @!p0 s5, $0x0  }
0x1f: {  	s9 =	smul.u32 $0xF7A, s1;
	s8 =	simm.s32 @!p0 $0x1BF5;
	p2 =	por !p2, p0  }
0x20: {  	[sflag:s8] =	ssyncset.s32 @!p0 $0xFFFFF086;
	s6 =	sadd.s32 @!p0 s3, s7;
	s7 =	simm.s32 @!p0 $0x108  }
0x21: {  	s3 =	sadd.s32 s3, s9;
	s6 =	sadd.s32 @!p0 $0x88, s6;
	s7 =	simm.s32 @p2 $0x1082  }
0x22: {  	[simem:s7], [sflag:s8] =	dma.local @!p0 [hbm:s6], $0xF7A  }
0x23: {  	s9 =	sor.u32 $0xD0000000, s2;
	s6 =	simm.s32 $0x108;
	_ =	swait.ge @!p0 [sflag:s8], $0x0  }
0x24: {  	s3 =	sadd.s32 $0x88, s3;
	s6 =	simm.s32 @!p1 $0x1082;
	[sflag:s4] =	ssyncset.s32 $0xFFFFF086  }
0x25: {  	[simem:s6], [sflag:s4] =	dma.local [hbm:s3], $0xF7A  }
0x26: {  	[smem:$0x3F9B] =	sst s1;
	(tag) =	ssettag s2;
	_ =	strace s9  }
0x27: {  	s1 =	sld [smem:$0x3FAB]  }
0x28: {  	s2 =	sld [smem:$0x3FAC]  }
0x29: {  	s4 =	sld [smem:$0x3FAE]  }
0x2a: {  	p0 =	seq.s32 s5, $0x0;
	s5 =	sld [smem:$0x3FAF]  }
0x2b: {  	s6 =	sld [smem:$0x3FB0]  }
0x2c: {  	s7 =	sld [smem:$0x3FB1]  }
0x2d: {  	s3 =	simm.s32 $0x108;
	s8 =	sld [smem:$0x3FB2]  }
0x2e: {  	s3 =	simm.s32 @!p0 $0x1082;
	s9 =	sld [smem:$0x3FB3]  }
0x2f: {  	lr =	sadd.s32 s0, s3;
	s0 =	sld [smem:$0x3FAA]  }
0x30: {  	s3 =	sld [smem:$0x3FAD]  }
0x31: {  	[smem:$0x3FB6] =	sst s10  }
0x32: {  	s10 =	sld [smem:$0x3FB4];
	_ =	sdelay $0x3  }
0x33: {  	p0 =	seq.s32 s10, $0x1;
	s10 =	sld [smem:$0x3FB6];
	_ =	sdelay $0x3  }
0x34: {  	[smem:$0x3FB6] =	sst s10  }
0x35: {  	s10 =	sld [smem:$0x3FB5];
	_ =	sdelay $0x3  }
0x36: {  	p1 =	seq.s32 s10, $0x1;
	s10 =	sld [smem:$0x3FB6];
	_ =	sdelay $0x3  }
0x37: {  	[smem:$0x3FB6] =	sst s10  }
0x38: {  	s10 =	sld [smem:$0x3FB7]  }
0x39: {  	_ = 	snop;
	(pc) =	sbr.ind lr, $3  }
0x3a: {  	_ = 	snop  }
0x3b: {  	_ = 	snop  }
0x3c: {  	p2 =	seq.s32 s10, $0x1;
	s10 =	sld [smem:$0x3FB6]  }
0x3d: {  	_ =	shalt  }
0x3e: {  	_ =	shalt  }
0x3f: {  	_ =	shalt  }
0x40: {  	_ =	shalt  }
0x41: {  	_ =	shalt  }
0x42: {  	_ =	shalt  }
0x43: {  	_ =	shalt  }
0x44: {  	_ =	shalt  }
0x45: {  	_ =	shalt  }
0x46: {  	_ =	shalt  }
0x47: {  	_ =	shalt  }
0x48: {  	_ =	shalt  }
0x49: {  	_ =	shalt  }
0x4a: {  	_ =	shalt  }
0x4b: {  	_ =	shalt  }
0x4c: {  	_ =	shalt  }
0x4d: {  	_ =	shalt  }
0x4e: {  	_ =	shalt  }
0x4f: {  	_ =	shalt  }
0x50: {  	_ =	shalt  }
0x51: {  	_ =	shalt  }
0x52: {  	_ =	shalt  }
0x53: {  	_ =	shalt  }
0x54: {  	_ =	shalt  }
0x55: {  	_ =	shalt  }
0x56: {  	_ =	shalt  }
0x57: {  	_ =	shalt  }
0x58: {  	_ =	shalt  }
0x59: {  	_ =	shalt  }
0x5a: {  	_ =	shalt  }
0x5b: {  	_ =	shalt  }
0x5c: {  	_ =	shalt  }
0x5d: {  	_ =	shalt  }
0x5e: {  	_ =	shalt  }
0x5f: {  	_ =	shalt  }
0x60: {  	_ =	shalt  }
0x61: {  	_ =	shalt  }
0x62: {  	_ =	shalt  }
0x63: {  	_ =	shalt  }
0x64: {  	_ =	shalt  }
0x65: {  	_ =	shalt  }
0x66: {  	_ =	shalt  }
0x67: {  	_ =	shalt  }
0x68: {  	_ =	shalt  }
0x69: {  	_ =	shalt  }
0x6a: {  	_ =	shalt  }
0x6b: {  	_ =	shalt  }
0x6c: {  	_ =	shalt  }
0x6d: {  	_ =	shalt  }
0x6e: {  	_ =	shalt  }
0x6f: {  	_ =	shalt  }
0x70: {  	_ =	shalt  }
0x71: {  	_ =	shalt  }
0x72: {  	_ =	shalt  }
0x73: {  	_ =	shalt  }
0x74: {  	_ =	shalt  }
0x75: {  	_ =	shalt  }
0x76: {  	_ =	shalt  }
0x77: {  	_ =	shalt  }
0x78: {  	_ =	shalt  }
0x79: {  	_ =	shalt  }
0x7a: {  	_ =	shalt  }
0x7b: {  	_ =	shalt  }
0x7c: {  	_ =	shalt  }
0x7d: {  	_ =	shalt  }
0x7e: {  	_ =	shalt  }
0x7f: {  	_ =	shalt  }
0x80: {  	_ =	shalt  }
0x81: {  	_ =	shalt  }
0x82: {  	_ =	shalt  }
0x83: {  	_ =	shalt  }
0x84: {  	_ =	shalt  }
0x85: {  	_ =	shalt  }
0x86: {  	_ =	shalt  }
0x87: {  	_ =	shalt  }
.Lfunc_end0:
.L_simem_size_0:
called_computation.1_lowered:
.L_overlay_start_0:
0x88: {  	s2 =	sld [smem:$0x3FD9]  }
0x89: {  	s3 =	sld [smem:$0x3FFE];
	_ =	sdelay $0x1  }
0x8a: {  	s1 =	srdreg.scid  }
0x8b: {  	s0 =	sand.u32 $0x1, s1  }
0x8c: {  	s17 =	sshll.u32 s0, $0xA;
	s2 =	sadd.s32 s3, s2  }
0x8d: {  	s2 =	sadd.s32 s2, s17  }
0x8e: {  	[smem:$0x3FC2] =	sst s2  }
0x8f: {  	_ = 	snop  }
0x90: {  	s18 =	sld [smem:$0x3FC8];
	(tm) =	ssettm $0x1  }
0x91: {  	s19 =	sld [smem:$0x3FFB];
	_ =	sdelay $0x3  }
0x92: {  	_ =	strace s19  }
0x93: {  	s2 =	sld [smem:$0x3FFC];
	_ =	sdelay $0x3  }
0x94: {  	_ =	strace s2  }
0x95: {  	s2 =	sld [smem:$0x3FFD];
	_ =	sdelay $0x3  }
0x96: {  	_ =	strace s2  }
0x97: {  	_ =	strace $0x8FFFFFFF  }
0x98: {  	s20 =	sld [smem:$0x3FDB];
	_ =	sdelay $0x1  }
0x99: {  	s4 =	simm.s32 $_scs_section_size  }
0x9a: {  	s5 =	simm.s32 $_size__tile_overlayer_lowered;
	s6 =	simm.s32 $_tile_overlayer_lowered  }
0x9b: {  	s7 =	simm.s32 $0x1BFF;
	s21 =	sshll.u32 s6, $0x1;
	s4 =	sadd.s32 s4, s20  }
0x9c: {  	s22 =	simm.s32 $0x0;
	s5 =	sshll.u32 s5, $0x1;
	s6 =	sadd.s32 s21, s4  }
0x9d: {  	[timem:s22], [sflag:s7] =	dma.local [hbm:s6], s5  }
0x9e: {  	_ =	swait.ge [sflag:s7], s5  }
0x9f: {  	s5 =	ssub.s32 $0x0, s5;
	[sflag:s7] =	ssyncset.done $0x0  }
0xa0: {  	[sflag:s7] =	ssyncadd.s32 s5;
	_ =	sdelay $0x1  }
0xa1: {  	s23 =	simm.s32 $0x1B8B  }
0xa2: {  	_ =	swait.ge [sflag:s23], $0x1  }
0xa3: {  	[sflag:s23] =	ssyncset.done $0x0  }
0xa4: {  	[sflag:s23] =	ssyncadd.s32 $0xFFFFFFFF  }
0xa5: {  	s5 =	sld [smem:$0x0]  }
0xa6: {  	s6 =	sand.u32 $0xFFFFFFFE, s1  }
0xa7: {  	p0 =	sne.s32 s1, s6  }
0xa8: {  	s6 =	sshll.u32 @p0 s6, $0xE  }
0xa9: {  	s6 =	sadd.s32 @p0 $0x11B8D, s6;
	s7 =	sshll.u32 @p0 s5, $0x11  }
0xaa: {  	s6 =	sor.u32 @p0 s7, s6  }
0xab: {  	[sflag:s6] =	ssyncadd.remote.s32 @p0 $0x1;
	_ =	sdelay $0x1  }
0xac: {  	s6 =	simm.s32 @p0 $0x1B8D  }
0xad: {  	_ =	swait.eq @p0 [sflag:s6], $0x1  }
0xae: {  	[sflag:s6] =	ssyncadd.s32 @p0 $0xFFFFFFFF  }
0xaf: {  	s7 =	sshll.u32 @!p0 s1, $0xE  }
0xb0: {  	s7 =	sor.u32 @!p0 $0x4000, s7;
	s6 =	simm.s32 @!p0 $0x1B8D  }
0xb1: {  	s5 =	sshll.u32 @!p0 s5, $0x11;
	s7 =	sadd.s32 @!p0 $0x11B8D, s7;
	_ =	swait.eq @!p0 [sflag:s6], $0x1  }
0xb2: {  	s5 =	sor.u32 @!p0 s5, s7;
	[sflag:s6] =	ssyncadd.s32 @!p0 $0xFFFFFFFF  }
0xb3: {  	s25 =	simm.s32 $0x1B8E;
	s24 =	sld [smem:$0x3FFE];
	[sflag:s5] =	ssyncadd.remote.s32 @!p0 $0x1  }
0xb4: {  	s26 =	simm.s32 $execute0_lowered;
	[smem:$0x3FD2] =	sst s25  }
0xb5: {  	s6 =	sshll.u32 s26, $0x1;
	_ =	strace $0x80000049;
	[dreg:$0x1] =	wrdreg $0xFFFFFFFF  }
0xb6: {  	s28 =	simm.s32 $_size_execute0_lowered;
	s4 =	sadd.s32 s4, s6;
	[dreg:$0x0] =	wrdreg $0x0  }
0xb7: {  	s6 =	sshll.u32 s28, $0x1;
	[dreg:$0x2] =	wrdreg s4  }
0xb8: {  	[dreg:$0x3] =	wrdreg s6  }
0xb9: {  	[dreg:$0x4] =	wrdreg $0xC0  }
0xba: {  	_ =	task [dreg:s22], $0x5FFFF  }
0xbb: {  	[dreg:$0x1] =	wrdreg $0xFFFFFFFF  }
0xbc: {  	[dreg:$0x0] =	wrdreg $0x60  }
0xbd: {  	[dreg:$0x2] =	wrdreg s24  }
0xbe: {  	[dreg:$0x3] =	wrdreg s18  }
0xbf: {  	[dreg:$0x4] =	wrdreg $0xA  }
0xc0: {  	_ =	task.clear_ibuf [dreg:s22], $0x5FFFF;
	_ =	strace $0x90000049  }
0xc1: {  	s29 =	simm.s32 $0xA;
	_ =	strace $0x8000004B  }
0xc2: {  	_ =	swait.ge [sflag:s29], $0x1  }
0xc3: {  	[sflag:s29] =	ssyncadd.s32 $0xFFFFFFFF  }
0xc4: {  	_ =	strace $0x9000004B  }
0xc5: {  	_ =	sfence  }
0xc6: {  	s30 =	sld [smem:$0x0];
	_ =	sdelay $0x2  }
0xc7: {  	s31 =	sshll.u32 s1, $0xD;
	s1 =	sshrl.u32 s1, $0x2  }
0xc8: {  	s4 =	sand.u32 $0x4000, s31;
	s1 =	sadd.s32 s1, s30  }
0xc9: {  	s0 =	sor.u32 s4, s0;
	s1 =	sshll.u32 s1, $0x11  }
0xca: {  	s0 =	sor.u32 s1, s0  }
0xcb: {  	s0 =	sadd.s32 $0x8F2B, s0  }
0xcc: {  	[sflag:s0] =	ssyncadd.remote.s32 $0x1  }
0xcd: {  	_ =	sfence.sel $0xFFFF  }
0xce: {  	[dreg:$0x0] =	wrdreg $0xFFFFFFFF;
	(pc) =	sbr.abs _section_cstart, $3  }
0xcf: {  	[dreg:$0x1] =	wrdreg $0xFFFFFFFF  }
0xd0: {  	_ =	task.clear_ibuf [dreg:s22], $0x2FFFF;
	_ =	strace $0x9FFFFFFF  }
0xd1: {  	(tm) =	ssettm $0x7FFFFFFF  }
tec
execute0_lowered:
.L_overlay_start_1:
0x0: {  	(tag) =	ssettag $0x1  }
0x1: {  	s0 =	srdreg.scid  }
0x2: {  	s5 =	stileid.u32;
	s4 =	rddreg [dreg:$0x0]  }
0x3: {  	s2 =	rddreg [dreg:$0x1];
	s3 =	simm.s32 $0x0;
	s14 =	simm.s32 $0x5  }
0x4: {  	s15 =	simm.s32 $0x1400;
	s16 =	simm.s32 $0x1C00;
	s17 =	simm.s32 $0x2400  }
0x5: {  	s18 =	simm.s32 $0x2C00;
	s19 =	simm.s32 $0x3400;
	s20 =	simm.s32 $0x3C00  }
0x6: {  	s21 =	simm.s32 $0x4400;
	s22 =	simm.s32 $0x4C00;
	s28 =	simm.s32 $0x1  }
0x7: {  	s29 =	simm.s32 $0x3;
	s30 =	simm.s32 $0x2;
	s31 =	simm.s32 $0x4  }
0x8: {  	s0 =	sand.u32 $0x1, s0;
	s1 =	sshll.u32 s5, $0x1;
	s5 =	smul.u32 $0x500, s5  }
0x9: {  	s1 =	sor.u32 s0, s1;
	s6 =	ssub.s32 $0x2, s0;
	s0 =	smul.u32 $0x280, s0  }
0xa: {  	[smem:$0x7FF] =	sst s3;
	s1 =	smul.u32 $0x280, s1;
	s8 =	sshrl.u32 s6, $0x1  }
0xb: {  	_ =	strace $0x8000004A;
	s8 =	ssub.s32 s6, s8;
	s0 =	sadd.s32 s0, s5  }
0xc: {  	s5 =	sadd.s32 $0x100, s2;
	s6 =	sadd.s32 $0x200, s2;
	s7 =	sadd.s32 s1, s4  }
0xd: {  	s4 =	sadd.s32 $0x1E9800, s4;
	s1 =	sshrl.u32 s1, $0x3;
	s24 =	sor.u32 $0x20, s0  }
0xe: {  	s0 =	sor.u32 $0x30, s0;
	s26 =	smax.u32 s8, $0x1;
	s23 =	sadd.s32 $0x1E4800, s7  }
0xf: {  	s1 =	smul.u32 $0x300, s1;
	s25 =	sshrl.u32 s24, $0x3;
	s0 =	sshrl.u32 s0, $0x3  }
0x10: {  	[dreg:$0x4] =	wrdreg s26;
	s24 =	simm.s32 $0x5C00;
	s12 =	smul.u32 $0x300, s25  }
0x11: {  	s26 =	simm.s32 $0x6C00;
	[dreg:$0x3] =	wrdreg s23;
	s0 =	smul.u32 $0x300, s0  }
0x12: {  	v2 =	vlaneseq.u32;
	s23 =	simm.s32 $0x5400;
	s25 =	simm.s32 $0x6400;
	s7 =	sadd.s32 s4, s1  }
0x13: {  	vm0 =	vmmov $0xffff;
	v1 =	vshrl.u32 v2, $0x3;
	s1 =	simm.s32 $0x0;
	s9 =	sadd.s32 $0x600, s7;
	s10 =	sadd.s32 $0xE400, s7  }
0x14: {  	v0 =	vand.u32 $0x7, v2;
	v2 =	vor.u32 $0x8, v2;
	v1 =	vmul.u32 $0x8, v1;
	s11 =	sadd.s32 $0xEA00, s7;
	s12 =	sadd.s32 s12, s4;
	s13 =	sadd.s32 s0, s4  }
.LBB2_1:
0x15: {  	s0 =	rddreg [dreg:$0x3]  }
0x16: {  	[tilespmem:s3], [sflag:$0x5] =	stream.linear.gather [hbm4b:s0+s3], $0x1400, $0x38;
	[tilespmem:$0x7400] =	vst v63  }
0x17: {  	_ =	swait.ge [sflag:s14], $0x1400  }
0x18: {  	[sflag:s14] =	ssyncset.done $0x0  }
0x19: {  	[sflag:s14] =	ssyncadd.s32 $0xFFFFEC00  }
0x1a: {  	v3 =	vld [tilespmem:$0x0];
	_ =	sdelay $0x4  }
0x1b: {  	v4 =	vshrl.u32 v3, $0x3  }
0x1c: {  	v4 =	vmul.u32 $0x30, v4  }
0x1d: {  	v3 =	vand.u32 $0x7, v3  }
0x1e: {  	v3 =	vor.u32 v3, v4  }
0x1f: {  	v4 =	vperm.xlane v3, v0;
	_ =	sdelay $0x1  }
0x20: {  	v4 =	vadd.s32 v1, v4;
	_ =	sdelay $0x3  }
0x21: {  	v3 =	vperm.xlane v3, v2  }
0x22: {  	[tilespmem:s15], [sflag:$0x1] =	stream.indirect_vreg.gather [hbm4b:s2+s3], $0x80, v4, vm0, $0xb8;
	[tilespmem:$0x7400] =	vst v63  }
0x23: {  	v3 =	vadd.s32 v1, v3  }
0x24: {  	[tilespmem:s16], [sflag:$0x1] =	stream.indirect_vreg.gather [hbm4b:s5+s3], $0x80, v4, vm0, $0xb8;
	[tilespmem:$0x7400] =	vst v63  }
0x25: {  	_ = 	snop  }
0x26: {  	[tilespmem:s17], [sflag:$0x1] =	stream.indirect_vreg.gather [hbm4b:s6+s3], $0x80, v4, vm0, $0xb8;
	[tilespmem:$0x7400] =	vst v63  }
0x27: {  	_ = 	snop  }
0x28: {  	[tilespmem:s18], [sflag:$0x1] =	stream.indirect_vreg.gather [hbm4b:s2+s3], $0x80, v3, vm0, $0xb8;
	[tilespmem:$0x7400] =	vst v63  }
0x29: {  	_ = 	snop  }
0x2a: {  	[tilespmem:s19], [sflag:$0x1] =	stream.indirect_vreg.gather [hbm4b:s5+s3], $0x80, v3, vm0, $0xb8;
	[tilespmem:$0x7400] =	vst v63  }
0x2b: {  	_ = 	snop  }
0x2c: {  	[tilespmem:s20], [sflag:$0x1] =	stream.indirect_vreg.gather [hbm4b:s6+s3], $0x80, v3, vm0, $0xb8;
	[tilespmem:$0x7400] =	vst v63  }
0x2d: {  	v3 =	vld [tilespmem:$0x80];
	_ =	sdelay $0x4  }
0x2e: {  	v62 =	vshrl.u32 v3, $0x3  }
0x2f: {  	v4 =	vmul.u32 $0x30, v62  }
0x30: {  	v3 =	vand.u32 $0x7, v3  }
0x31: {  	v3 =	vor.u32 v3, v4  }
0x32: {  	v4 =	vperm.xlane v3, v0;
	_ =	sdelay $0x1  }
0x33: {  	v4 =	vadd.s32 v1, v4;
	_ =	sdelay $0x3  }
0x34: {  	v3 =	vperm.xlane v3, v2  }
0x35: {  	[tilespmem:s21], [sflag:$0x2] =	stream.indirect_vreg.gather [hbm4b:s2+s3], $0x80, v4, vm0, $0xb8;
	[tilespmem:$0x7400] =	vst v63  }
0x36: {  	v3 =	vadd.s32 v1, v3  }
0x37: {  	[tilespmem:s22], [sflag:$0x2] =	stream.indirect_vreg.gather [hbm4b:s5+s3], $0x80, v4, vm0, $0xb8;
	[tilespmem:$0x7400] =	vst v63  }
0x38: {  	_ = 	snop  }
0x39: {  	[tilespmem:s23], [sflag:$0x2] =	stream.indirect_vreg.gather [hbm4b:s6+s3], $0x80, v4, vm0, $0xb8;
	[tilespmem:$0x7400] =	vst v63  }
0x3a: {  	_ = 	snop  }
0x3b: {  	[tilespmem:s24], [sflag:$0x2] =	stream.indirect_vreg.gather [hbm4b:s2+s3], $0x80, v3, vm0, $0xb8;
	[tilespmem:$0x7400] =	vst v63  }
0x3c: {  	_ = 	snop  }
0x3d: {  	[tilespmem:s25], [sflag:$0x2] =	stream.indirect_vreg.gather [hbm4b:s5+s3], $0x80, v3, vm0, $0xb8;
	[tilespmem:$0x7400] =	vst v63  }
0x3e: {  	_ = 	snop  }
0x3f: {  	[tilespmem:s26], [sflag:$0x2] =	stream.indirect_vreg.gather [hbm4b:s6+s3], $0x80, v3, vm0, $0xb8;
	[tilespmem:$0x7400] =	vst v63  }
0x40: {  	_ =	swait.ge [sflag:s28], $0x3000  }
0x41: {  	[sflag:s28] =	ssyncset.done $0x0  }
0x42: {  	[sflag:s28] =	ssyncadd.s32 $0xFFFFD000  }
0x43: {  	[hbm4b:s7+s3] =	stream.linear.scatter [tilespmem:s15], [sflag:$0x3], $0x3000, $0x38;
	[tilespmem:$0x7400] =	vst v63  }
0x44: {  	_ =	swait.ge [sflag:s29], $0x3000  }
0x45: {  	[sflag:s29] =	ssyncset.done $0x0  }
0x46: {  	[sflag:s29] =	ssyncadd.s32 $0xFFFFD000  }
0x47: {  	v3 =	vld [tilespmem:$0x100];
	_ =	sdelay $0x4  }
0x48: {  	v63 =	vshrl.u32 v3, $0x3  }
0x49: {  	v4 =	vmul.u32 $0x30, v63  }
0x4a: {  	v3 =	vand.u32 $0x7, v3  }
0x4b: {  	v3 =	vor.u32 v3, v4  }
0x4c: {  	v4 =	vperm.xlane v3, v0;
	_ =	sdelay $0x1  }
0x4d: {  	v4 =	vadd.s32 v1, v4;
	_ =	sdelay $0x3  }
0x4e: {  	v3 =	vperm.xlane v3, v2  }
0x4f: {  	[tilespmem:s15], [sflag:$0x1] =	stream.indirect_vreg.gather [hbm4b:s2+s3], $0x80, v4, vm0, $0xb8;
	[tilespmem:$0x7400] =	vst v63  }
0x50: {  	v3 =	vadd.s32 v1, v3  }
0x51: {  	[tilespmem:s16], [sflag:$0x1] =	stream.indirect_vreg.gather [hbm4b:s5+s3], $0x80, v4, vm0, $0xb8;
	[tilespmem:$0x7400] =	vst v63  }
0x52: {  	_ = 	snop  }
0x53: {  	[tilespmem:s17], [sflag:$0x1] =	stream.indirect_vreg.gather [hbm4b:s6+s3], $0x80, v4, vm0, $0xb8;
	[tilespmem:$0x7400] =	vst v63  }
0x54: {  	_ = 	snop  }
0x55: {  	[tilespmem:s18], [sflag:$0x1] =	stream.indirect_vreg.gather [hbm4b:s2+s3], $0x80, v3, vm0, $0xb8;
	[tilespmem:$0x7400] =	vst v63  }
0x56: {  	_ = 	snop  }
0x57: {  	[tilespmem:s19], [sflag:$0x1] =	stream.indirect_vreg.gather [hbm4b:s5+s3], $0x80, v3, vm0, $0xb8;
	[tilespmem:$0x7400] =	vst v63  }
0x58: {  	_ = 	snop  }
0x59: {  	[tilespmem:s20], [sflag:$0x1] =	stream.indirect_vreg.gather [hbm4b:s6+s3], $0x80, v3, vm0, $0xb8;
	[tilespmem:$0x7400] =	vst v63  }
0x5a: {  	_ =	swait.ge [sflag:s30], $0x3000  }
0x5b: {  	[sflag:s30] =	ssyncset.done $0x0  }
0x5c: {  	s4 =	simm.s32 $0x0;
	s0 =	simm.s32 $0x200;
	[sflag:s30] =	ssyncadd.s32 $0xFFFFD000  }
0x5d: {  	[hbm4b:s9+s3] =	stream.linear.scatter [tilespmem:s21], [sflag:$0x4], $0x3000, $0x38;
	[tilespmem:$0x7400] =	vst v63  }
.LBB2_2:
0x5e: {  	_ =	swait.ge [sflag:s31], $0x3000  }
0x5f: {  	[sflag:s31] =	ssyncset.done $0x0  }
0x60: {  	[sflag:s31] =	ssyncadd.s32 $0xFFFFD000  }
0x61: {  	v3 =	vld [tilespmem:s0+$0xFFFFFF80];
	_ =	sdelay $0x4  }
0x62: {  	v4 =	vshrl.u32 v3, $0x3  }
0x63: {  	v4 =	vmul.u32 $0x30, v4  }
0x64: {  	v3 =	vand.u32 $0x7, v3  }
0x65: {  	v3 =	vor.u32 v3, v4  }
0x66: {  	v4 =	vperm.xlane v3, v0;
	_ =	sdelay $0x1  }
0x67: {  	v4 =	vadd.s32 v1, v4;
	_ =	sdelay $0x3  }
0x68: {  	v3 =	vperm.xlane v3, v2  }
0x69: {  	[tilespmem:s21], [sflag:$0x2] =	stream.indirect_vreg.gather [hbm4b:s2+s3], $0x80, v4, vm0, $0xb8;
	[tilespmem:$0x7400] =	vst v63  }
0x6a: {  	v3 =	vadd.s32 v1, v3  }
0x6b: {  	[tilespmem:s22], [sflag:$0x2] =	stream.indirect_vreg.gather [hbm4b:s5+s3], $0x80, v4, vm0, $0xb8;
	[tilespmem:$0x7400] =	vst v63  }
0x6c: {  	_ = 	snop  }
0x6d: {  	[tilespmem:s23], [sflag:$0x2] =	stream.indirect_vreg.gather [hbm4b:s6+s3], $0x80, v4, vm0, $0xb8;
	[tilespmem:$0x7400] =	vst v63  }
0x6e: {  	_ = 	snop  }
0x6f: {  	[tilespmem:s24], [sflag:$0x2] =	stream.indirect_vreg.gather [hbm4b:s2+s3], $0x80, v3, vm0, $0xb8;
	[tilespmem:$0x7400] =	vst v63  }
0x70: {  	_ = 	snop  }
0x71: {  	[tilespmem:s25], [sflag:$0x2] =	stream.indirect_vreg.gather [hbm4b:s5+s3], $0x80, v3, vm0, $0xb8;
	[tilespmem:$0x7400] =	vst v63  }
0x72: {  	_ = 	snop  }
0x73: {  	[tilespmem:s26], [sflag:$0x2] =	stream.indirect_vreg.gather [hbm4b:s6+s3], $0x80, v3, vm0, $0xb8;
	[tilespmem:$0x7400] =	vst v63  }
0x74: {  	_ =	swait.ge [sflag:s28], $0x3000  }
0x75: {  	[sflag:s28] =	ssyncset.done $0x0  }
0x76: {  	s8 =	sadd.s32 s4, s12;
	[sflag:s28] =	ssyncadd.s32 $0xFFFFD000  }
0x77: {  	[hbm4b:s8+s3] =	stream.linear.scatter [tilespmem:s15], [sflag:$0x3], $0x3000, $0x38;
	[tilespmem:$0x7400] =	vst v63  }
0x78: {  	_ =	swait.ge [sflag:s29], $0x3000  }
0x79: {  	[sflag:s29] =	ssyncset.done $0x0  }
0x7a: {  	[sflag:s29] =	ssyncadd.s32 $0xFFFFD000  }
0x7b: {  	v3 =	vld [tilespmem:s0+$0x0];
	_ =	sdelay $0x4  }
0x7c: {  	v63 =	vshrl.u32 v3, $0x3  }
0x7d: {  	v4 =	vmul.u32 $0x30, v63  }
0x7e: {  	v3 =	vand.u32 $0x7, v3  }
0x7f: {  	v3 =	vor.u32 v3, v4  }
0x80: {  	v4 =	vperm.xlane v3, v0;
	_ =	sdelay $0x1  }
0x81: {  	v4 =	vadd.s32 v1, v4;
	_ =	sdelay $0x3  }
0x82: {  	v3 =	vperm.xlane v3, v2  }
0x83: {  	[tilespmem:s15], [sflag:$0x1] =	stream.indirect_vreg.gather [hbm4b:s2+s3], $0x80, v4, vm0, $0xb8;
	[tilespmem:$0x7400] =	vst v63  }
0x84: {  	v3 =	vadd.s32 v1, v3  }
0x85: {  	[tilespmem:s16], [sflag:$0x1] =	stream.indirect_vreg.gather [hbm4b:s5+s3], $0x80, v4, vm0, $0xb8;
	[tilespmem:$0x7400] =	vst v63  }
0x86: {  	_ = 	snop  }
0x87: {  	[tilespmem:s17], [sflag:$0x1] =	stream.indirect_vreg.gather [hbm4b:s6+s3], $0x80, v4, vm0, $0xb8;
	[tilespmem:$0x7400] =	vst v63  }
0x88: {  	_ = 	snop  }
0x89: {  	[tilespmem:s18], [sflag:$0x1] =	stream.indirect_vreg.gather [hbm4b:s2+s3], $0x80, v3, vm0, $0xb8;
	[tilespmem:$0x7400] =	vst v63  }
0x8a: {  	_ = 	snop  }
0x8b: {  	[tilespmem:s19], [sflag:$0x1] =	stream.indirect_vreg.gather [hbm4b:s5+s3], $0x80, v3, vm0, $0xb8;
	[tilespmem:$0x7400] =	vst v63  }
0x8c: {  	p0 =	sne.s32 s4, $0xCC00  }
0x8d: {  	[tilespmem:s20], [sflag:$0x1] =	stream.indirect_vreg.gather [hbm4b:s6+s3], $0x80, v3, vm0, $0xb8;
	[tilespmem:$0x7400] =	vst v63  }
.Ltmp0:
0x8e: {  	_ = 	snop;
	(pc) =	sbr.rel @p0 .LBB2_2-.Ltmp0, $4  }
0x8f: {  	_ =	swait.ge [sflag:s30], $0x3000  }
0x90: {  	s8 =	sadd.s32 s4, s13;
	[sflag:s30] =	ssyncset.done $0x0  }
0x91: {  	s4 =	sadd.s32 $0xC00, s4;
	s0 =	sadd.s32 $0x100, s0;
	[sflag:s30] =	ssyncadd.s32 $0xFFFFD000  }
0x92: {  	[hbm4b:s8+s3] =	stream.linear.scatter [tilespmem:s21], [sflag:$0x4], $0x3000, $0x38;
	[tilespmem:$0x7400] =	vst v63  }
0x93: {  	_ =	swait.ge [sflag:s31], $0x3000  }
0x94: {  	[sflag:s31] =	ssyncset.done $0x0  }
0x95: {  	[sflag:s31] =	ssyncadd.s32 $0xFFFFD000  }
0x96: {  	v3 =	vld [tilespmem:$0x1380];
	_ =	sdelay $0x4  }
0x97: {  	v4 =	vshrl.u32 v3, $0x3  }
0x98: {  	v4 =	vmul.u32 $0x30, v4  }
0x99: {  	v3 =	vand.u32 $0x7, v3  }
0x9a: {  	v3 =	vor.u32 v3, v4  }
0x9b: {  	v4 =	vperm.xlane v3, v0;
	_ =	sdelay $0x1  }
0x9c: {  	v4 =	vadd.s32 v1, v4;
	_ =	sdelay $0x3  }
0x9d: {  	v3 =	vperm.xlane v3, v2  }
0x9e: {  	[tilespmem:s21], [sflag:$0x2] =	stream.indirect_vreg.gather [hbm4b:s2+s3], $0x80, v4, vm0, $0xb8;
	[tilespmem:$0x7400] =	vst v63  }
0x9f: {  	v3 =	vadd.s32 v1, v3  }
0xa0: {  	[tilespmem:s22], [sflag:$0x2] =	stream.indirect_vreg.gather [hbm4b:s5+s3], $0x80, v4, vm0, $0xb8;
	[tilespmem:$0x7400] =	vst v63  }
0xa1: {  	_ = 	snop  }
0xa2: {  	[tilespmem:s23], [sflag:$0x2] =	stream.indirect_vreg.gather [hbm4b:s6+s3], $0x80, v4, vm0, $0xb8;
	[tilespmem:$0x7400] =	vst v63  }
0xa3: {  	_ = 	snop  }
0xa4: {  	[tilespmem:s24], [sflag:$0x2] =	stream.indirect_vreg.gather [hbm4b:s2+s3], $0x80, v3, vm0, $0xb8;
	[tilespmem:$0x7400] =	vst v63  }
0xa5: {  	_ = 	snop  }
0xa6: {  	[tilespmem:s25], [sflag:$0x2] =	stream.indirect_vreg.gather [hbm4b:s5+s3], $0x80, v3, vm0, $0xb8;
	[tilespmem:$0x7400] =	vst v63  }
0xa7: {  	_ = 	snop  }
0xa8: {  	[tilespmem:s26], [sflag:$0x2] =	stream.indirect_vreg.gather [hbm4b:s6+s3], $0x80, v3, vm0, $0xb8;
	[tilespmem:$0x7400] =	vst v63  }
0xa9: {  	_ =	swait.ge [sflag:s28], $0x3000  }
0xaa: {  	[sflag:s28] =	ssyncset.done $0x0  }
0xab: {  	[sflag:s28] =	ssyncadd.s32 $0xFFFFD000  }
0xac: {  	[hbm4b:s10+s3] =	stream.linear.scatter [tilespmem:s15], [sflag:$0x3], $0x3000, $0x38;
	[tilespmem:$0x7400] =	vst v63  }
0xad: {  	_ =	swait.ge [sflag:s30], $0x3000  }
0xae: {  	[sflag:s30] =	ssyncset.done $0x0  }
0xaf: {  	[sflag:s30] =	ssyncadd.s32 $0xFFFFD000  }
0xb0: {  	[hbm4b:s11+s3] =	stream.linear.scatter [tilespmem:s21], [sflag:$0x4], $0x3000, $0x38;
	[tilespmem:$0x7400] =	vst v63  }
0xb1: {  	_ =	swait.ge [sflag:s29], $0x3000  }
0xb2: {  	[sflag:s29] =	ssyncset.done $0x0  }
0xb3: {  	[sflag:s29] =	ssyncadd.s32 $0xFFFFD000  }
0xb4: {  	_ =	swait.ge [sflag:s31], $0x3000  }
0xb5: {  	s1 =	sadd.s32 $0x1, s1;
	s0 =	rddreg [dreg:$0x4]  }
0xb6: {  	p0 =	sne.s32 s1, s0  }
.Ltmp1:
0xb7: {  	_ = 	snop;
	(pc) =	sbr.rel @p0 .LBB2_1-.Ltmp1, $3  }
0xb8: {  	_ =	sdelay $0x1  }
0xb9: {  	[sflag:s31] =	ssyncset.done $0x0  }
0xba: {  	[sflag:s31] =	ssyncadd.s32 $0xFFFFD000  }
0xbb: {  	_ =	sfence.sel $0x180000  }
0xbc: {  	[bflag:$0x0] =	sbarrier.arrive $0xFFFF  }
0xbd: {  	_ =	strace $0x9000004A  }
0xbe: {  	s0 =	stileid.u32;
	[bflag:$0x2] =	sbarrier.arrive $0xFFFF  }
0xbf: {  	p0 =	sne.s32 s0, $0x0;
	s0 =	rddreg [dreg:$0x2]  }
0xc0: {  	s0 =	sadd.s32 @!p0 $0x100000, s0  }
0xc1: {  	[sflag:s0] =	ssyncadd.tile.s32 @!p0 $0x1;
	_ =	shalt  }
.Lfunc_end2:
_tile_overlayer_lowered:
.L_overlay_start_2:
0xc2: {  	(tag) =	ssettag $0x2  }
0xc3: {  	s0 =	rddreg [dreg:$0x0];
	s2 =	stileid.u32  }
0xc4: {  	s1 =	rddreg [dreg:$0x1];
	p0 =	sne.s32 s2, $0x0  }
0xc5: {  	s3 =	rddreg [dreg:$0x2];
	[bflag:$0x3] =	sbarrier.arrive $0xFFFF;
	s2 =	simm.s32 @!p0 $0x1C05  }
0xc6: {  	[timem:s3], [sflag:s2] =	dma.local @!p0 [hbm:s0], s1  }
0xc7: {  	s0 =	simm.s32 @!p0 $0x5  }
0xc8: {  	_ =	swait.ge @!p0 [sflag:s0], s1  }
0xc9: {  	s1 =	ssub.s32 @!p0 $0x0, s1;
	[sflag:s0] =	ssyncset.done @!p0 $0x0  }
0xca: {  	[sflag:s0] =	ssyncadd.s32 @!p0 s1  }
0xcb: {  	[bflag:$0x3] =	sbarrier.arrive $0xFFFF  }
0xcc: {  	_ =	shalt  }

// kernel: _run.18.cloned.1.call-start
scs
__scs_entry_jumppad:
0x0: {  	(pc) =	sbr.rel $0x88, $3  }
0x1: {  	(tag) =	ssettag $0x0;
	lr =	simm.s32 $0x1  }
0x2: {  	[smem:$0x3F9B] =	sst lr;
	_ =	strace $0xD0000000  }
0x3: {  	_ = 	snop  }
0x4: {  	_ = 	snop  }
0x5: {  	_ = 	snop  }
0x6: {  	_ = 	snop  }
0x7: {  	_ = 	snop  }
__scs_overlays_trampoline_lowered:
0x8: {  	[smem:$0x3FAA] =	sst s0  }
0x9: {  	[smem:$0x3FAB] =	sst s1  }
0xa: {  	[smem:$0x3FAC] =	sst s2  }
0xb: {  	[smem:$0x3FAD] =	sst s3  }
0xc: {  	[smem:$0x3FAE] =	sst s4  }
0xd: {  	[smem:$0x3FAF] =	sst s5  }
0xe: {  	[smem:$0x3FB0] =	sst s6  }
0xf: {  	[smem:$0x3FB1] =	sst s7  }
0x10: {  	[smem:$0x3FB2] =	sst s8  }
0x11: {  	[smem:$0x3FB3] =	sst s9;
	s0 =	simm.s32 @!p0 $0x0  }
0x12: {  	s1 =	sld [smem:$0x3F99];
	s0 =	simm.s32 @p0 $0x1  }
0x13: {  	[smem:$0x3FB4] =	sst s0;
	s0 =	simm.s32 @!p1 $0x0  }
0x14: {  	s2 =	sld [smem:$0x3F98];
	s0 =	simm.s32 @p1 $0x1  }
0x15: {  	[smem:$0x3FB5] =	sst s0;
	s0 =	simm.s32 @!p2 $0x0  }
0x16: {  	s3 =	sld [smem:$0x3FDB];
	s0 =	simm.s32 @p2 $0x1  }
0x17: {  	s4 =	simm.s32 $0x1BF5;
	[smem:$0x3FB7] =	sst s0  }
0x18: {  	s0 =	sld [smem:$0x3F9A];
	_ =	swait.ge [sflag:s4], $0x0  }
0x19: {  	s7 =	sld [smem:$0x3F9B]  }
0x1a: {  	s8 =	sadd.s32 $0xFFFFE003, lr  }
0x1b: {  	s9 =	sadd.s32 $0xFFFFFEF7, lr;
	s5 =	simm.s32 $0xFFFFFFFF;
	p2 =	slt.u32 s8, $0xFFFFF086  }
0x1c: {  	p1 =	slt.u32 s9, $0xF7A;
	s5 =	simm.s32 @!p2 $0x0  }
0x1d: {  	s5 =	simm.s32 @p1 $0x1;
	p0 =	seq.s32 s7, s2  }
0x1e: {  	s7 =	smul.u32 @!p0 $0xF7A, s2;
	p2 =	seq.s32 @!p0 s5, $0x0  }
0x1f: {  	s9 =	smul.u32 $0xF7A, s1;
	s8 =	simm.s32 @!p0 $0x1BF5;
	p2 =	por !p2, p0  }
0x20: {  	[sflag:s8] =	ssyncset.s32 @!p0 $0xFFFFF086;
	s6 =	sadd.s32 @!p0 s3, s7;
	s7 =	simm.s32 @!p0 $0x108  }
0x21: {  	s3 =	sadd.s32 s3, s9;
	s6 =	sadd.s32 @!p0 $0x88, s6;
	s7 =	simm.s32 @p2 $0x1082  }
0x22: {  	[simem:s7], [sflag:s8] =	dma.local @!p0 [hbm:s6], $0xF7A  }
0x23: {  	s9 =	sor.u32 $0xD0000000, s2;
	s6 =	simm.s32 $0x108;
	_ =	swait.ge @!p0 [sflag:s8], $0x0  }
0x24: {  	s3 =	sadd.s32 $0x88, s3;
	s6 =	simm.s32 @!p1 $0x1082;
	[sflag:s4] =	ssyncset.s32 $0xFFFFF086  }
0x25: {  	[simem:s6], [sflag:s4] =	dma.local [hbm:s3], $0xF7A  }
0x26: {  	[smem:$0x3F9B] =	sst s1;
	(tag) =	ssettag s2;
	_ =	strace s9  }
0x27: {  	s1 =	sld [smem:$0x3FAB]  }
0x28: {  	s2 =	sld [smem:$0x3FAC]  }
0x29: {  	s4 =	sld [smem:$0x3FAE]  }
0x2a: {  	p0 =	seq.s32 s5, $0x0;
	s5 =	sld [smem:$0x3FAF]  }
0x2b: {  	s6 =	sld [smem:$0x3FB0]  }
0x2c: {  	s7 =	sld [smem:$0x3FB1]  }
0x2d: {  	s3 =	simm.s32 $0x108;
	s8 =	sld [smem:$0x3FB2]  }
0x2e: {  	s3 =	simm.s32 @!p0 $0x1082;
	s9 =	sld [smem:$0x3FB3]  }
0x2f: {  	lr =	sadd.s32 s0, s3;
	s0 =	sld [smem:$0x3FAA]  }
0x30: {  	s3 =	sld [smem:$0x3FAD]  }
0x31: {  	[smem:$0x3FB6] =	sst s10  }
0x32: {  	s10 =	sld [smem:$0x3FB4];
	_ =	sdelay $0x3  }
0x33: {  	p0 =	seq.s32 s10, $0x1;
	s10 =	sld [smem:$0x3FB6];
	_ =	sdelay $0x3  }
0x34: {  	[smem:$0x3FB6] =	sst s10  }
0x35: {  	s10 =	sld [smem:$0x3FB5];
	_ =	sdelay $0x3  }
0x36: {  	p1 =	seq.s32 s10, $0x1;
	s10 =	sld [smem:$0x3FB6];
	_ =	sdelay $0x3  }
0x37: {  	[smem:$0x3FB6] =	sst s10  }
0x38: {  	s10 =	sld [smem:$0x3FB7]  }
0x39: {  	_ = 	snop;
	(pc) =	sbr.ind lr, $3  }
0x3a: {  	_ = 	snop  }
0x3b: {  	_ = 	snop  }
0x3c: {  	p2 =	seq.s32 s10, $0x1;
	s10 =	sld [smem:$0x3FB6]  }
0x3d: {  	_ =	shalt  }
0x3e: {  	_ =	shalt  }
0x3f: {  	_ =	shalt  }
0x40: {  	_ =	shalt  }
0x41: {  	_ =	shalt  }
0x42: {  	_ =	shalt  }
0x43: {  	_ =	shalt  }
0x44: {  	_ =	shalt  }
0x45: {  	_ =	shalt  }
0x46: {  	_ =	shalt  }
0x47: {  	_ =	shalt  }
0x48: {  	_ =	shalt  }
0x49: {  	_ =	shalt  }
0x4a: {  	_ =	shalt  }
0x4b: {  	_ =	shalt  }
0x4c: {  	_ =	shalt  }
0x4d: {  	_ =	shalt  }
0x4e: {  	_ =	shalt  }
0x4f: {  	_ =	shalt  }
0x50: {  	_ =	shalt  }
0x51: {  	_ =	shalt  }
0x52: {  	_ =	shalt  }
0x53: {  	_ =	shalt  }
0x54: {  	_ =	shalt  }
0x55: {  	_ =	shalt  }
0x56: {  	_ =	shalt  }
0x57: {  	_ =	shalt  }
0x58: {  	_ =	shalt  }
0x59: {  	_ =	shalt  }
0x5a: {  	_ =	shalt  }
0x5b: {  	_ =	shalt  }
0x5c: {  	_ =	shalt  }
0x5d: {  	_ =	shalt  }
0x5e: {  	_ =	shalt  }
0x5f: {  	_ =	shalt  }
0x60: {  	_ =	shalt  }
0x61: {  	_ =	shalt  }
0x62: {  	_ =	shalt  }
0x63: {  	_ =	shalt  }
0x64: {  	_ =	shalt  }
0x65: {  	_ =	shalt  }
0x66: {  	_ =	shalt  }
0x67: {  	_ =	shalt  }
0x68: {  	_ =	shalt  }
0x69: {  	_ =	shalt  }
0x6a: {  	_ =	shalt  }
0x6b: {  	_ =	shalt  }
0x6c: {  	_ =	shalt  }
0x6d: {  	_ =	shalt  }
0x6e: {  	_ =	shalt  }
0x6f: {  	_ =	shalt  }
0x70: {  	_ =	shalt  }
0x71: {  	_ =	shalt  }
0x72: {  	_ =	shalt  }
0x73: {  	_ =	shalt  }
0x74: {  	_ =	shalt  }
0x75: {  	_ =	shalt  }
0x76: {  	_ =	shalt  }
0x77: {  	_ =	shalt  }
0x78: {  	_ =	shalt  }
0x79: {  	_ =	shalt  }
0x7a: {  	_ =	shalt  }
0x7b: {  	_ =	shalt  }
0x7c: {  	_ =	shalt  }
0x7d: {  	_ =	shalt  }
0x7e: {  	_ =	shalt  }
0x7f: {  	_ =	shalt  }
0x80: {  	_ =	shalt  }
0x81: {  	_ =	shalt  }
0x82: {  	_ =	shalt  }
0x83: {  	_ =	shalt  }
0x84: {  	_ =	shalt  }
0x85: {  	_ =	shalt  }
0x86: {  	_ =	shalt  }
0x87: {  	_ =	shalt  }
.Lfunc_end0:
.L_simem_size_0:
called_computation.2_lowered:
.L_overlay_start_0:
0x88: {  	s2 =	sld [smem:$0x3FD9]  }
0x89: {  	s3 =	sld [smem:$0x3FFE];
	_ =	sdelay $0x1  }
0x8a: {  	s1 =	srdreg.scid  }
0x8b: {  	s0 =	sand.u32 $0x1, s1  }
0x8c: {  	s17 =	sshll.u32 s0, $0xA;
	s2 =	sadd.s32 s3, s2  }
0x8d: {  	s2 =	sadd.s32 s2, s17  }
0x8e: {  	[smem:$0x3FC2] =	sst s2  }
0x8f: {  	_ = 	snop  }
0x90: {  	s18 =	sld [smem:$0x3FC8];
	(tm) =	ssettm $0x1  }
0x91: {  	s19 =	sld [smem:$0x3FFB];
	_ =	sdelay $0x3  }
0x92: {  	_ =	strace s19  }
0x93: {  	s2 =	sld [smem:$0x3FFC];
	_ =	sdelay $0x3  }
0x94: {  	_ =	strace s2  }
0x95: {  	s2 =	sld [smem:$0x3FFD];
	_ =	sdelay $0x3  }
0x96: {  	_ =	strace s2  }
0x97: {  	_ =	strace $0x8FFFFFFF  }
0x98: {  	s20 =	sld [smem:$0x3FDB];
	_ =	sdelay $0x1  }
0x99: {  	s4 =	simm.s32 $_scs_section_size  }
0x9a: {  	s5 =	simm.s32 $_size__tile_overlayer_lowered;
	s6 =	simm.s32 $_tile_overlayer_lowered  }
0x9b: {  	s7 =	simm.s32 $0x1BFF;
	s21 =	sshll.u32 s6, $0x1;
	s4 =	sadd.s32 s4, s20  }
0x9c: {  	s22 =	simm.s32 $0x0;
	s5 =	sshll.u32 s5, $0x1;
	s6 =	sadd.s32 s21, s4  }
0x9d: {  	[timem:s22], [sflag:s7] =	dma.local [hbm:s6], s5  }
0x9e: {  	_ =	swait.ge [sflag:s7], s5  }
0x9f: {  	s5 =	ssub.s32 $0x0, s5;
	[sflag:s7] =	ssyncset.done $0x0  }
0xa0: {  	[sflag:s7] =	ssyncadd.s32 s5;
	_ =	sdelay $0x1  }
0xa1: {  	s23 =	simm.s32 $0x1B8B  }
0xa2: {  	_ =	swait.ge [sflag:s23], $0x1  }
0xa3: {  	[sflag:s23] =	ssyncset.done $0x0  }
0xa4: {  	[sflag:s23] =	ssyncadd.s32 $0xFFFFFFFF  }
0xa5: {  	s5 =	sld [smem:$0x0]  }
0xa6: {  	s6 =	sand.u32 $0xFFFFFFFE, s1  }
0xa7: {  	p0 =	sne.s32 s1, s6  }
0xa8: {  	s6 =	sshll.u32 @p0 s6, $0xE  }
0xa9: {  	s6 =	sadd.s32 @p0 $0x11B8D, s6;
	s7 =	sshll.u32 @p0 s5, $0x11  }
0xaa: {  	s6 =	sor.u32 @p0 s7, s6  }
0xab: {  	[sflag:s6] =	ssyncadd.remote.s32 @p0 $0x1;
	_ =	sdelay $0x1  }
0xac: {  	s6 =	simm.s32 @p0 $0x1B8D  }
0xad: {  	_ =	swait.eq @p0 [sflag:s6], $0x1  }
0xae: {  	[sflag:s6] =	ssyncadd.s32 @p0 $0xFFFFFFFF  }
0xaf: {  	s7 =	sshll.u32 @!p0 s1, $0xE  }
0xb0: {  	s7 =	sor.u32 @!p0 $0x4000, s7;
	s6 =	simm.s32 @!p0 $0x1B8D  }
0xb1: {  	s5 =	sshll.u32 @!p0 s5, $0x11;
	s7 =	sadd.s32 @!p0 $0x11B8D, s7;
	_ =	swait.eq @!p0 [sflag:s6], $0x1  }
0xb2: {  	s5 =	sor.u32 @!p0 s5, s7;
	[sflag:s6] =	ssyncadd.s32 @!p0 $0xFFFFFFFF  }
0xb3: {  	s25 =	simm.s32 $0x1B8E;
	s24 =	sld [smem:$0x3FFE];
	[sflag:s5] =	ssyncadd.remote.s32 @!p0 $0x1  }
0xb4: {  	s26 =	simm.s32 $execute0_lowered;
	[smem:$0x3FD2] =	sst s25  }
0xb5: {  	s6 =	sshll.u32 s26, $0x1;
	_ =	strace $0x8000004C;
	[dreg:$0x1] =	wrdreg $0xFFFFFFFF  }
0xb6: {  	s28 =	simm.s32 $_size_execute0_lowered;
	s4 =	sadd.s32 s4, s6;
	[dreg:$0x0] =	wrdreg $0x0  }
0xb7: {  	s6 =	sshll.u32 s28, $0x1;
	[dreg:$0x2] =	wrdreg s4  }
0xb8: {  	[dreg:$0x3] =	wrdreg s6  }
0xb9: {  	[dreg:$0x4] =	wrdreg $0xC0  }
0xba: {  	_ =	task [dreg:s22], $0x5FFFF  }
0xbb: {  	[dreg:$0x1] =	wrdreg $0xFFFFFFFF  }
0xbc: {  	[dreg:$0x0] =	wrdreg $0x60  }
0xbd: {  	[dreg:$0x2] =	wrdreg s24  }
0xbe: {  	[dreg:$0x3] =	wrdreg s18  }
0xbf: {  	[dreg:$0x4] =	wrdreg $0xB  }
0xc0: {  	_ =	task.clear_ibuf [dreg:s22], $0x5FFFF;
	_ =	strace $0x9000004C  }
0xc1: {  	s29 =	simm.s32 $0xB;
	_ =	strace $0x8000004E  }
0xc2: {  	_ =	swait.ge [sflag:s29], $0x1  }
0xc3: {  	[sflag:s29] =	ssyncadd.s32 $0xFFFFFFFF  }
0xc4: {  	_ =	strace $0x9000004E  }
0xc5: {  	_ =	sfence  }
0xc6: {  	s30 =	sld [smem:$0x0];
	_ =	sdelay $0x2  }
0xc7: {  	s31 =	sshll.u32 s1, $0xD;
	s1 =	sshrl.u32 s1, $0x2  }
0xc8: {  	s4 =	sand.u32 $0x4000, s31;
	s1 =	sadd.s32 s1, s30  }
0xc9: {  	s0 =	sor.u32 s4, s0;
	s1 =	sshll.u32 s1, $0x11  }
0xca: {  	s0 =	sor.u32 s1, s0  }
0xcb: {  	s0 =	sadd.s32 $0x8F2B, s0  }
0xcc: {  	[sflag:s0] =	ssyncadd.remote.s32 $0x1  }
0xcd: {  	_ =	sfence.sel $0xFFFF  }
0xce: {  	[dreg:$0x0] =	wrdreg $0xFFFFFFFF;
	(pc) =	sbr.abs _section_cstart, $3  }
0xcf: {  	[dreg:$0x1] =	wrdreg $0xFFFFFFFF  }
0xd0: {  	_ =	task.clear_ibuf [dreg:s22], $0x2FFFF;
	_ =	strace $0x9FFFFFFF  }
0xd1: {  	(tm) =	ssettm $0x7FFFFFFF  }
tec
execute0_lowered:
.L_overlay_start_1:
0x0: {  	(tag) =	ssettag $0x1  }
0x1: {  	s0 =	srdreg.scid  }
0x2: {  	s5 =	stileid.u32;
	s4 =	rddreg [dreg:$0x0]  }
0x3: {  	s2 =	rddreg [dreg:$0x1];
	s3 =	simm.s32 $0x0;
	s14 =	simm.s32 $0x5  }
0x4: {  	s15 =	simm.s32 $0x1400;
	s16 =	simm.s32 $0x1C00;
	s17 =	simm.s32 $0x2400  }
0x5: {  	s18 =	simm.s32 $0x2C00;
	s19 =	simm.s32 $0x3400;
	s20 =	simm.s32 $0x3C00  }
0x6: {  	s21 =	simm.s32 $0x4400;
	s22 =	simm.s32 $0x4C00;
	s28 =	simm.s32 $0x1  }
0x7: {  	s29 =	simm.s32 $0x3;
	s30 =	simm.s32 $0x2;
	s31 =	simm.s32 $0x4  }
0x8: {  	s0 =	sand.u32 $0x1, s0;
	s1 =	sshll.u32 s5, $0x1;
	s5 =	smul.u32 $0x500, s5  }
0x9: {  	s1 =	sor.u32 s0, s1;
	s6 =	ssub.s32 $0x2, s0;
	s0 =	smul.u32 $0x280, s0  }
0xa: {  	[smem:$0x7FF] =	sst s3;
	s1 =	smul.u32 $0x280, s1;
	s8 =	sshrl.u32 s6, $0x1  }
0xb: {  	_ =	strace $0x8000004D;
	s8 =	ssub.s32 s6, s8;
	s0 =	sadd.s32 s0, s5  }
0xc: {  	s5 =	sadd.s32 $0x100, s2;
	s6 =	sadd.s32 $0x200, s2;
	s7 =	sadd.s32 s1, s4  }
0xd: {  	s4 =	sadd.s32 $0x3CE800, s4;
	s1 =	sshrl.u32 s1, $0x3;
	s24 =	sor.u32 $0x20, s0  }
0xe: {  	s0 =	sor.u32 $0x30, s0;
	s26 =	smax.u32 s8, $0x1;
	s23 =	sadd.s32 $0x3C9800, s7  }
0xf: {  	s1 =	smul.u32 $0x300, s1;
	s25 =	sshrl.u32 s24, $0x3;
	s0 =	sshrl.u32 s0, $0x3  }
0x10: {  	[dreg:$0x4] =	wrdreg s26;
	s24 =	simm.s32 $0x5C00;
	s12 =	smul.u32 $0x300, s25  }
0x11: {  	s26 =	simm.s32 $0x6C00;
	[dreg:$0x3] =	wrdreg s23;
	s0 =	smul.u32 $0x300, s0  }
0x12: {  	v2 =	vlaneseq.u32;
	s23 =	simm.s32 $0x5400;
	s25 =	simm.s32 $0x6400;
	s7 =	sadd.s32 s4, s1  }
0x13: {  	vm0 =	vmmov $0xffff;
	v1 =	vshrl.u32 v2, $0x3;
	s1 =	simm.s32 $0x0;
	s9 =	sadd.s32 $0x600, s7;
	s10 =	sadd.s32 $0xE400, s7  }
0x14: {  	v0 =	vand.u32 $0x7, v2;
	v2 =	vor.u32 $0x8, v2;
	v1 =	vmul.u32 $0x8, v1;
	s11 =	sadd.s32 $0xEA00, s7;
	s12 =	sadd.s32 s12, s4;
	s13 =	sadd.s32 s0, s4  }
.LBB2_1:
0x15: {  	s0 =	rddreg [dreg:$0x3]  }
0x16: {  	[tilespmem:s3], [sflag:$0x5] =	stream.linear.gather [hbm4b:s0+s3], $0x1400, $0x38;
	[tilespmem:$0x7400] =	vst v63  }
0x17: {  	_ =	swait.ge [sflag:s14], $0x1400  }
0x18: {  	[sflag:s14] =	ssyncset.done $0x0  }
0x19: {  	[sflag:s14] =	ssyncadd.s32 $0xFFFFEC00  }
0x1a: {  	v3 =	vld [tilespmem:$0x0];
	_ =	sdelay $0x4  }
0x1b: {  	v4 =	vshrl.u32 v3, $0x3  }
0x1c: {  	v4 =	vmul.u32 $0x30, v4  }
0x1d: {  	v3 =	vand.u32 $0x7, v3  }
0x1e: {  	v3 =	vor.u32 v3, v4  }
0x1f: {  	v4 =	vperm.xlane v3, v0;
	_ =	sdelay $0x1  }
0x20: {  	v4 =	vadd.s32 v1, v4;
	_ =	sdelay $0x3  }
0x21: {  	v3 =	vperm.xlane v3, v2  }
0x22: {  	[tilespmem:s15], [sflag:$0x1] =	stream.indirect_vreg.gather [hbm4b:s2+s3], $0x80, v4, vm0, $0xb8;
	[tilespmem:$0x7400] =	vst v63  }
0x23: {  	v3 =	vadd.s32 v1, v3  }
0x24: {  	[tilespmem:s16], [sflag:$0x1] =	stream.indirect_vreg.gather [hbm4b:s5+s3], $0x80, v4, vm0, $0xb8;
	[tilespmem:$0x7400] =	vst v63  }
0x25: {  	_ = 	snop  }
0x26: {  	[tilespmem:s17], [sflag:$0x1] =	stream.indirect_vreg.gather [hbm4b:s6+s3], $0x80, v4, vm0, $0xb8;
	[tilespmem:$0x7400] =	vst v63  }
0x27: {  	_ = 	snop  }
0x28: {  	[tilespmem:s18], [sflag:$0x1] =	stream.indirect_vreg.gather [hbm4b:s2+s3], $0x80, v3, vm0, $0xb8;
	[tilespmem:$0x7400] =	vst v63  }
0x29: {  	_ = 	snop  }
0x2a: {  	[tilespmem:s19], [sflag:$0x1] =	stream.indirect_vreg.gather [hbm4b:s5+s3], $0x80, v3, vm0, $0xb8;
	[tilespmem:$0x7400] =	vst v63  }
0x2b: {  	_ = 	snop  }
0x2c: {  	[tilespmem:s20], [sflag:$0x1] =	stream.indirect_vreg.gather [hbm4b:s6+s3], $0x80, v3, vm0, $0xb8;
	[tilespmem:$0x7400] =	vst v63  }
0x2d: {  	v3 =	vld [tilespmem:$0x80];
	_ =	sdelay $0x4  }
0x2e: {  	v62 =	vshrl.u32 v3, $0x3  }
0x2f: {  	v4 =	vmul.u32 $0x30, v62  }
0x30: {  	v3 =	vand.u32 $0x7, v3  }
0x31: {  	v3 =	vor.u32 v3, v4  }
0x32: {  	v4 =	vperm.xlane v3, v0;
	_ =	sdelay $0x1  }
0x33: {  	v4 =	vadd.s32 v1, v4;
	_ =	sdelay $0x3  }
0x34: {  	v3 =	vperm.xlane v3, v2  }
0x35: {  	[tilespmem:s21], [sflag:$0x2] =	stream.indirect_vreg.gather [hbm4b:s2+s3], $0x80, v4, vm0, $0xb8;
	[tilespmem:$0x7400] =	vst v63  }
0x36: {  	v3 =	vadd.s32 v1, v3  }
0x37: {  	[tilespmem:s22], [sflag:$0x2] =	stream.indirect_vreg.gather [hbm4b:s5+s3], $0x80, v4, vm0, $0xb8;
	[tilespmem:$0x7400] =	vst v63  }
0x38: {  	_ = 	snop  }
0x39: {  	[tilespmem:s23], [sflag:$0x2] =	stream.indirect_vreg.gather [hbm4b:s6+s3], $0x80, v4, vm0, $0xb8;
	[tilespmem:$0x7400] =	vst v63  }
0x3a: {  	_ = 	snop  }
0x3b: {  	[tilespmem:s24], [sflag:$0x2] =	stream.indirect_vreg.gather [hbm4b:s2+s3], $0x80, v3, vm0, $0xb8;
	[tilespmem:$0x7400] =	vst v63  }
0x3c: {  	_ = 	snop  }
0x3d: {  	[tilespmem:s25], [sflag:$0x2] =	stream.indirect_vreg.gather [hbm4b:s5+s3], $0x80, v3, vm0, $0xb8;
	[tilespmem:$0x7400] =	vst v63  }
0x3e: {  	_ = 	snop  }
0x3f: {  	[tilespmem:s26], [sflag:$0x2] =	stream.indirect_vreg.gather [hbm4b:s6+s3], $0x80, v3, vm0, $0xb8;
	[tilespmem:$0x7400] =	vst v63  }
0x40: {  	_ =	swait.ge [sflag:s28], $0x3000  }
0x41: {  	[sflag:s28] =	ssyncset.done $0x0  }
0x42: {  	[sflag:s28] =	ssyncadd.s32 $0xFFFFD000  }
0x43: {  	[hbm4b:s7+s3] =	stream.linear.scatter [tilespmem:s15], [sflag:$0x3], $0x3000, $0x38;
	[tilespmem:$0x7400] =	vst v63  }
0x44: {  	_ =	swait.ge [sflag:s29], $0x3000  }
0x45: {  	[sflag:s29] =	ssyncset.done $0x0  }
0x46: {  	[sflag:s29] =	ssyncadd.s32 $0xFFFFD000  }
0x47: {  	v3 =	vld [tilespmem:$0x100];
	_ =	sdelay $0x4  }
0x48: {  	v63 =	vshrl.u32 v3, $0x3  }
0x49: {  	v4 =	vmul.u32 $0x30, v63  }
0x4a: {  	v3 =	vand.u32 $0x7, v3  }
0x4b: {  	v3 =	vor.u32 v3, v4  }
0x4c: {  	v4 =	vperm.xlane v3, v0;
	_ =	sdelay $0x1  }
0x4d: {  	v4 =	vadd.s32 v1, v4;
	_ =	sdelay $0x3  }
0x4e: {  	v3 =	vperm.xlane v3, v2  }
0x4f: {  	[tilespmem:s15], [sflag:$0x1] =	stream.indirect_vreg.gather [hbm4b:s2+s3], $0x80, v4, vm0, $0xb8;
	[tilespmem:$0x7400] =	vst v63  }
0x50: {  	v3 =	vadd.s32 v1, v3  }
0x51: {  	[tilespmem:s16], [sflag:$0x1] =	stream.indirect_vreg.gather [hbm4b:s5+s3], $0x80, v4, vm0, $0xb8;
	[tilespmem:$0x7400] =	vst v63  }
0x52: {  	_ = 	snop  }
0x53: {  	[tilespmem:s17], [sflag:$0x1] =	stream.indirect_vreg.gather [hbm4b:s6+s3], $0x80, v4, vm0, $0xb8;
	[tilespmem:$0x7400] =	vst v63  }
0x54: {  	_ = 	snop  }
0x55: {  	[tilespmem:s18], [sflag:$0x1] =	stream.indirect_vreg.gather [hbm4b:s2+s3], $0x80, v3, vm0, $0xb8;
	[tilespmem:$0x7400] =	vst v63  }
0x56: {  	_ = 	snop  }
0x57: {  	[tilespmem:s19], [sflag:$0x1] =	stream.indirect_vreg.gather [hbm4b:s5+s3], $0x80, v3, vm0, $0xb8;
	[tilespmem:$0x7400] =	vst v63  }
0x58: {  	_ = 	snop  }
0x59: {  	[tilespmem:s20], [sflag:$0x1] =	stream.indirect_vreg.gather [hbm4b:s6+s3], $0x80, v3, vm0, $0xb8;
	[tilespmem:$0x7400] =	vst v63  }
0x5a: {  	_ =	swait.ge [sflag:s30], $0x3000  }
0x5b: {  	[sflag:s30] =	ssyncset.done $0x0  }
0x5c: {  	s4 =	simm.s32 $0x0;
	s0 =	simm.s32 $0x200;
	[sflag:s30] =	ssyncadd.s32 $0xFFFFD000  }
0x5d: {  	[hbm4b:s9+s3] =	stream.linear.scatter [tilespmem:s21], [sflag:$0x4], $0x3000, $0x38;
	[tilespmem:$0x7400] =	vst v63  }
.LBB2_2:
0x5e: {  	_ =	swait.ge [sflag:s31], $0x3000  }
0x5f: {  	[sflag:s31] =	ssyncset.done $0x0  }
0x60: {  	[sflag:s31] =	ssyncadd.s32 $0xFFFFD000  }
0x61: {  	v3 =	vld [tilespmem:s0+$0xFFFFFF80];
	_ =	sdelay $0x4  }
0x62: {  	v4 =	vshrl.u32 v3, $0x3  }
0x63: {  	v4 =	vmul.u32 $0x30, v4  }
0x64: {  	v3 =	vand.u32 $0x7, v3  }
0x65: {  	v3 =	vor.u32 v3, v4  }
0x66: {  	v4 =	vperm.xlane v3, v0;
	_ =	sdelay $0x1  }
0x67: {  	v4 =	vadd.s32 v1, v4;
	_ =	sdelay $0x3  }
0x68: {  	v3 =	vperm.xlane v3, v2  }
0x69: {  	[tilespmem:s21], [sflag:$0x2] =	stream.indirect_vreg.gather [hbm4b:s2+s3], $0x80, v4, vm0, $0xb8;
	[tilespmem:$0x7400] =	vst v63  }
0x6a: {  	v3 =	vadd.s32 v1, v3  }
0x6b: {  	[tilespmem:s22], [sflag:$0x2] =	stream.indirect_vreg.gather [hbm4b:s5+s3], $0x80, v4, vm0, $0xb8;
	[tilespmem:$0x7400] =	vst v63  }
0x6c: {  	_ = 	snop  }
0x6d: {  	[tilespmem:s23], [sflag:$0x2] =	stream.indirect_vreg.gather [hbm4b:s6+s3], $0x80, v4, vm0, $0xb8;
	[tilespmem:$0x7400] =	vst v63  }
0x6e: {  	_ = 	snop  }
0x6f: {  	[tilespmem:s24], [sflag:$0x2] =	stream.indirect_vreg.gather [hbm4b:s2+s3], $0x80, v3, vm0, $0xb8;
	[tilespmem:$0x7400] =	vst v63  }
0x70: {  	_ = 	snop  }
0x71: {  	[tilespmem:s25], [sflag:$0x2] =	stream.indirect_vreg.gather [hbm4b:s5+s3], $0x80, v3, vm0, $0xb8;
	[tilespmem:$0x7400] =	vst v63  }
0x72: {  	_ = 	snop  }
0x73: {  	[tilespmem:s26], [sflag:$0x2] =	stream.indirect_vreg.gather [hbm4b:s6+s3], $0x80, v3, vm0, $0xb8;
	[tilespmem:$0x7400] =	vst v63  }
0x74: {  	_ =	swait.ge [sflag:s28], $0x3000  }
0x75: {  	[sflag:s28] =	ssyncset.done $0x0  }
0x76: {  	s8 =	sadd.s32 s4, s12;
	[sflag:s28] =	ssyncadd.s32 $0xFFFFD000  }
0x77: {  	[hbm4b:s8+s3] =	stream.linear.scatter [tilespmem:s15], [sflag:$0x3], $0x3000, $0x38;
	[tilespmem:$0x7400] =	vst v63  }
0x78: {  	_ =	swait.ge [sflag:s29], $0x3000  }
0x79: {  	[sflag:s29] =	ssyncset.done $0x0  }
0x7a: {  	[sflag:s29] =	ssyncadd.s32 $0xFFFFD000  }
0x7b: {  	v3 =	vld [tilespmem:s0+$0x0];
	_ =	sdelay $0x4  }
0x7c: {  	v63 =	vshrl.u32 v3, $0x3  }
0x7d: {  	v4 =	vmul.u32 $0x30, v63  }
0x7e: {  	v3 =	vand.u32 $0x7, v3  }
0x7f: {  	v3 =	vor.u32 v3, v4  }
0x80: {  	v4 =	vperm.xlane v3, v0;
	_ =	sdelay $0x1  }
0x81: {  	v4 =	vadd.s32 v1, v4;
	_ =	sdelay $0x3  }
0x82: {  	v3 =	vperm.xlane v3, v2  }
0x83: {  	[tilespmem:s15], [sflag:$0x1] =	stream.indirect_vreg.gather [hbm4b:s2+s3], $0x80, v4, vm0, $0xb8;
	[tilespmem:$0x7400] =	vst v63  }
0x84: {  	v3 =	vadd.s32 v1, v3  }
0x85: {  	[tilespmem:s16], [sflag:$0x1] =	stream.indirect_vreg.gather [hbm4b:s5+s3], $0x80, v4, vm0, $0xb8;
	[tilespmem:$0x7400] =	vst v63  }
0x86: {  	_ = 	snop  }
0x87: {  	[tilespmem:s17], [sflag:$0x1] =	stream.indirect_vreg.gather [hbm4b:s6+s3], $0x80, v4, vm0, $0xb8;
	[tilespmem:$0x7400] =	vst v63  }
0x88: {  	_ = 	snop  }
0x89: {  	[tilespmem:s18], [sflag:$0x1] =	stream.indirect_vreg.gather [hbm4b:s2+s3], $0x80, v3, vm0, $0xb8;
	[tilespmem:$0x7400] =	vst v63  }
0x8a: {  	_ = 	snop  }
0x8b: {  	[tilespmem:s19], [sflag:$0x1] =	stream.indirect_vreg.gather [hbm4b:s5+s3], $0x80, v3, vm0, $0xb8;
	[tilespmem:$0x7400] =	vst v63  }
0x8c: {  	p0 =	sne.s32 s4, $0xCC00  }
0x8d: {  	[tilespmem:s20], [sflag:$0x1] =	stream.indirect_vreg.gather [hbm4b:s6+s3], $0x80, v3, vm0, $0xb8;
	[tilespmem:$0x7400] =	vst v63  }
.Ltmp0:
0x8e: {  	_ = 	snop;
	(pc) =	sbr.rel @p0 .LBB2_2-.Ltmp0, $4  }
0x8f: {  	_ =	swait.ge [sflag:s30], $0x3000  }
0x90: {  	s8 =	sadd.s32 s4, s13;
	[sflag:s30] =	ssyncset.done $0x0  }
0x91: {  	s4 =	sadd.s32 $0xC00, s4;
	s0 =	sadd.s32 $0x100, s0;
	[sflag:s30] =	ssyncadd.s32 $0xFFFFD000  }
0x92: {  	[hbm4b:s8+s3] =	stream.linear.scatter [tilespmem:s21], [sflag:$0x4], $0x3000, $0x38;
	[tilespmem:$0x7400] =	vst v63  }
0x93: {  	_ =	swait.ge [sflag:s31], $0x3000  }
0x94: {  	[sflag:s31] =	ssyncset.done $0x0  }
0x95: {  	[sflag:s31] =	ssyncadd.s32 $0xFFFFD000  }
0x96: {  	v3 =	vld [tilespmem:$0x1380];
	_ =	sdelay $0x4  }
0x97: {  	v4 =	vshrl.u32 v3, $0x3  }
0x98: {  	v4 =	vmul.u32 $0x30, v4  }
0x99: {  	v3 =	vand.u32 $0x7, v3  }
0x9a: {  	v3 =	vor.u32 v3, v4  }
0x9b: {  	v4 =	vperm.xlane v3, v0;
	_ =	sdelay $0x1  }
0x9c: {  	v4 =	vadd.s32 v1, v4;
	_ =	sdelay $0x3  }
0x9d: {  	v3 =	vperm.xlane v3, v2  }
0x9e: {  	[tilespmem:s21], [sflag:$0x2] =	stream.indirect_vreg.gather [hbm4b:s2+s3], $0x80, v4, vm0, $0xb8;
	[tilespmem:$0x7400] =	vst v63  }
0x9f: {  	v3 =	vadd.s32 v1, v3  }
0xa0: {  	[tilespmem:s22], [sflag:$0x2] =	stream.indirect_vreg.gather [hbm4b:s5+s3], $0x80, v4, vm0, $0xb8;
	[tilespmem:$0x7400] =	vst v63  }
0xa1: {  	_ = 	snop  }
0xa2: {  	[tilespmem:s23], [sflag:$0x2] =	stream.indirect_vreg.gather [hbm4b:s6+s3], $0x80, v4, vm0, $0xb8;
	[tilespmem:$0x7400] =	vst v63  }
0xa3: {  	_ = 	snop  }
0xa4: {  	[tilespmem:s24], [sflag:$0x2] =	stream.indirect_vreg.gather [hbm4b:s2+s3], $0x80, v3, vm0, $0xb8;
	[tilespmem:$0x7400] =	vst v63  }
0xa5: {  	_ = 	snop  }
0xa6: {  	[tilespmem:s25], [sflag:$0x2] =	stream.indirect_vreg.gather [hbm4b:s5+s3], $0x80, v3, vm0, $0xb8;
	[tilespmem:$0x7400] =	vst v63  }
0xa7: {  	_ = 	snop  }
0xa8: {  	[tilespmem:s26], [sflag:$0x2] =	stream.indirect_vreg.gather [hbm4b:s6+s3], $0x80, v3, vm0, $0xb8;
	[tilespmem:$0x7400] =	vst v63  }
0xa9: {  	_ =	swait.ge [sflag:s28], $0x3000  }
0xaa: {  	[sflag:s28] =	ssyncset.done $0x0  }
0xab: {  	[sflag:s28] =	ssyncadd.s32 $0xFFFFD000  }
0xac: {  	[hbm4b:s10+s3] =	stream.linear.scatter [tilespmem:s15], [sflag:$0x3], $0x3000, $0x38;
	[tilespmem:$0x7400] =	vst v63  }
0xad: {  	_ =	swait.ge [sflag:s30], $0x3000  }
0xae: {  	[sflag:s30] =	ssyncset.done $0x0  }
0xaf: {  	[sflag:s30] =	ssyncadd.s32 $0xFFFFD000  }
0xb0: {  	[hbm4b:s11+s3] =	stream.linear.scatter [tilespmem:s21], [sflag:$0x4], $0x3000, $0x38;
	[tilespmem:$0x7400] =	vst v63  }
0xb1: {  	_ =	swait.ge [sflag:s29], $0x3000  }
0xb2: {  	[sflag:s29] =	ssyncset.done $0x0  }
0xb3: {  	[sflag:s29] =	ssyncadd.s32 $0xFFFFD000  }
0xb4: {  	_ =	swait.ge [sflag:s31], $0x3000  }
0xb5: {  	s1 =	sadd.s32 $0x1, s1;
	s0 =	rddreg [dreg:$0x4]  }
0xb6: {  	p0 =	sne.s32 s1, s0  }
.Ltmp1:
0xb7: {  	_ = 	snop;
	(pc) =	sbr.rel @p0 .LBB2_1-.Ltmp1, $3  }
0xb8: {  	_ =	sdelay $0x1  }
0xb9: {  	[sflag:s31] =	ssyncset.done $0x0  }
0xba: {  	[sflag:s31] =	ssyncadd.s32 $0xFFFFD000  }
0xbb: {  	_ =	sfence.sel $0x180000  }
0xbc: {  	[bflag:$0x0] =	sbarrier.arrive $0xFFFF  }
0xbd: {  	_ =	strace $0x9000004D  }
0xbe: {  	s0 =	stileid.u32;
	[bflag:$0x2] =	sbarrier.arrive $0xFFFF  }
0xbf: {  	p0 =	sne.s32 s0, $0x0;
	s0 =	rddreg [dreg:$0x2]  }
0xc0: {  	s0 =	sadd.s32 @!p0 $0x100000, s0  }
0xc1: {  	[sflag:s0] =	ssyncadd.tile.s32 @!p0 $0x1;
	_ =	shalt  }
.Lfunc_end2:
_tile_overlayer_lowered:
.L_overlay_start_2:
0xc2: {  	(tag) =	ssettag $0x2  }
0xc3: {  	s0 =	rddreg [dreg:$0x0];
	s2 =	stileid.u32  }
0xc4: {  	s1 =	rddreg [dreg:$0x1];
	p0 =	sne.s32 s2, $0x0  }
0xc5: {  	s3 =	rddreg [dreg:$0x2];
	[bflag:$0x3] =	sbarrier.arrive $0xFFFF;
	s2 =	simm.s32 @!p0 $0x1C05  }
0xc6: {  	[timem:s3], [sflag:s2] =	dma.local @!p0 [hbm:s0], s1  }
0xc7: {  	s0 =	simm.s32 @!p0 $0x5  }
0xc8: {  	_ =	swait.ge @!p0 [sflag:s0], s1  }
0xc9: {  	s1 =	ssub.s32 @!p0 $0x0, s1;
	[sflag:s0] =	ssyncset.done @!p0 $0x0  }
0xca: {  	[sflag:s0] =	ssyncadd.s32 @!p0 s1  }
0xcb: {  	[bflag:$0x3] =	sbarrier.arrive $0xFFFF  }
0xcc: {  	_ =	shalt  }

// kernel: _run.21.cloned.1.call-start
scs
__scs_entry_jumppad:
0x0: {  	(pc) =	sbr.rel $0x88, $3  }
0x1: {  	(tag) =	ssettag $0x0;
	lr =	simm.s32 $0x1  }
0x2: {  	[smem:$0x3F9B] =	sst lr;
	_ =	strace $0xD0000000  }
0x3: {  	_ = 	snop  }
0x4: {  	_ = 	snop  }
0x5: {  	_ = 	snop  }
0x6: {  	_ = 	snop  }
0x7: {  	_ = 	snop  }
__scs_overlays_trampoline_lowered:
0x8: {  	[smem:$0x3FAA] =	sst s0  }
0x9: {  	[smem:$0x3FAB] =	sst s1  }
0xa: {  	[smem:$0x3FAC] =	sst s2  }
0xb: {  	[smem:$0x3FAD] =	sst s3  }
0xc: {  	[smem:$0x3FAE] =	sst s4  }
0xd: {  	[smem:$0x3FAF] =	sst s5  }
0xe: {  	[smem:$0x3FB0] =	sst s6  }
0xf: {  	[smem:$0x3FB1] =	sst s7  }
0x10: {  	[smem:$0x3FB2] =	sst s8  }
0x11: {  	[smem:$0x3FB3] =	sst s9;
	s0 =	simm.s32 @!p0 $0x0  }
0x12: {  	s1 =	sld [smem:$0x3F99];
	s0 =	simm.s32 @p0 $0x1  }
0x13: {  	[smem:$0x3FB4] =	sst s0;
	s0 =	simm.s32 @!p1 $0x0  }
0x14: {  	s2 =	sld [smem:$0x3F98];
	s0 =	simm.s32 @p1 $0x1  }
0x15: {  	[smem:$0x3FB5] =	sst s0;
	s0 =	simm.s32 @!p2 $0x0  }
0x16: {  	s3 =	sld [smem:$0x3FDB];
	s0 =	simm.s32 @p2 $0x1  }
0x17: {  	s4 =	simm.s32 $0x1BF5;
	[smem:$0x3FB7] =	sst s0  }
0x18: {  	s0 =	sld [smem:$0x3F9A];
	_ =	swait.ge [sflag:s4], $0x0  }
0x19: {  	s7 =	sld [smem:$0x3F9B]  }
0x1a: {  	s8 =	sadd.s32 $0xFFFFE003, lr  }
0x1b: {  	s9 =	sadd.s32 $0xFFFFFEF7, lr;
	s5 =	simm.s32 $0xFFFFFFFF;
	p2 =	slt.u32 s8, $0xFFFFF086  }
0x1c: {  	p1 =	slt.u32 s9, $0xF7A;
	s5 =	simm.s32 @!p2 $0x0  }
0x1d: {  	s5 =	simm.s32 @p1 $0x1;
	p0 =	seq.s32 s7, s2  }
0x1e: {  	s7 =	smul.u32 @!p0 $0xF7A, s2;
	p2 =	seq.s32 @!p0 s5, $0x0  }
0x1f: {  	s9 =	smul.u32 $0xF7A, s1;
	s8 =	simm.s32 @!p0 $0x1BF5;
	p2 =	por !p2, p0  }
0x20: {  	[sflag:s8] =	ssyncset.s32 @!p0 $0xFFFFF086;
	s6 =	sadd.s32 @!p0 s3, s7;
	s7 =	simm.s32 @!p0 $0x108  }
0x21: {  	s3 =	sadd.s32 s3, s9;
	s6 =	sadd.s32 @!p0 $0x88, s6;
	s7 =	simm.s32 @p2 $0x1082  }
0x22: {  	[simem:s7], [sflag:s8] =	dma.local @!p0 [hbm:s6], $0xF7A  }
0x23: {  	s9 =	sor.u32 $0xD0000000, s2;
	s6 =	simm.s32 $0x108;
	_ =	swait.ge @!p0 [sflag:s8], $0x0  }
0x24: {  	s3 =	sadd.s32 $0x88, s3;
	s6 =	simm.s32 @!p1 $0x1082;
	[sflag:s4] =	ssyncset.s32 $0xFFFFF086  }
0x25: {  	[simem:s6], [sflag:s4] =	dma.local [hbm:s3], $0xF7A  }
0x26: {  	[smem:$0x3F9B] =	sst s1;
	(tag) =	ssettag s2;
	_ =	strace s9  }
0x27: {  	s1 =	sld [smem:$0x3FAB]  }
0x28: {  	s2 =	sld [smem:$0x3FAC]  }
0x29: {  	s4 =	sld [smem:$0x3FAE]  }
0x2a: {  	p0 =	seq.s32 s5, $0x0;
	s5 =	sld [smem:$0x3FAF]  }
0x2b: {  	s6 =	sld [smem:$0x3FB0]  }
0x2c: {  	s7 =	sld [smem:$0x3FB1]  }
0x2d: {  	s3 =	simm.s32 $0x108;
	s8 =	sld [smem:$0x3FB2]  }
0x2e: {  	s3 =	simm.s32 @!p0 $0x1082;
	s9 =	sld [smem:$0x3FB3]  }
0x2f: {  	lr =	sadd.s32 s0, s3;
	s0 =	sld [smem:$0x3FAA]  }
0x30: {  	s3 =	sld [smem:$0x3FAD]  }
0x31: {  	[smem:$0x3FB6] =	sst s10  }
0x32: {  	s10 =	sld [smem:$0x3FB4];
	_ =	sdelay $0x3  }
0x33: {  	p0 =	seq.s32 s10, $0x1;
	s10 =	sld [smem:$0x3FB6];
	_ =	sdelay $0x3  }
0x34: {  	[smem:$0x3FB6] =	sst s10  }
0x35: {  	s10 =	sld [smem:$0x3FB5];
	_ =	sdelay $0x3  }
0x36: {  	p1 =	seq.s32 s10, $0x1;
	s10 =	sld [smem:$0x3FB6];
	_ =	sdelay $0x3  }
0x37: {  	[smem:$0x3FB6] =	sst s10  }
0x38: {  	s10 =	sld [smem:$0x3FB7]  }
0x39: {  	_ = 	snop;
	(pc) =	sbr.ind lr, $3  }
0x3a: {  	_ = 	snop  }
0x3b: {  	_ = 	snop  }
0x3c: {  	p2 =	seq.s32 s10, $0x1;
	s10 =	sld [smem:$0x3FB6]  }
0x3d: {  	_ =	shalt  }
0x3e: {  	_ =	shalt  }
0x3f: {  	_ =	shalt  }
0x40: {  	_ =	shalt  }
0x41: {  	_ =	shalt  }
0x42: {  	_ =	shalt  }
0x43: {  	_ =	shalt  }
0x44: {  	_ =	shalt  }
0x45: {  	_ =	shalt  }
0x46: {  	_ =	shalt  }
0x47: {  	_ =	shalt  }
0x48: {  	_ =	shalt  }
0x49: {  	_ =	shalt  }
0x4a: {  	_ =	shalt  }
0x4b: {  	_ =	shalt  }
0x4c: {  	_ =	shalt  }
0x4d: {  	_ =	shalt  }
0x4e: {  	_ =	shalt  }
0x4f: {  	_ =	shalt  }
0x50: {  	_ =	shalt  }
0x51: {  	_ =	shalt  }
0x52: {  	_ =	shalt  }
0x53: {  	_ =	shalt  }
0x54: {  	_ =	shalt  }
0x55: {  	_ =	shalt  }
0x56: {  	_ =	shalt  }
0x57: {  	_ =	shalt  }
0x58: {  	_ =	shalt  }
0x59: {  	_ =	shalt  }
0x5a: {  	_ =	shalt  }
0x5b: {  	_ =	shalt  }
0x5c: {  	_ =	shalt  }
0x5d: {  	_ =	shalt  }
0x5e: {  	_ =	shalt  }
0x5f: {  	_ =	shalt  }
0x60: {  	_ =	shalt  }
0x61: {  	_ =	shalt  }
0x62: {  	_ =	shalt  }
0x63: {  	_ =	shalt  }
0x64: {  	_ =	shalt  }
0x65: {  	_ =	shalt  }
0x66: {  	_ =	shalt  }
0x67: {  	_ =	shalt  }
0x68: {  	_ =	shalt  }
0x69: {  	_ =	shalt  }
0x6a: {  	_ =	shalt  }
0x6b: {  	_ =	shalt  }
0x6c: {  	_ =	shalt  }
0x6d: {  	_ =	shalt  }
0x6e: {  	_ =	shalt  }
0x6f: {  	_ =	shalt  }
0x70: {  	_ =	shalt  }
0x71: {  	_ =	shalt  }
0x72: {  	_ =	shalt  }
0x73: {  	_ =	shalt  }
0x74: {  	_ =	shalt  }
0x75: {  	_ =	shalt  }
0x76: {  	_ =	shalt  }
0x77: {  	_ =	shalt  }
0x78: {  	_ =	shalt  }
0x79: {  	_ =	shalt  }
0x7a: {  	_ =	shalt  }
0x7b: {  	_ =	shalt  }
0x7c: {  	_ =	shalt  }
0x7d: {  	_ =	shalt  }
0x7e: {  	_ =	shalt  }
0x7f: {  	_ =	shalt  }
0x80: {  	_ =	shalt  }
0x81: {  	_ =	shalt  }
0x82: {  	_ =	shalt  }
0x83: {  	_ =	shalt  }
0x84: {  	_ =	shalt  }
0x85: {  	_ =	shalt  }
0x86: {  	_ =	shalt  }
0x87: {  	_ =	shalt  }
.Lfunc_end0:
.L_simem_size_0:
called_computation.3_lowered:
.L_overlay_start_0:
0x88: {  	s2 =	sld [smem:$0x3FD9]  }
0x89: {  	s3 =	sld [smem:$0x3FFE];
	_ =	sdelay $0x1  }
0x8a: {  	s1 =	srdreg.scid  }
0x8b: {  	s0 =	sand.u32 $0x1, s1  }
0x8c: {  	s17 =	sshll.u32 s0, $0xA;
	s2 =	sadd.s32 s3, s2  }
0x8d: {  	s2 =	sadd.s32 s2, s17  }
0x8e: {  	[smem:$0x3FC2] =	sst s2  }
0x8f: {  	_ = 	snop  }
0x90: {  	s18 =	sld [smem:$0x3FC8];
	(tm) =	ssettm $0x1  }
0x91: {  	s19 =	sld [smem:$0x3FFB];
	_ =	sdelay $0x3  }
0x92: {  	_ =	strace s19  }
0x93: {  	s2 =	sld [smem:$0x3FFC];
	_ =	sdelay $0x3  }
0x94: {  	_ =	strace s2  }
0x95: {  	s2 =	sld [smem:$0x3FFD];
	_ =	sdelay $0x3  }
0x96: {  	_ =	strace s2  }
0x97: {  	_ =	strace $0x8FFFFFFF  }
0x98: {  	s20 =	sld [smem:$0x3FDB];
	_ =	sdelay $0x1  }
0x99: {  	s4 =	simm.s32 $_scs_section_size  }
0x9a: {  	s5 =	simm.s32 $_size__tile_overlayer_lowered;
	s6 =	simm.s32 $_tile_overlayer_lowered  }
0x9b: {  	s7 =	simm.s32 $0x1BFF;
	s21 =	sshll.u32 s6, $0x1;
	s4 =	sadd.s32 s4, s20  }
0x9c: {  	s22 =	simm.s32 $0x0;
	s5 =	sshll.u32 s5, $0x1;
	s6 =	sadd.s32 s21, s4  }
0x9d: {  	[timem:s22], [sflag:s7] =	dma.local [hbm:s6], s5  }
0x9e: {  	_ =	swait.ge [sflag:s7], s5  }
0x9f: {  	s5 =	ssub.s32 $0x0, s5;
	[sflag:s7] =	ssyncset.done $0x0  }
0xa0: {  	[sflag:s7] =	ssyncadd.s32 s5;
	_ =	sdelay $0x1  }
0xa1: {  	s23 =	simm.s32 $0x1B8B  }
0xa2: {  	_ =	swait.ge [sflag:s23], $0x1  }
0xa3: {  	[sflag:s23] =	ssyncset.done $0x0  }
0xa4: {  	[sflag:s23] =	ssyncadd.s32 $0xFFFFFFFF  }
0xa5: {  	s5 =	sld [smem:$0x0]  }
0xa6: {  	s6 =	sand.u32 $0xFFFFFFFE, s1  }
0xa7: {  	p0 =	sne.s32 s1, s6  }
0xa8: {  	s6 =	sshll.u32 @p0 s6, $0xE  }
0xa9: {  	s6 =	sadd.s32 @p0 $0x11B8D, s6;
	s7 =	sshll.u32 @p0 s5, $0x11  }
0xaa: {  	s6 =	sor.u32 @p0 s7, s6  }
0xab: {  	[sflag:s6] =	ssyncadd.remote.s32 @p0 $0x1;
	_ =	sdelay $0x1  }
0xac: {  	s6 =	simm.s32 @p0 $0x1B8D  }
0xad: {  	_ =	swait.eq @p0 [sflag:s6], $0x1  }
0xae: {  	[sflag:s6] =	ssyncadd.s32 @p0 $0xFFFFFFFF  }
0xaf: {  	s7 =	sshll.u32 @!p0 s1, $0xE  }
0xb0: {  	s7 =	sor.u32 @!p0 $0x4000, s7;
	s6 =	simm.s32 @!p0 $0x1B8D  }
0xb1: {  	s5 =	sshll.u32 @!p0 s5, $0x11;
	s7 =	sadd.s32 @!p0 $0x11B8D, s7;
	_ =	swait.eq @!p0 [sflag:s6], $0x1  }
0xb2: {  	s5 =	sor.u32 @!p0 s5, s7;
	[sflag:s6] =	ssyncadd.s32 @!p0 $0xFFFFFFFF  }
0xb3: {  	s25 =	simm.s32 $0x1B8E;
	s24 =	sld [smem:$0x3FFE];
	[sflag:s5] =	ssyncadd.remote.s32 @!p0 $0x1  }
0xb4: {  	s26 =	simm.s32 $execute0_lowered;
	[smem:$0x3FD2] =	sst s25  }
0xb5: {  	s6 =	sshll.u32 s26, $0x1;
	_ =	strace $0x8000004F;
	[dreg:$0x1] =	wrdreg $0xFFFFFFFF  }
0xb6: {  	s28 =	simm.s32 $_size_execute0_lowered;
	s4 =	sadd.s32 s4, s6;
	[dreg:$0x0] =	wrdreg $0x0  }
0xb7: {  	s6 =	sshll.u32 s28, $0x1;
	[dreg:$0x2] =	wrdreg s4  }
0xb8: {  	[dreg:$0x3] =	wrdreg s6  }
0xb9: {  	[dreg:$0x4] =	wrdreg $0xC0  }
0xba: {  	_ =	task [dreg:s22], $0x5FFFF  }
0xbb: {  	[dreg:$0x1] =	wrdreg $0xFFFFFFFF  }
0xbc: {  	[dreg:$0x0] =	wrdreg $0x60  }
0xbd: {  	[dreg:$0x2] =	wrdreg s24  }
0xbe: {  	[dreg:$0x3] =	wrdreg s18  }
0xbf: {  	[dreg:$0x4] =	wrdreg $0xC  }
0xc0: {  	_ =	task.clear_ibuf [dreg:s22], $0x5FFFF;
	_ =	strace $0x9000004F  }
0xc1: {  	s29 =	simm.s32 $0xC;
	_ =	strace $0x80000051  }
0xc2: {  	_ =	swait.ge [sflag:s29], $0x1  }
0xc3: {  	[sflag:s29] =	ssyncadd.s32 $0xFFFFFFFF  }
0xc4: {  	_ =	strace $0x90000051  }
0xc5: {  	_ =	sfence  }
0xc6: {  	s30 =	sld [smem:$0x0];
	_ =	sdelay $0x2  }
0xc7: {  	s31 =	sshll.u32 s1, $0xD;
	s1 =	sshrl.u32 s1, $0x2  }
0xc8: {  	s4 =	sand.u32 $0x4000, s31;
	s1 =	sadd.s32 s1, s30  }
0xc9: {  	s0 =	sor.u32 s4, s0;
	s1 =	sshll.u32 s1, $0x11  }
0xca: {  	s0 =	sor.u32 s1, s0  }
0xcb: {  	s0 =	sadd.s32 $0x8F2B, s0  }
0xcc: {  	[sflag:s0] =	ssyncadd.remote.s32 $0x1  }
0xcd: {  	_ =	sfence.sel $0xFFFF  }
0xce: {  	[dreg:$0x0] =	wrdreg $0xFFFFFFFF;
	(pc) =	sbr.abs _section_cstart, $3  }
0xcf: {  	[dreg:$0x1] =	wrdreg $0xFFFFFFFF  }
0xd0: {  	_ =	task.clear_ibuf [dreg:s22], $0x2FFFF;
	_ =	strace $0x9FFFFFFF  }
0xd1: {  	(tm) =	ssettm $0x7FFFFFFF  }
tec
execute0_lowered:
.L_overlay_start_1:
0x0: {  	(tag) =	ssettag $0x1  }
0x1: {  	s0 =	srdreg.scid  }
0x2: {  	s5 =	stileid.u32;
	s4 =	rddreg [dreg:$0x0]  }
0x3: {  	s2 =	rddreg [dreg:$0x1];
	s3 =	simm.s32 $0x0;
	s14 =	simm.s32 $0x5  }
0x4: {  	s15 =	simm.s32 $0x1400;
	s16 =	simm.s32 $0x1C00;
	s17 =	simm.s32 $0x2400  }
0x5: {  	s18 =	simm.s32 $0x2C00;
	s19 =	simm.s32 $0x3400;
	s20 =	simm.s32 $0x3C00  }
0x6: {  	s21 =	simm.s32 $0x4400;
	s22 =	simm.s32 $0x4C00;
	s28 =	simm.s32 $0x1  }
0x7: {  	s29 =	simm.s32 $0x3;
	s30 =	simm.s32 $0x2;
	s31 =	simm.s32 $0x4  }
0x8: {  	s0 =	sand.u32 $0x1, s0;
	s1 =	sshll.u32 s5, $0x1;
	s5 =	smul.u32 $0x500, s5  }
0x9: {  	s1 =	sor.u32 s0, s1;
	s6 =	ssub.s32 $0x2, s0;
	s0 =	smul.u32 $0x280, s0  }
0xa: {  	[smem:$0x7FF] =	sst s3;
	s1 =	smul.u32 $0x280, s1;
	s8 =	sshrl.u32 s6, $0x1  }
0xb: {  	_ =	strace $0x80000050;
	s8 =	ssub.s32 s6, s8;
	s0 =	sadd.s32 s0, s5  }
0xc: {  	s5 =	sadd.s32 $0x100, s2;
	s6 =	sadd.s32 $0x200, s2;
	s7 =	sadd.s32 s1, s4  }
0xd: {  	s4 =	sadd.s32 $0x5B3800, s4;
	s1 =	sshrl.u32 s1, $0x3;
	s24 =	sor.u32 $0x20, s0  }
0xe: {  	s0 =	sor.u32 $0x30, s0;
	s26 =	smax.u32 s8, $0x1;
	s23 =	sadd.s32 $0x5AE800, s7  }
0xf: {  	s1 =	smul.u32 $0x300, s1;
	s25 =	sshrl.u32 s24, $0x3;
	s0 =	sshrl.u32 s0, $0x3  }
0x10: {  	[dreg:$0x4] =	wrdreg s26;
	s24 =	simm.s32 $0x5C00;
	s12 =	smul.u32 $0x300, s25  }
0x11: {  	s26 =	simm.s32 $0x6C00;
	[dreg:$0x3] =	wrdreg s23;
	s0 =	smul.u32 $0x300, s0  }
0x12: {  	v2 =	vlaneseq.u32;
	s23 =	simm.s32 $0x5400;
	s25 =	simm.s32 $0x6400;
	s7 =	sadd.s32 s4, s1  }
0x13: {  	vm0 =	vmmov $0xffff;
	v1 =	vshrl.u32 v2, $0x3;
	s1 =	simm.s32 $0x0;
	s9 =	sadd.s32 $0x600, s7;
	s10 =	sadd.s32 $0xE400, s7  }
0x14: {  	v0 =	vand.u32 $0x7, v2;
	v2 =	vor.u32 $0x8, v2;
	v1 =	vmul.u32 $0x8, v1;
	s11 =	sadd.s32 $0xEA00, s7;
	s12 =	sadd.s32 s12, s4;
	s13 =	sadd.s32 s0, s4  }
.LBB2_1:
0x15: {  	s0 =	rddreg [dreg:$0x3]  }
0x16: {  	[tilespmem:s3], [sflag:$0x5] =	stream.linear.gather [hbm4b:s0+s3], $0x1400, $0x38;
	[tilespmem:$0x7400] =	vst v63  }
0x17: {  	_ =	swait.ge [sflag:s14], $0x1400  }
0x18: {  	[sflag:s14] =	ssyncset.done $0x0  }
0x19: {  	[sflag:s14] =	ssyncadd.s32 $0xFFFFEC00  }
0x1a: {  	v3 =	vld [tilespmem:$0x0];
	_ =	sdelay $0x4  }
0x1b: {  	v4 =	vshrl.u32 v3, $0x3  }
0x1c: {  	v4 =	vmul.u32 $0x30, v4  }
0x1d: {  	v3 =	vand.u32 $0x7, v3  }
0x1e: {  	v3 =	vor.u32 v3, v4  }
0x1f: {  	v4 =	vperm.xlane v3, v0;
	_ =	sdelay $0x1  }
0x20: {  	v4 =	vadd.s32 v1, v4;
	_ =	sdelay $0x3  }
0x21: {  	v3 =	vperm.xlane v3, v2  }
0x22: {  	[tilespmem:s15], [sflag:$0x1] =	stream.indirect_vreg.gather [hbm4b:s2+s3], $0x80, v4, vm0, $0xb8;
	[tilespmem:$0x7400] =	vst v63  }
0x23: {  	v3 =	vadd.s32 v1, v3  }
0x24: {  	[tilespmem:s16], [sflag:$0x1] =	stream.indirect_vreg.gather [hbm4b:s5+s3], $0x80, v4, vm0, $0xb8;
	[tilespmem:$0x7400] =	vst v63  }
0x25: {  	_ = 	snop  }
0x26: {  	[tilespmem:s17], [sflag:$0x1] =	stream.indirect_vreg.gather [hbm4b:s6+s3], $0x80, v4, vm0, $0xb8;
	[tilespmem:$0x7400] =	vst v63  }
0x27: {  	_ = 	snop  }
0x28: {  	[tilespmem:s18], [sflag:$0x1] =	stream.indirect_vreg.gather [hbm4b:s2+s3], $0x80, v3, vm0, $0xb8;
	[tilespmem:$0x7400] =	vst v63  }
0x29: {  	_ = 	snop  }
0x2a: {  	[tilespmem:s19], [sflag:$0x1] =	stream.indirect_vreg.gather [hbm4b:s5+s3], $0x80, v3, vm0, $0xb8;
	[tilespmem:$0x7400] =	vst v63  }
0x2b: {  	_ = 	snop  }
0x2c: {  	[tilespmem:s20], [sflag:$0x1] =	stream.indirect_vreg.gather [hbm4b:s6+s3], $0x80, v3, vm0, $0xb8;
	[tilespmem:$0x7400] =	vst v63  }
0x2d: {  	v3 =	vld [tilespmem:$0x80];
	_ =	sdelay $0x4  }
0x2e: {  	v62 =	vshrl.u32 v3, $0x3  }
0x2f: {  	v4 =	vmul.u32 $0x30, v62  }
0x30: {  	v3 =	vand.u32 $0x7, v3  }
0x31: {  	v3 =	vor.u32 v3, v4  }
0x32: {  	v4 =	vperm.xlane v3, v0;
	_ =	sdelay $0x1  }
0x33: {  	v4 =	vadd.s32 v1, v4;
	_ =	sdelay $0x3  }
0x34: {  	v3 =	vperm.xlane v3, v2  }
0x35: {  	[tilespmem:s21], [sflag:$0x2] =	stream.indirect_vreg.gather [hbm4b:s2+s3], $0x80, v4, vm0, $0xb8;
	[tilespmem:$0x7400] =	vst v63  }
0x36: {  	v3 =	vadd.s32 v1, v3  }
0x37: {  	[tilespmem:s22], [sflag:$0x2] =	stream.indirect_vreg.gather [hbm4b:s5+s3], $0x80, v4, vm0, $0xb8;
	[tilespmem:$0x7400] =	vst v63  }
0x38: {  	_ = 	snop  }
0x39: {  	[tilespmem:s23], [sflag:$0x2] =	stream.indirect_vreg.gather [hbm4b:s6+s3], $0x80, v4, vm0, $0xb8;
	[tilespmem:$0x7400] =	vst v63  }
0x3a: {  	_ = 	snop  }
0x3b: {  	[tilespmem:s24], [sflag:$0x2] =	stream.indirect_vreg.gather [hbm4b:s2+s3], $0x80, v3, vm0, $0xb8;
	[tilespmem:$0x7400] =	vst v63  }
0x3c: {  	_ = 	snop  }
0x3d: {  	[tilespmem:s25], [sflag:$0x2] =	stream.indirect_vreg.gather [hbm4b:s5+s3], $0x80, v3, vm0, $0xb8;
	[tilespmem:$0x7400] =	vst v63  }
0x3e: {  	_ = 	snop  }
0x3f: {  	[tilespmem:s26], [sflag:$0x2] =	stream.indirect_vreg.gather [hbm4b:s6+s3], $0x80, v3, vm0, $0xb8;
	[tilespmem:$0x7400] =	vst v63  }
0x40: {  	_ =	swait.ge [sflag:s28], $0x3000  }
0x41: {  	[sflag:s28] =	ssyncset.done $0x0  }
0x42: {  	[sflag:s28] =	ssyncadd.s32 $0xFFFFD000  }
0x43: {  	[hbm4b:s7+s3] =	stream.linear.scatter [tilespmem:s15], [sflag:$0x3], $0x3000, $0x38;
	[tilespmem:$0x7400] =	vst v63  }
0x44: {  	_ =	swait.ge [sflag:s29], $0x3000  }
0x45: {  	[sflag:s29] =	ssyncset.done $0x0  }
0x46: {  	[sflag:s29] =	ssyncadd.s32 $0xFFFFD000  }
0x47: {  	v3 =	vld [tilespmem:$0x100];
	_ =	sdelay $0x4  }
0x48: {  	v63 =	vshrl.u32 v3, $0x3  }
0x49: {  	v4 =	vmul.u32 $0x30, v63  }
0x4a: {  	v3 =	vand.u32 $0x7, v3  }
0x4b: {  	v3 =	vor.u32 v3, v4  }
0x4c: {  	v4 =	vperm.xlane v3, v0;
	_ =	sdelay $0x1  }
0x4d: {  	v4 =	vadd.s32 v1, v4;
	_ =	sdelay $0x3  }
0x4e: {  	v3 =	vperm.xlane v3, v2  }
0x4f: {  	[tilespmem:s15], [sflag:$0x1] =	stream.indirect_vreg.gather [hbm4b:s2+s3], $0x80, v4, vm0, $0xb8;
	[tilespmem:$0x7400] =	vst v63  }
0x50: {  	v3 =	vadd.s32 v1, v3  }
0x51: {  	[tilespmem:s16], [sflag:$0x1] =	stream.indirect_vreg.gather [hbm4b:s5+s3], $0x80, v4, vm0, $0xb8;
	[tilespmem:$0x7400] =	vst v63  }
0x52: {  	_ = 	snop  }
0x53: {  	[tilespmem:s17], [sflag:$0x1] =	stream.indirect_vreg.gather [hbm4b:s6+s3], $0x80, v4, vm0, $0xb8;
	[tilespmem:$0x7400] =	vst v63  }
0x54: {  	_ = 	snop  }
0x55: {  	[tilespmem:s18], [sflag:$0x1] =	stream.indirect_vreg.gather [hbm4b:s2+s3], $0x80, v3, vm0, $0xb8;
	[tilespmem:$0x7400] =	vst v63  }
0x56: {  	_ = 	snop  }
0x57: {  	[tilespmem:s19], [sflag:$0x1] =	stream.indirect_vreg.gather [hbm4b:s5+s3], $0x80, v3, vm0, $0xb8;
	[tilespmem:$0x7400] =	vst v63  }
0x58: {  	_ = 	snop  }
0x59: {  	[tilespmem:s20], [sflag:$0x1] =	stream.indirect_vreg.gather [hbm4b:s6+s3], $0x80, v3, vm0, $0xb8;
	[tilespmem:$0x7400] =	vst v63  }
0x5a: {  	_ =	swait.ge [sflag:s30], $0x3000  }
0x5b: {  	[sflag:s30] =	ssyncset.done $0x0  }
0x5c: {  	s4 =	simm.s32 $0x0;
	s0 =	simm.s32 $0x200;
	[sflag:s30] =	ssyncadd.s32 $0xFFFFD000  }
0x5d: {  	[hbm4b:s9+s3] =	stream.linear.scatter [tilespmem:s21], [sflag:$0x4], $0x3000, $0x38;
	[tilespmem:$0x7400] =	vst v63  }
.LBB2_2:
0x5e: {  	_ =	swait.ge [sflag:s31], $0x3000  }
0x5f: {  	[sflag:s31] =	ssyncset.done $0x0  }
0x60: {  	[sflag:s31] =	ssyncadd.s32 $0xFFFFD000  }
0x61: {  	v3 =	vld [tilespmem:s0+$0xFFFFFF80];
	_ =	sdelay $0x4  }
0x62: {  	v4 =	vshrl.u32 v3, $0x3  }
0x63: {  	v4 =	vmul.u32 $0x30, v4  }
0x64: {  	v3 =	vand.u32 $0x7, v3  }
0x65: {  	v3 =	vor.u32 v3, v4  }
0x66: {  	v4 =	vperm.xlane v3, v0;
	_ =	sdelay $0x1  }
0x67: {  	v4 =	vadd.s32 v1, v4;
	_ =	sdelay $0x3  }
0x68: {  	v3 =	vperm.xlane v3, v2  }
0x69: {  	[tilespmem:s21], [sflag:$0x2] =	stream.indirect_vreg.gather [hbm4b:s2+s3], $0x80, v4, vm0, $0xb8;
	[tilespmem:$0x7400] =	vst v63  }
0x6a: {  	v3 =	vadd.s32 v1, v3  }
0x6b: {  	[tilespmem:s22], [sflag:$0x2] =	stream.indirect_vreg.gather [hbm4b:s5+s3], $0x80, v4, vm0, $0xb8;
	[tilespmem:$0x7400] =	vst v63  }
0x6c: {  	_ = 	snop  }
0x6d: {  	[tilespmem:s23], [sflag:$0x2] =	stream.indirect_vreg.gather [hbm4b:s6+s3], $0x80, v4, vm0, $0xb8;
	[tilespmem:$0x7400] =	vst v63  }
0x6e: {  	_ = 	snop  }
0x6f: {  	[tilespmem:s24], [sflag:$0x2] =	stream.indirect_vreg.gather [hbm4b:s2+s3], $0x80, v3, vm0, $0xb8;
	[tilespmem:$0x7400] =	vst v63  }
0x70: {  	_ = 	snop  }
0x71: {  	[tilespmem:s25], [sflag:$0x2] =	stream.indirect_vreg.gather [hbm4b:s5+s3], $0x80, v3, vm0, $0xb8;
	[tilespmem:$0x7400] =	vst v63  }
0x72: {  	_ = 	snop  }
0x73: {  	[tilespmem:s26], [sflag:$0x2] =	stream.indirect_vreg.gather [hbm4b:s6+s3], $0x80, v3, vm0, $0xb8;
	[tilespmem:$0x7400] =	vst v63  }
0x74: {  	_ =	swait.ge [sflag:s28], $0x3000  }
0x75: {  	[sflag:s28] =	ssyncset.done $0x0  }
0x76: {  	s8 =	sadd.s32 s4, s12;
	[sflag:s28] =	ssyncadd.s32 $0xFFFFD000  }
0x77: {  	[hbm4b:s8+s3] =	stream.linear.scatter [tilespmem:s15], [sflag:$0x3], $0x3000, $0x38;
	[tilespmem:$0x7400] =	vst v63  }
0x78: {  	_ =	swait.ge [sflag:s29], $0x3000  }
0x79: {  	[sflag:s29] =	ssyncset.done $0x0  }
0x7a: {  	[sflag:s29] =	ssyncadd.s32 $0xFFFFD000  }
0x7b: {  	v3 =	vld [tilespmem:s0+$0x0];
	_ =	sdelay $0x4  }
0x7c: {  	v63 =	vshrl.u32 v3, $0x3  }
0x7d: {  	v4 =	vmul.u32 $0x30, v63  }
0x7e: {  	v3 =	vand.u32 $0x7, v3  }
0x7f: {  	v3 =	vor.u32 v3, v4  }
0x80: {  	v4 =	vperm.xlane v3, v0;
	_ =	sdelay $0x1  }
0x81: {  	v4 =	vadd.s32 v1, v4;
	_ =	sdelay $0x3  }
0x82: {  	v3 =	vperm.xlane v3, v2  }
0x83: {  	[tilespmem:s15], [sflag:$0x1] =	stream.indirect_vreg.gather [hbm4b:s2+s3], $0x80, v4, vm0, $0xb8;
	[tilespmem:$0x7400] =	vst v63  }
0x84: {  	v3 =	vadd.s32 v1, v3  }
0x85: {  	[tilespmem:s16], [sflag:$0x1] =	stream.indirect_vreg.gather [hbm4b:s5+s3], $0x80, v4, vm0, $0xb8;
	[tilespmem:$0x7400] =	vst v63  }
0x86: {  	_ = 	snop  }
0x87: {  	[tilespmem:s17], [sflag:$0x1] =	stream.indirect_vreg.gather [hbm4b:s6+s3], $0x80, v4, vm0, $0xb8;
	[tilespmem:$0x7400] =	vst v63  }
0x88: {  	_ = 	snop  }
0x89: {  	[tilespmem:s18], [sflag:$0x1] =	stream.indirect_vreg.gather [hbm4b:s2+s3], $0x80, v3, vm0, $0xb8;
	[tilespmem:$0x7400] =	vst v63  }
0x8a: {  	_ = 	snop  }
0x8b: {  	[tilespmem:s19], [sflag:$0x1] =	stream.indirect_vreg.gather [hbm4b:s5+s3], $0x80, v3, vm0, $0xb8;
	[tilespmem:$0x7400] =	vst v63  }
0x8c: {  	p0 =	sne.s32 s4, $0xCC00  }
0x8d: {  	[tilespmem:s20], [sflag:$0x1] =	stream.indirect_vreg.gather [hbm4b:s6+s3], $0x80, v3, vm0, $0xb8;
	[tilespmem:$0x7400] =	vst v63  }
.Ltmp0:
0x8e: {  	_ = 	snop;
	(pc) =	sbr.rel @p0 .LBB2_2-.Ltmp0, $4  }
0x8f: {  	_ =	swait.ge [sflag:s30], $0x3000  }
0x90: {  	s8 =	sadd.s32 s4, s13;
	[sflag:s30] =	ssyncset.done $0x0  }
0x91: {  	s4 =	sadd.s32 $0xC00, s4;
	s0 =	sadd.s32 $0x100, s0;
	[sflag:s30] =	ssyncadd.s32 $0xFFFFD000  }
0x92: {  	[hbm4b:s8+s3] =	stream.linear.scatter [tilespmem:s21], [sflag:$0x4], $0x3000, $0x38;
	[tilespmem:$0x7400] =	vst v63  }
0x93: {  	_ =	swait.ge [sflag:s31], $0x3000  }
0x94: {  	[sflag:s31] =	ssyncset.done $0x0  }
0x95: {  	[sflag:s31] =	ssyncadd.s32 $0xFFFFD000  }
0x96: {  	v3 =	vld [tilespmem:$0x1380];
	_ =	sdelay $0x4  }
0x97: {  	v4 =	vshrl.u32 v3, $0x3  }
0x98: {  	v4 =	vmul.u32 $0x30, v4  }
0x99: {  	v3 =	vand.u32 $0x7, v3  }
0x9a: {  	v3 =	vor.u32 v3, v4  }
0x9b: {  	v4 =	vperm.xlane v3, v0;
	_ =	sdelay $0x1  }
0x9c: {  	v4 =	vadd.s32 v1, v4;
	_ =	sdelay $0x3  }
0x9d: {  	v3 =	vperm.xlane v3, v2  }
0x9e: {  	[tilespmem:s21], [sflag:$0x2] =	stream.indirect_vreg.gather [hbm4b:s2+s3], $0x80, v4, vm0, $0xb8;
	[tilespmem:$0x7400] =	vst v63  }
0x9f: {  	v3 =	vadd.s32 v1, v3  }
0xa0: {  	[tilespmem:s22], [sflag:$0x2] =	stream.indirect_vreg.gather [hbm4b:s5+s3], $0x80, v4, vm0, $0xb8;
	[tilespmem:$0x7400] =	vst v63  }
0xa1: {  	_ = 	snop  }
0xa2: {  	[tilespmem:s23], [sflag:$0x2] =	stream.indirect_vreg.gather [hbm4b:s6+s3], $0x80, v4, vm0, $0xb8;
	[tilespmem:$0x7400] =	vst v63  }
0xa3: {  	_ = 	snop  }
0xa4: {  	[tilespmem:s24], [sflag:$0x2] =	stream.indirect_vreg.gather [hbm4b:s2+s3], $0x80, v3, vm0, $0xb8;
	[tilespmem:$0x7400] =	vst v63  }
0xa5: {  	_ = 	snop  }
0xa6: {  	[tilespmem:s25], [sflag:$0x2] =	stream.indirect_vreg.gather [hbm4b:s5+s3], $0x80, v3, vm0, $0xb8;
	[tilespmem:$0x7400] =	vst v63  }
0xa7: {  	_ = 	snop  }
0xa8: {  	[tilespmem:s26], [sflag:$0x2] =	stream.indirect_vreg.gather [hbm4b:s6+s3], $0x80, v3, vm0, $0xb8;
	[tilespmem:$0x7400] =	vst v63  }
0xa9: {  	_ =	swait.ge [sflag:s28], $0x3000  }
0xaa: {  	[sflag:s28] =	ssyncset.done $0x0  }
0xab: {  	[sflag:s28] =	ssyncadd.s32 $0xFFFFD000  }
0xac: {  	[hbm4b:s10+s3] =	stream.linear.scatter [tilespmem:s15], [sflag:$0x3], $0x3000, $0x38;
	[tilespmem:$0x7400] =	vst v63  }
0xad: {  	_ =	swait.ge [sflag:s30], $0x3000  }
0xae: {  	[sflag:s30] =	ssyncset.done $0x0  }
0xaf: {  	[sflag:s30] =	ssyncadd.s32 $0xFFFFD000  }
0xb0: {  	[hbm4b:s11+s3] =	stream.linear.scatter [tilespmem:s21], [sflag:$0x4], $0x3000, $0x38;
	[tilespmem:$0x7400] =	vst v63  }
0xb1: {  	_ =	swait.ge [sflag:s29], $0x3000  }
0xb2: {  	[sflag:s29] =	ssyncset.done $0x0  }
0xb3: {  	[sflag:s29] =	ssyncadd.s32 $0xFFFFD000  }
0xb4: {  	_ =	swait.ge [sflag:s31], $0x3000  }
0xb5: {  	s1 =	sadd.s32 $0x1, s1;
	s0 =	rddreg [dreg:$0x4]  }
0xb6: {  	p0 =	sne.s32 s1, s0  }
.Ltmp1:
0xb7: {  	_ = 	snop;
	(pc) =	sbr.rel @p0 .LBB2_1-.Ltmp1, $3  }
0xb8: {  	_ =	sdelay $0x1  }
0xb9: {  	[sflag:s31] =	ssyncset.done $0x0  }
0xba: {  	[sflag:s31] =	ssyncadd.s32 $0xFFFFD000  }
0xbb: {  	_ =	sfence.sel $0x180000  }
0xbc: {  	[bflag:$0x0] =	sbarrier.arrive $0xFFFF  }
0xbd: {  	_ =	strace $0x90000050  }
0xbe: {  	s0 =	stileid.u32;
	[bflag:$0x2] =	sbarrier.arrive $0xFFFF  }
0xbf: {  	p0 =	sne.s32 s0, $0x0;
	s0 =	rddreg [dreg:$0x2]  }
0xc0: {  	s0 =	sadd.s32 @!p0 $0x100000, s0  }
0xc1: {  	[sflag:s0] =	ssyncadd.tile.s32 @!p0 $0x1;
	_ =	shalt  }
.Lfunc_end2:
_tile_overlayer_lowered:
.L_overlay_start_2:
0xc2: {  	(tag) =	ssettag $0x2  }
0xc3: {  	s0 =	rddreg [dreg:$0x0];
	s2 =	stileid.u32  }
0xc4: {  	s1 =	rddreg [dreg:$0x1];
	p0 =	sne.s32 s2, $0x0  }
0xc5: {  	s3 =	rddreg [dreg:$0x2];
	[bflag:$0x3] =	sbarrier.arrive $0xFFFF;
	s2 =	simm.s32 @!p0 $0x1C05  }
0xc6: {  	[timem:s3], [sflag:s2] =	dma.local @!p0 [hbm:s0], s1  }
0xc7: {  	s0 =	simm.s32 @!p0 $0x5  }
0xc8: {  	_ =	swait.ge @!p0 [sflag:s0], s1  }
0xc9: {  	s1 =	ssub.s32 @!p0 $0x0, s1;
	[sflag:s0] =	ssyncset.done @!p0 $0x0  }
0xca: {  	[sflag:s0] =	ssyncadd.s32 @!p0 s1  }
0xcb: {  	[bflag:$0x3] =	sbarrier.arrive $0xFFFF  }
0xcc: {  	_ =	shalt  }

// kernel: _run.24.cloned.1.call-start
scs
__scs_entry_jumppad:
0x0: {  	(pc) =	sbr.rel $0x88, $3  }
0x1: {  	(tag) =	ssettag $0x0;
	lr =	simm.s32 $0x1  }
0x2: {  	[smem:$0x3F9B] =	sst lr;
	_ =	strace $0xD0000000  }
0x3: {  	_ = 	snop  }
0x4: {  	_ = 	snop  }
0x5: {  	_ = 	snop  }
0x6: {  	_ = 	snop  }
0x7: {  	_ = 	snop  }
__scs_overlays_trampoline_lowered:
0x8: {  	[smem:$0x3FAA] =	sst s0  }
0x9: {  	[smem:$0x3FAB] =	sst s1  }
0xa: {  	[smem:$0x3FAC] =	sst s2  }
0xb: {  	[smem:$0x3FAD] =	sst s3  }
0xc: {  	[smem:$0x3FAE] =	sst s4  }
0xd: {  	[smem:$0x3FAF] =	sst s5  }
0xe: {  	[smem:$0x3FB0] =	sst s6  }
0xf: {  	[smem:$0x3FB1] =	sst s7  }
0x10: {  	[smem:$0x3FB2] =	sst s8  }
0x11: {  	[smem:$0x3FB3] =	sst s9;
	s0 =	simm.s32 @!p0 $0x0  }
0x12: {  	s1 =	sld [smem:$0x3F99];
	s0 =	simm.s32 @p0 $0x1  }
0x13: {  	[smem:$0x3FB4] =	sst s0;
	s0 =	simm.s32 @!p1 $0x0  }
0x14: {  	s2 =	sld [smem:$0x3F98];
	s0 =	simm.s32 @p1 $0x1  }
0x15: {  	[smem:$0x3FB5] =	sst s0;
	s0 =	simm.s32 @!p2 $0x0  }
0x16: {  	s3 =	sld [smem:$0x3FDB];
	s0 =	simm.s32 @p2 $0x1  }
0x17: {  	s4 =	simm.s32 $0x1BF5;
	[smem:$0x3FB7] =	sst s0  }
0x18: {  	s0 =	sld [smem:$0x3F9A];
	_ =	swait.ge [sflag:s4], $0x0  }
0x19: {  	s7 =	sld [smem:$0x3F9B]  }
0x1a: {  	s8 =	sadd.s32 $0xFFFFE003, lr  }
0x1b: {  	s9 =	sadd.s32 $0xFFFFFEF7, lr;
	s5 =	simm.s32 $0xFFFFFFFF;
	p2 =	slt.u32 s8, $0xFFFFF086  }
0x1c: {  	p1 =	slt.u32 s9, $0xF7A;
	s5 =	simm.s32 @!p2 $0x0  }
0x1d: {  	s5 =	simm.s32 @p1 $0x1;
	p0 =	seq.s32 s7, s2  }
0x1e: {  	s7 =	smul.u32 @!p0 $0xF7A, s2;
	p2 =	seq.s32 @!p0 s5, $0x0  }
0x1f: {  	s9 =	smul.u32 $0xF7A, s1;
	s8 =	simm.s32 @!p0 $0x1BF5;
	p2 =	por !p2, p0  }
0x20: {  	[sflag:s8] =	ssyncset.s32 @!p0 $0xFFFFF086;
	s6 =	sadd.s32 @!p0 s3, s7;
	s7 =	simm.s32 @!p0 $0x108  }
0x21: {  	s3 =	sadd.s32 s3, s9;
	s6 =	sadd.s32 @!p0 $0x88, s6;
	s7 =	simm.s32 @p2 $0x1082  }
0x22: {  	[simem:s7], [sflag:s8] =	dma.local @!p0 [hbm:s6], $0xF7A  }
0x23: {  	s9 =	sor.u32 $0xD0000000, s2;
	s6 =	simm.s32 $0x108;
	_ =	swait.ge @!p0 [sflag:s8], $0x0  }
0x24: {  	s3 =	sadd.s32 $0x88, s3;
	s6 =	simm.s32 @!p1 $0x1082;
	[sflag:s4] =	ssyncset.s32 $0xFFFFF086  }
0x25: {  	[simem:s6], [sflag:s4] =	dma.local [hbm:s3], $0xF7A  }
0x26: {  	[smem:$0x3F9B] =	sst s1;
	(tag) =	ssettag s2;
	_ =	strace s9  }
0x27: {  	s1 =	sld [smem:$0x3FAB]  }
0x28: {  	s2 =	sld [smem:$0x3FAC]  }
0x29: {  	s4 =	sld [smem:$0x3FAE]  }
0x2a: {  	p0 =	seq.s32 s5, $0x0;
	s5 =	sld [smem:$0x3FAF]  }
0x2b: {  	s6 =	sld [smem:$0x3FB0]  }
0x2c: {  	s7 =	sld [smem:$0x3FB1]  }
0x2d: {  	s3 =	simm.s32 $0x108;
	s8 =	sld [smem:$0x3FB2]  }
0x2e: {  	s3 =	simm.s32 @!p0 $0x1082;
	s9 =	sld [smem:$0x3FB3]  }
0x2f: {  	lr =	sadd.s32 s0, s3;
	s0 =	sld [smem:$0x3FAA]  }
0x30: {  	s3 =	sld [smem:$0x3FAD]  }
0x31: {  	[smem:$0x3FB6] =	sst s10  }
0x32: {  	s10 =	sld [smem:$0x3FB4];
	_ =	sdelay $0x3  }
0x33: {  	p0 =	seq.s32 s10, $0x1;
	s10 =	sld [smem:$0x3FB6];
	_ =	sdelay $0x3  }
0x34: {  	[smem:$0x3FB6] =	sst s10  }
0x35: {  	s10 =	sld [smem:$0x3FB5];
	_ =	sdelay $0x3  }
0x36: {  	p1 =	seq.s32 s10, $0x1;
	s10 =	sld [smem:$0x3FB6];
	_ =	sdelay $0x3  }
0x37: {  	[smem:$0x3FB6] =	sst s10  }
0x38: {  	s10 =	sld [smem:$0x3FB7]  }
0x39: {  	_ = 	snop;
	(pc) =	sbr.ind lr, $3  }
0x3a: {  	_ = 	snop  }
0x3b: {  	_ = 	snop  }
0x3c: {  	p2 =	seq.s32 s10, $0x1;
	s10 =	sld [smem:$0x3FB6]  }
0x3d: {  	_ =	shalt  }
0x3e: {  	_ =	shalt  }
0x3f: {  	_ =	shalt  }
0x40: {  	_ =	shalt  }
0x41: {  	_ =	shalt  }
0x42: {  	_ =	shalt  }
0x43: {  	_ =	shalt  }
0x44: {  	_ =	shalt  }
0x45: {  	_ =	shalt  }
0x46: {  	_ =	shalt  }
0x47: {  	_ =	shalt  }
0x48: {  	_ =	shalt  }
0x49: {  	_ =	shalt  }
0x4a: {  	_ =	shalt  }
0x4b: {  	_ =	shalt  }
0x4c: {  	_ =	shalt  }
0x4d: {  	_ =	shalt  }
0x4e: {  	_ =	shalt  }
0x4f: {  	_ =	shalt  }
0x50: {  	_ =	shalt  }
0x51: {  	_ =	shalt  }
0x52: {  	_ =	shalt  }
0x53: {  	_ =	shalt  }
0x54: {  	_ =	shalt  }
0x55: {  	_ =	shalt  }
0x56: {  	_ =	shalt  }
0x57: {  	_ =	shalt  }
0x58: {  	_ =	shalt  }
0x59: {  	_ =	shalt  }
0x5a: {  	_ =	shalt  }
0x5b: {  	_ =	shalt  }
0x5c: {  	_ =	shalt  }
0x5d: {  	_ =	shalt  }
0x5e: {  	_ =	shalt  }
0x5f: {  	_ =	shalt  }
0x60: {  	_ =	shalt  }
0x61: {  	_ =	shalt  }
0x62: {  	_ =	shalt  }
0x63: {  	_ =	shalt  }
0x64: {  	_ =	shalt  }
0x65: {  	_ =	shalt  }
0x66: {  	_ =	shalt  }
0x67: {  	_ =	shalt  }
0x68: {  	_ =	shalt  }
0x69: {  	_ =	shalt  }
0x6a: {  	_ =	shalt  }
0x6b: {  	_ =	shalt  }
0x6c: {  	_ =	shalt  }
0x6d: {  	_ =	shalt  }
0x6e: {  	_ =	shalt  }
0x6f: {  	_ =	shalt  }
0x70: {  	_ =	shalt  }
0x71: {  	_ =	shalt  }
0x72: {  	_ =	shalt  }
0x73: {  	_ =	shalt  }
0x74: {  	_ =	shalt  }
0x75: {  	_ =	shalt  }
0x76: {  	_ =	shalt  }
0x77: {  	_ =	shalt  }
0x78: {  	_ =	shalt  }
0x79: {  	_ =	shalt  }
0x7a: {  	_ =	shalt  }
0x7b: {  	_ =	shalt  }
0x7c: {  	_ =	shalt  }
0x7d: {  	_ =	shalt  }
0x7e: {  	_ =	shalt  }
0x7f: {  	_ =	shalt  }
0x80: {  	_ =	shalt  }
0x81: {  	_ =	shalt  }
0x82: {  	_ =	shalt  }
0x83: {  	_ =	shalt  }
0x84: {  	_ =	shalt  }
0x85: {  	_ =	shalt  }
0x86: {  	_ =	shalt  }
0x87: {  	_ =	shalt  }
.Lfunc_end0:
.L_simem_size_0:
called_computation.4_lowered:
.L_overlay_start_0:
0x88: {  	s2 =	sld [smem:$0x3FD9]  }
0x89: {  	s3 =	sld [smem:$0x3FFE];
	_ =	sdelay $0x1  }
0x8a: {  	s1 =	srdreg.scid  }
0x8b: {  	s0 =	sand.u32 $0x1, s1  }
0x8c: {  	s17 =	sshll.u32 s0, $0xA;
	s2 =	sadd.s32 s3, s2  }
0x8d: {  	s2 =	sadd.s32 s2, s17  }
0x8e: {  	[smem:$0x3FC2] =	sst s2  }
0x8f: {  	_ = 	snop  }
0x90: {  	s18 =	sld [smem:$0x3FC8];
	(tm) =	ssettm $0x1  }
0x91: {  	s19 =	sld [smem:$0x3FFB];
	_ =	sdelay $0x3  }
0x92: {  	_ =	strace s19  }
0x93: {  	s2 =	sld [smem:$0x3FFC];
	_ =	sdelay $0x3  }
0x94: {  	_ =	strace s2  }
0x95: {  	s2 =	sld [smem:$0x3FFD];
	_ =	sdelay $0x3  }
0x96: {  	_ =	strace s2  }
0x97: {  	_ =	strace $0x8FFFFFFF  }
0x98: {  	s20 =	sld [smem:$0x3FDB];
	_ =	sdelay $0x1  }
0x99: {  	s4 =	simm.s32 $_scs_section_size  }
0x9a: {  	s5 =	simm.s32 $_size__tile_overlayer_lowered;
	s6 =	simm.s32 $_tile_overlayer_lowered  }
0x9b: {  	s7 =	simm.s32 $0x1BFF;
	s21 =	sshll.u32 s6, $0x1;
	s4 =	sadd.s32 s4, s20  }
0x9c: {  	s22 =	simm.s32 $0x0;
	s5 =	sshll.u32 s5, $0x1;
	s6 =	sadd.s32 s21, s4  }
0x9d: {  	[timem:s22], [sflag:s7] =	dma.local [hbm:s6], s5  }
0x9e: {  	_ =	swait.ge [sflag:s7], s5  }
0x9f: {  	s5 =	ssub.s32 $0x0, s5;
	[sflag:s7] =	ssyncset.done $0x0  }
0xa0: {  	[sflag:s7] =	ssyncadd.s32 s5;
	_ =	sdelay $0x1  }
0xa1: {  	s23 =	simm.s32 $0x1B8B  }
0xa2: {  	_ =	swait.ge [sflag:s23], $0x1  }
0xa3: {  	[sflag:s23] =	ssyncset.done $0x0  }
0xa4: {  	[sflag:s23] =	ssyncadd.s32 $0xFFFFFFFF  }
0xa5: {  	s5 =	sld [smem:$0x0]  }
0xa6: {  	s6 =	sand.u32 $0xFFFFFFFE, s1  }
0xa7: {  	p0 =	sne.s32 s1, s6  }
0xa8: {  	s6 =	sshll.u32 @p0 s6, $0xE  }
0xa9: {  	s6 =	sadd.s32 @p0 $0x11B8D, s6;
	s7 =	sshll.u32 @p0 s5, $0x11  }
0xaa: {  	s6 =	sor.u32 @p0 s7, s6  }
0xab: {  	[sflag:s6] =	ssyncadd.remote.s32 @p0 $0x1;
	_ =	sdelay $0x1  }
0xac: {  	s6 =	simm.s32 @p0 $0x1B8D  }
0xad: {  	_ =	swait.eq @p0 [sflag:s6], $0x1  }
0xae: {  	[sflag:s6] =	ssyncadd.s32 @p0 $0xFFFFFFFF  }
0xaf: {  	s7 =	sshll.u32 @!p0 s1, $0xE  }
0xb0: {  	s7 =	sor.u32 @!p0 $0x4000, s7;
	s6 =	simm.s32 @!p0 $0x1B8D  }
0xb1: {  	s5 =	sshll.u32 @!p0 s5, $0x11;
	s7 =	sadd.s32 @!p0 $0x11B8D, s7;
	_ =	swait.eq @!p0 [sflag:s6], $0x1  }
0xb2: {  	s5 =	sor.u32 @!p0 s5, s7;
	[sflag:s6] =	ssyncadd.s32 @!p0 $0xFFFFFFFF  }
0xb3: {  	s25 =	simm.s32 $0x1B8E;
	s24 =	sld [smem:$0x3FFE];
	[sflag:s5] =	ssyncadd.remote.s32 @!p0 $0x1  }
0xb4: {  	s26 =	simm.s32 $execute0_lowered;
	[smem:$0x3FD2] =	sst s25  }
0xb5: {  	s6 =	sshll.u32 s26, $0x1;
	_ =	strace $0x80000052;
	[dreg:$0x1] =	wrdreg $0xFFFFFFFF  }
0xb6: {  	s28 =	simm.s32 $_size_execute0_lowered;
	s4 =	sadd.s32 s4, s6;
	[dreg:$0x0] =	wrdreg $0x0  }
0xb7: {  	s6 =	sshll.u32 s28, $0x1;
	[dreg:$0x2] =	wrdreg s4  }
0xb8: {  	[dreg:$0x3] =	wrdreg s6  }
0xb9: {  	[dreg:$0x4] =	wrdreg $0xC0  }
0xba: {  	_ =	task [dreg:s22], $0x5FFFF  }
0xbb: {  	[dreg:$0x1] =	wrdreg $0xFFFFFFFF  }
0xbc: {  	[dreg:$0x0] =	wrdreg $0x60  }
0xbd: {  	[dreg:$0x2] =	wrdreg s24  }
0xbe: {  	[dreg:$0x3] =	wrdreg s18  }
0xbf: {  	[dreg:$0x4] =	wrdreg $0xD  }
0xc0: {  	_ =	task.clear_ibuf [dreg:s22], $0x5FFFF;
	_ =	strace $0x90000052  }
0xc1: {  	s29 =	simm.s32 $0xD;
	_ =	strace $0x80000054  }
0xc2: {  	_ =	swait.ge [sflag:s29], $0x1  }
0xc3: {  	[sflag:s29] =	ssyncadd.s32 $0xFFFFFFFF  }
0xc4: {  	_ =	strace $0x90000054  }
0xc5: {  	_ =	sfence  }
0xc6: {  	s30 =	sld [smem:$0x0];
	_ =	sdelay $0x2  }
0xc7: {  	s31 =	sshll.u32 s1, $0xD;
	s1 =	sshrl.u32 s1, $0x2  }
0xc8: {  	s4 =	sand.u32 $0x4000, s31;
	s1 =	sadd.s32 s1, s30  }
0xc9: {  	s0 =	sor.u32 s4, s0;
	s1 =	sshll.u32 s1, $0x11  }
0xca: {  	s0 =	sor.u32 s1, s0  }
0xcb: {  	s0 =	sadd.s32 $0x8F2B, s0  }
0xcc: {  	[sflag:s0] =	ssyncadd.remote.s32 $0x1  }
0xcd: {  	_ =	sfence.sel $0xFFFF  }
0xce: {  	[dreg:$0x0] =	wrdreg $0xFFFFFFFF;
	(pc) =	sbr.abs _section_cstart, $3  }
0xcf: {  	[dreg:$0x1] =	wrdreg $0xFFFFFFFF  }
0xd0: {  	_ =	task.clear_ibuf [dreg:s22], $0x2FFFF;
	_ =	strace $0x9FFFFFFF  }
0xd1: {  	(tm) =	ssettm $0x7FFFFFFF  }
tec
execute0_lowered:
.L_overlay_start_1:
0x0: {  	(tag) =	ssettag $0x1  }
0x1: {  	s0 =	srdreg.scid  }
0x2: {  	s5 =	stileid.u32;
	s4 =	rddreg [dreg:$0x0]  }
0x3: {  	s2 =	rddreg [dreg:$0x1];
	s3 =	simm.s32 $0x0;
	s14 =	simm.s32 $0x5  }
0x4: {  	s15 =	simm.s32 $0x1400;
	s16 =	simm.s32 $0x1C00;
	s17 =	simm.s32 $0x2400  }
0x5: {  	s18 =	simm.s32 $0x2C00;
	s19 =	simm.s32 $0x3400;
	s20 =	simm.s32 $0x3C00  }
0x6: {  	s21 =	simm.s32 $0x4400;
	s22 =	simm.s32 $0x4C00;
	s28 =	simm.s32 $0x1  }
0x7: {  	s29 =	simm.s32 $0x3;
	s30 =	simm.s32 $0x2;
	s31 =	simm.s32 $0x4  }
0x8: {  	s0 =	sand.u32 $0x1, s0;
	s1 =	sshll.u32 s5, $0x1;
	s5 =	smul.u32 $0x500, s5  }
0x9: {  	s1 =	sor.u32 s0, s1;
	s6 =	ssub.s32 $0x2, s0;
	s0 =	smul.u32 $0x280, s0  }
0xa: {  	[smem:$0x7FF] =	sst s3;
	s1 =	smul.u32 $0x280, s1;
	s8 =	sshrl.u32 s6, $0x1  }
0xb: {  	_ =	strace $0x80000053;
	s8 =	ssub.s32 s6, s8;
	s0 =	sadd.s32 s0, s5  }
0xc: {  	s5 =	sadd.s32 $0x100, s2;
	s6 =	sadd.s32 $0x200, s2;
	s7 =	sadd.s32 s1, s4  }
0xd: {  	s4 =	sadd.s32 $0x798800, s4;
	s1 =	sshrl.u32 s1, $0x3;
	s24 =	sor.u32 $0x20, s0  }
0xe: {  	s0 =	sor.u32 $0x30, s0;
	s26 =	smax.u32 s8, $0x1;
	s23 =	sadd.s32 $0x793800, s7  }
0xf: {  	s1 =	smul.u32 $0x300, s1;
	s25 =	sshrl.u32 s24, $0x3;
	s0 =	sshrl.u32 s0, $0x3  }
0x10: {  	[dreg:$0x4] =	wrdreg s26;
	s24 =	simm.s32 $0x5C00;
	s12 =	smul.u32 $0x300, s25  }
0x11: {  	s26 =	simm.s32 $0x6C00;
	[dreg:$0x3] =	wrdreg s23;
	s0 =	smul.u32 $0x300, s0  }
0x12: {  	v2 =	vlaneseq.u32;
	s23 =	simm.s32 $0x5400;
	s25 =	simm.s32 $0x6400;
	s7 =	sadd.s32 s4, s1  }
0x13: {  	vm0 =	vmmov $0xffff;
	v1 =	vshrl.u32 v2, $0x3;
	s1 =	simm.s32 $0x0;
	s9 =	sadd.s32 $0x600, s7;
	s10 =	sadd.s32 $0xE400, s7  }
0x14: {  	v0 =	vand.u32 $0x7, v2;
	v2 =	vor.u32 $0x8, v2;
	v1 =	vmul.u32 $0x8, v1;
	s11 =	sadd.s32 $0xEA00, s7;
	s12 =	sadd.s32 s12, s4;
	s13 =	sadd.s32 s0, s4  }
.LBB2_1:
0x15: {  	s0 =	rddreg [dreg:$0x3]  }
0x16: {  	[tilespmem:s3], [sflag:$0x5] =	stream.linear.gather [hbm4b:s0+s3], $0x1400, $0x38;
	[tilespmem:$0x7400] =	vst v63  }
0x17: {  	_ =	swait.ge [sflag:s14], $0x1400  }
0x18: {  	[sflag:s14] =	ssyncset.done $0x0  }
0x19: {  	[sflag:s14] =	ssyncadd.s32 $0xFFFFEC00  }
0x1a: {  	v3 =	vld [tilespmem:$0x0];
	_ =	sdelay $0x4  }
0x1b: {  	v4 =	vshrl.u32 v3, $0x3  }
0x1c: {  	v4 =	vmul.u32 $0x30, v4  }
0x1d: {  	v3 =	vand.u32 $0x7, v3  }
0x1e: {  	v3 =	vor.u32 v3, v4  }
0x1f: {  	v4 =	vperm.xlane v3, v0;
	_ =	sdelay $0x1  }
0x20: {  	v4 =	vadd.s32 v1, v4;
	_ =	sdelay $0x3  }
0x21: {  	v3 =	vperm.xlane v3, v2  }
0x22: {  	[tilespmem:s15], [sflag:$0x1] =	stream.indirect_vreg.gather [hbm4b:s2+s3], $0x80, v4, vm0, $0xb8;
	[tilespmem:$0x7400] =	vst v63  }
0x23: {  	v3 =	vadd.s32 v1, v3  }
0x24: {  	[tilespmem:s16], [sflag:$0x1] =	stream.indirect_vreg.gather [hbm4b:s5+s3], $0x80, v4, vm0, $0xb8;
	[tilespmem:$0x7400] =	vst v63  }
0x25: {  	_ = 	snop  }
0x26: {  	[tilespmem:s17], [sflag:$0x1] =	stream.indirect_vreg.gather [hbm4b:s6+s3], $0x80, v4, vm0, $0xb8;
	[tilespmem:$0x7400] =	vst v63  }
0x27: {  	_ = 	snop  }
0x28: {  	[tilespmem:s18], [sflag:$0x1] =	stream.indirect_vreg.gather [hbm4b:s2+s3], $0x80, v3, vm0, $0xb8;
	[tilespmem:$0x7400] =	vst v63  }
0x29: {  	_ = 	snop  }
0x2a: {  	[tilespmem:s19], [sflag:$0x1] =	stream.indirect_vreg.gather [hbm4b:s5+s3], $0x80, v3, vm0, $0xb8;
	[tilespmem:$0x7400] =	vst v63  }
0x2b: {  	_ = 	snop  }
0x2c: {  	[tilespmem:s20], [sflag:$0x1] =	stream.indirect_vreg.gather [hbm4b:s6+s3], $0x80, v3, vm0, $0xb8;
	[tilespmem:$0x7400] =	vst v63  }
0x2d: {  	v3 =	vld [tilespmem:$0x80];
	_ =	sdelay $0x4  }
0x2e: {  	v62 =	vshrl.u32 v3, $0x3  }
0x2f: {  	v4 =	vmul.u32 $0x30, v62  }
0x30: {  	v3 =	vand.u32 $0x7, v3  }
0x31: {  	v3 =	vor.u32 v3, v4  }
0x32: {  	v4 =	vperm.xlane v3, v0;
	_ =	sdelay $0x1  }
0x33: {  	v4 =	vadd.s32 v1, v4;
	_ =	sdelay $0x3  }
0x34: {  	v3 =	vperm.xlane v3, v2  }
0x35: {  	[tilespmem:s21], [sflag:$0x2] =	stream.indirect_vreg.gather [hbm4b:s2+s3], $0x80, v4, vm0, $0xb8;
	[tilespmem:$0x7400] =	vst v63  }
0x36: {  	v3 =	vadd.s32 v1, v3  }
0x37: {  	[tilespmem:s22], [sflag:$0x2] =	stream.indirect_vreg.gather [hbm4b:s5+s3], $0x80, v4, vm0, $0xb8;
	[tilespmem:$0x7400] =	vst v63  }
0x38: {  	_ = 	snop  }
0x39: {  	[tilespmem:s23], [sflag:$0x2] =	stream.indirect_vreg.gather [hbm4b:s6+s3], $0x80, v4, vm0, $0xb8;
	[tilespmem:$0x7400] =	vst v63  }
0x3a: {  	_ = 	snop  }
0x3b: {  	[tilespmem:s24], [sflag:$0x2] =	stream.indirect_vreg.gather [hbm4b:s2+s3], $0x80, v3, vm0, $0xb8;
	[tilespmem:$0x7400] =	vst v63  }
0x3c: {  	_ = 	snop  }
0x3d: {  	[tilespmem:s25], [sflag:$0x2] =	stream.indirect_vreg.gather [hbm4b:s5+s3], $0x80, v3, vm0, $0xb8;
	[tilespmem:$0x7400] =	vst v63  }
0x3e: {  	_ = 	snop  }
0x3f: {  	[tilespmem:s26], [sflag:$0x2] =	stream.indirect_vreg.gather [hbm4b:s6+s3], $0x80, v3, vm0, $0xb8;
	[tilespmem:$0x7400] =	vst v63  }
0x40: {  	_ =	swait.ge [sflag:s28], $0x3000  }
0x41: {  	[sflag:s28] =	ssyncset.done $0x0  }
0x42: {  	[sflag:s28] =	ssyncadd.s32 $0xFFFFD000  }
0x43: {  	[hbm4b:s7+s3] =	stream.linear.scatter [tilespmem:s15], [sflag:$0x3], $0x3000, $0x38;
	[tilespmem:$0x7400] =	vst v63  }
0x44: {  	_ =	swait.ge [sflag:s29], $0x3000  }
0x45: {  	[sflag:s29] =	ssyncset.done $0x0  }
0x46: {  	[sflag:s29] =	ssyncadd.s32 $0xFFFFD000  }
0x47: {  	v3 =	vld [tilespmem:$0x100];
	_ =	sdelay $0x4  }
0x48: {  	v63 =	vshrl.u32 v3, $0x3  }
0x49: {  	v4 =	vmul.u32 $0x30, v63  }
0x4a: {  	v3 =	vand.u32 $0x7, v3  }
0x4b: {  	v3 =	vor.u32 v3, v4  }
0x4c: {  	v4 =	vperm.xlane v3, v0;
	_ =	sdelay $0x1  }
0x4d: {  	v4 =	vadd.s32 v1, v4;
	_ =	sdelay $0x3  }
0x4e: {  	v3 =	vperm.xlane v3, v2  }
0x4f: {  	[tilespmem:s15], [sflag:$0x1] =	stream.indirect_vreg.gather [hbm4b:s2+s3], $0x80, v4, vm0, $0xb8;
	[tilespmem:$0x7400] =	vst v63  }
0x50: {  	v3 =	vadd.s32 v1, v3  }
0x51: {  	[tilespmem:s16], [sflag:$0x1] =	stream.indirect_vreg.gather [hbm4b:s5+s3], $0x80, v4, vm0, $0xb8;
	[tilespmem:$0x7400] =	vst v63  }
0x52: {  	_ = 	snop  }
0x53: {  	[tilespmem:s17], [sflag:$0x1] =	stream.indirect_vreg.gather [hbm4b:s6+s3], $0x80, v4, vm0, $0xb8;
	[tilespmem:$0x7400] =	vst v63  }
0x54: {  	_ = 	snop  }
0x55: {  	[tilespmem:s18], [sflag:$0x1] =	stream.indirect_vreg.gather [hbm4b:s2+s3], $0x80, v3, vm0, $0xb8;
	[tilespmem:$0x7400] =	vst v63  }
0x56: {  	_ = 	snop  }
0x57: {  	[tilespmem:s19], [sflag:$0x1] =	stream.indirect_vreg.gather [hbm4b:s5+s3], $0x80, v3, vm0, $0xb8;
	[tilespmem:$0x7400] =	vst v63  }
0x58: {  	_ = 	snop  }
0x59: {  	[tilespmem:s20], [sflag:$0x1] =	stream.indirect_vreg.gather [hbm4b:s6+s3], $0x80, v3, vm0, $0xb8;
	[tilespmem:$0x7400] =	vst v63  }
0x5a: {  	_ =	swait.ge [sflag:s30], $0x3000  }
0x5b: {  	[sflag:s30] =	ssyncset.done $0x0  }
0x5c: {  	s4 =	simm.s32 $0x0;
	s0 =	simm.s32 $0x200;
	[sflag:s30] =	ssyncadd.s32 $0xFFFFD000  }
0x5d: {  	[hbm4b:s9+s3] =	stream.linear.scatter [tilespmem:s21], [sflag:$0x4], $0x3000, $0x38;
	[tilespmem:$0x7400] =	vst v63  }
.LBB2_2:
0x5e: {  	_ =	swait.ge [sflag:s31], $0x3000  }
0x5f: {  	[sflag:s31] =	ssyncset.done $0x0  }
0x60: {  	[sflag:s31] =	ssyncadd.s32 $0xFFFFD000  }
0x61: {  	v3 =	vld [tilespmem:s0+$0xFFFFFF80];
	_ =	sdelay $0x4  }
0x62: {  	v4 =	vshrl.u32 v3, $0x3  }
0x63: {  	v4 =	vmul.u32 $0x30, v4  }
0x64: {  	v3 =	vand.u32 $0x7, v3  }
0x65: {  	v3 =	vor.u32 v3, v4  }
0x66: {  	v4 =	vperm.xlane v3, v0;
	_ =	sdelay $0x1  }
0x67: {  	v4 =	vadd.s32 v1, v4;
	_ =	sdelay $0x3  }
0x68: {  	v3 =	vperm.xlane v3, v2  }
0x69: {  	[tilespmem:s21], [sflag:$0x2] =	stream.indirect_vreg.gather [hbm4b:s2+s3], $0x80, v4, vm0, $0xb8;
	[tilespmem:$0x7400] =	vst v63  }
0x6a: {  	v3 =	vadd.s32 v1, v3  }
0x6b: {  	[tilespmem:s22], [sflag:$0x2] =	stream.indirect_vreg.gather [hbm4b:s5+s3], $0x80, v4, vm0, $0xb8;
	[tilespmem:$0x7400] =	vst v63  }
0x6c: {  	_ = 	snop  }
0x6d: {  	[tilespmem:s23], [sflag:$0x2] =	stream.indirect_vreg.gather [hbm4b:s6+s3], $0x80, v4, vm0, $0xb8;
	[tilespmem:$0x7400] =	vst v63  }
0x6e: {  	_ = 	snop  }
0x6f: {  	[tilespmem:s24], [sflag:$0x2] =	stream.indirect_vreg.gather [hbm4b:s2+s3], $0x80, v3, vm0, $0xb8;
	[tilespmem:$0x7400] =	vst v63  }
0x70: {  	_ = 	snop  }
0x71: {  	[tilespmem:s25], [sflag:$0x2] =	stream.indirect_vreg.gather [hbm4b:s5+s3], $0x80, v3, vm0, $0xb8;
	[tilespmem:$0x7400] =	vst v63  }
0x72: {  	_ = 	snop  }
0x73: {  	[tilespmem:s26], [sflag:$0x2] =	stream.indirect_vreg.gather [hbm4b:s6+s3], $0x80, v3, vm0, $0xb8;
	[tilespmem:$0x7400] =	vst v63  }
0x74: {  	_ =	swait.ge [sflag:s28], $0x3000  }
0x75: {  	[sflag:s28] =	ssyncset.done $0x0  }
0x76: {  	s8 =	sadd.s32 s4, s12;
	[sflag:s28] =	ssyncadd.s32 $0xFFFFD000  }
0x77: {  	[hbm4b:s8+s3] =	stream.linear.scatter [tilespmem:s15], [sflag:$0x3], $0x3000, $0x38;
	[tilespmem:$0x7400] =	vst v63  }
0x78: {  	_ =	swait.ge [sflag:s29], $0x3000  }
0x79: {  	[sflag:s29] =	ssyncset.done $0x0  }
0x7a: {  	[sflag:s29] =	ssyncadd.s32 $0xFFFFD000  }
0x7b: {  	v3 =	vld [tilespmem:s0+$0x0];
	_ =	sdelay $0x4  }
0x7c: {  	v63 =	vshrl.u32 v3, $0x3  }
0x7d: {  	v4 =	vmul.u32 $0x30, v63  }
0x7e: {  	v3 =	vand.u32 $0x7, v3  }
0x7f: {  	v3 =	vor.u32 v3, v4  }
0x80: {  	v4 =	vperm.xlane v3, v0;
	_ =	sdelay $0x1  }
0x81: {  	v4 =	vadd.s32 v1, v4;
	_ =	sdelay $0x3  }
0x82: {  	v3 =	vperm.xlane v3, v2  }
0x83: {  	[tilespmem:s15], [sflag:$0x1] =	stream.indirect_vreg.gather [hbm4b:s2+s3], $0x80, v4, vm0, $0xb8;
	[tilespmem:$0x7400] =	vst v63  }
0x84: {  	v3 =	vadd.s32 v1, v3  }
0x85: {  	[tilespmem:s16], [sflag:$0x1] =	stream.indirect_vreg.gather [hbm4b:s5+s3], $0x80, v4, vm0, $0xb8;
	[tilespmem:$0x7400] =	vst v63  }
0x86: {  	_ = 	snop  }
0x87: {  	[tilespmem:s17], [sflag:$0x1] =	stream.indirect_vreg.gather [hbm4b:s6+s3], $0x80, v4, vm0, $0xb8;
	[tilespmem:$0x7400] =	vst v63  }
0x88: {  	_ = 	snop  }
0x89: {  	[tilespmem:s18], [sflag:$0x1] =	stream.indirect_vreg.gather [hbm4b:s2+s3], $0x80, v3, vm0, $0xb8;
	[tilespmem:$0x7400] =	vst v63  }
0x8a: {  	_ = 	snop  }
0x8b: {  	[tilespmem:s19], [sflag:$0x1] =	stream.indirect_vreg.gather [hbm4b:s5+s3], $0x80, v3, vm0, $0xb8;
	[tilespmem:$0x7400] =	vst v63  }
0x8c: {  	p0 =	sne.s32 s4, $0xCC00  }
0x8d: {  	[tilespmem:s20], [sflag:$0x1] =	stream.indirect_vreg.gather [hbm4b:s6+s3], $0x80, v3, vm0, $0xb8;
	[tilespmem:$0x7400] =	vst v63  }
.Ltmp0:
0x8e: {  	_ = 	snop;
	(pc) =	sbr.rel @p0 .LBB2_2-.Ltmp0, $4  }
0x8f: {  	_ =	swait.ge [sflag:s30], $0x3000  }
0x90: {  	s8 =	sadd.s32 s4, s13;
	[sflag:s30] =	ssyncset.done $0x0  }
0x91: {  	s4 =	sadd.s32 $0xC00, s4;
	s0 =	sadd.s32 $0x100, s0;
	[sflag:s30] =	ssyncadd.s32 $0xFFFFD000  }
0x92: {  	[hbm4b:s8+s3] =	stream.linear.scatter [tilespmem:s21], [sflag:$0x4], $0x3000, $0x38;
	[tilespmem:$0x7400] =	vst v63  }
0x93: {  	_ =	swait.ge [sflag:s31], $0x3000  }
0x94: {  	[sflag:s31] =	ssyncset.done $0x0  }
0x95: {  	[sflag:s31] =	ssyncadd.s32 $0xFFFFD000  }
0x96: {  	v3 =	vld [tilespmem:$0x1380];
	_ =	sdelay $0x4  }
0x97: {  	v4 =	vshrl.u32 v3, $0x3  }
0x98: {  	v4 =	vmul.u32 $0x30, v4  }
0x99: {  	v3 =	vand.u32 $0x7, v3  }
0x9a: {  	v3 =	vor.u32 v3, v4  }
0x9b: {  	v4 =	vperm.xlane v3, v0;
	_ =	sdelay $0x1  }
0x9c: {  	v4 =	vadd.s32 v1, v4;
	_ =	sdelay $0x3  }
0x9d: {  	v3 =	vperm.xlane v3, v2  }
0x9e: {  	[tilespmem:s21], [sflag:$0x2] =	stream.indirect_vreg.gather [hbm4b:s2+s3], $0x80, v4, vm0, $0xb8;
	[tilespmem:$0x7400] =	vst v63  }
0x9f: {  	v3 =	vadd.s32 v1, v3  }
0xa0: {  	[tilespmem:s22], [sflag:$0x2] =	stream.indirect_vreg.gather [hbm4b:s5+s3], $0x80, v4, vm0, $0xb8;
	[tilespmem:$0x7400] =	vst v63  }
0xa1: {  	_ = 	snop  }
0xa2: {  	[tilespmem:s23], [sflag:$0x2] =	stream.indirect_vreg.gather [hbm4b:s6+s3], $0x80, v4, vm0, $0xb8;
	[tilespmem:$0x7400] =	vst v63  }
0xa3: {  	_ = 	snop  }
0xa4: {  	[tilespmem:s24], [sflag:$0x2] =	stream.indirect_vreg.gather [hbm4b:s2+s3], $0x80, v3, vm0, $0xb8;
	[tilespmem:$0x7400] =	vst v63  }
0xa5: {  	_ = 	snop  }
0xa6: {  	[tilespmem:s25], [sflag:$0x2] =	stream.indirect_vreg.gather [hbm4b:s5+s3], $0x80, v3, vm0, $0xb8;
	[tilespmem:$0x7400] =	vst v63  }
0xa7: {  	_ = 	snop  }
0xa8: {  	[tilespmem:s26], [sflag:$0x2] =	stream.indirect_vreg.gather [hbm4b:s6+s3], $0x80, v3, vm0, $0xb8;
	[tilespmem:$0x7400] =	vst v63  }
0xa9: {  	_ =	swait.ge [sflag:s28], $0x3000  }
0xaa: {  	[sflag:s28] =	ssyncset.done $0x0  }
0xab: {  	[sflag:s28] =	ssyncadd.s32 $0xFFFFD000  }
0xac: {  	[hbm4b:s10+s3] =	stream.linear.scatter [tilespmem:s15], [sflag:$0x3], $0x3000, $0x38;
	[tilespmem:$0x7400] =	vst v63  }
0xad: {  	_ =	swait.ge [sflag:s30], $0x3000  }
0xae: {  	[sflag:s30] =	ssyncset.done $0x0  }
0xaf: {  	[sflag:s30] =	ssyncadd.s32 $0xFFFFD000  }
0xb0: {  	[hbm4b:s11+s3] =	stream.linear.scatter [tilespmem:s21], [sflag:$0x4], $0x3000, $0x38;
	[tilespmem:$0x7400] =	vst v63  }
0xb1: {  	_ =	swait.ge [sflag:s29], $0x3000  }
0xb2: {  	[sflag:s29] =	ssyncset.done $0x0  }
0xb3: {  	[sflag:s29] =	ssyncadd.s32 $0xFFFFD000  }
0xb4: {  	_ =	swait.ge [sflag:s31], $0x3000  }
0xb5: {  	s1 =	sadd.s32 $0x1, s1;
	s0 =	rddreg [dreg:$0x4]  }
0xb6: {  	p0 =	sne.s32 s1, s0  }
.Ltmp1:
0xb7: {  	_ = 	snop;
	(pc) =	sbr.rel @p0 .LBB2_1-.Ltmp1, $3  }
0xb8: {  	_ =	sdelay $0x1  }
0xb9: {  	[sflag:s31] =	ssyncset.done $0x0  }
0xba: {  	[sflag:s31] =	ssyncadd.s32 $0xFFFFD000  }
0xbb: {  	_ =	sfence.sel $0x180000  }
0xbc: {  	[bflag:$0x0] =	sbarrier.arrive $0xFFFF  }
0xbd: {  	_ =	strace $0x90000053  }
0xbe: {  	s0 =	stileid.u32;
	[bflag:$0x2] =	sbarrier.arrive $0xFFFF  }
0xbf: {  	p0 =	sne.s32 s0, $0x0;
	s0 =	rddreg [dreg:$0x2]  }
0xc0: {  	s0 =	sadd.s32 @!p0 $0x100000, s0  }
0xc1: {  	[sflag:s0] =	ssyncadd.tile.s32 @!p0 $0x1;
	_ =	shalt  }
.Lfunc_end2:
_tile_overlayer_lowered:
.L_overlay_start_2:
0xc2: {  	(tag) =	ssettag $0x2  }
0xc3: {  	s0 =	rddreg [dreg:$0x0];
	s2 =	stileid.u32  }
0xc4: {  	s1 =	rddreg [dreg:$0x1];
	p0 =	sne.s32 s2, $0x0  }
0xc5: {  	s3 =	rddreg [dreg:$0x2];
	[bflag:$0x3] =	sbarrier.arrive $0xFFFF;
	s2 =	simm.s32 @!p0 $0x1C05  }
0xc6: {  	[timem:s3], [sflag:s2] =	dma.local @!p0 [hbm:s0], s1  }
0xc7: {  	s0 =	simm.s32 @!p0 $0x5  }
0xc8: {  	_ =	swait.ge @!p0 [sflag:s0], s1  }
0xc9: {  	s1 =	ssub.s32 @!p0 $0x0, s1;
	[sflag:s0] =	ssyncset.done @!p0 $0x0  }
0xca: {  	[sflag:s0] =	ssyncadd.s32 @!p0 s1  }
0xcb: {  	[bflag:$0x3] =	sbarrier.arrive $0xFFFF  }
0xcc: {  	_ =	shalt  }

</sc_bundles>
